<compile_context>
chip_gen: v7x
topology: tpu7x:2x2x1
jax: 0.10.2.dev20260603
libtpu: 0.0.44.dev20260713+nightly
codegen_flags: <defaults>
</compile_context>

<pallas_src>
import functools

import jax
import jax.numpy as jnp
from jax import lax
from jax.experimental import pallas as pl
from jax.experimental.pallas import tpu as pltpu
from jax.experimental.pallas import tpu_sc as plsc

_B = 16384
_D = 128
_V = 100000
_NW = 32
_BPW = _B // _NW
_C = 64
_NCHUNK = _BPW // _C
_NBUF = 4
_IC = 128
_NIDX = _BPW // _IC
_LANES = 16


def _sc_body(inp, inp2, uemb, pemb, ubias, pbias,
             partials, bsum_out, *rest):
    idx_u, idx_p = rest[0:2]
    u_bufs = rest[2:2 + _NBUF]
    p_bufs = rest[2 + _NBUF:2 + 2 * _NBUF]
    ub_v, pb_v, bsum_v, acc_v = rest[2 + 2 * _NBUF:6 + 2 * _NBUF]
    sems_u = rest[6 + 2 * _NBUF:6 + 3 * _NBUF]
    sems_p = rest[6 + 3 * _NBUF:6 + 4 * _NBUF]
    sem_b = rest[6 + 4 * _NBUF]
    cid = lax.axis_index("c")
    sid = lax.axis_index("s")
    wid = sid * 2 + cid
    base = wid * _BPW

    stage_u = pltpu.async_copy(inp.at[wid], idx_u, sem_b)
    stage_p = pltpu.async_copy(inp2.at[wid], idx_p, sem_b)
    stage_u.wait()
    stage_p.wait()

    def idx_slice(ref, c):
        blk, off = (c * _C) // _IC, (c * _C) % _IC
        return ref.at[blk, pl.ds(off, _C)]

    def fire(c):
        s = c % _NBUF
        return (
            pltpu.async_copy(uemb.at[idx_slice(idx_u, c)], u_bufs[s], sems_u[s]),
            pltpu.async_copy(pemb.at[idx_slice(idx_p, c)], p_bufs[s], sems_p[s]),
        )

    cps = {}
    for c in range(_NBUF - 1):
        cps[c] = fire(c)

    bias_cps = []
    for c in range(_NIDX):
        sl = pl.ds(c * _IC, _IC)
        bias_cps.append(pltpu.async_copy(
            ubias.at[idx_u.at[c]], ub_v.at[sl], sem_b))
        bias_cps.append(pltpu.async_copy(
            pbias.at[idx_p.at[c]], pb_v.at[sl], sem_b))

    accs = tuple(jnp.zeros((_LANES,), jnp.float32) for _ in range(_D // _LANES))
    for c in range(_NCHUNK):
        s = c % _NBUF
        if c + _NBUF - 1 < _NCHUNK:
            cps[c + _NBUF - 1] = fire(c + _NBUF - 1)
        cps[c][0].wait()
        cps[c][1].wait()

        ue_ref = u_bufs[s]
        pe_ref = p_bufs[s]

        def row_body(r, a, ue_ref=ue_ref, pe_ref=pe_ref):
            new = []
            for j in range(_D // _LANES):
                uv = ue_ref[r, pl.ds(j * _LANES, _LANES)]
                pv = pe_ref[r, pl.ds(j * _LANES, _LANES)]
                new.append(a[j] + uv * pv)
            return tuple(new)

        accs = lax.fori_loop(0, _C, row_body, accs)

    total = accs[0]
    for j in range(1, _D // _LANES):
        total = total + accs[j]
    acc_v[...] = total

    for cp in bias_cps:
        cp.wait()
    for g in range(_BPW // _LANES):
        sl = pl.ds(g * _LANES, _LANES)
        bsum_v[sl] = ub_v[sl] + pb_v[sl]

    pltpu.sync_copy(acc_v, partials.at[pl.ds(wid * _LANES, _LANES)])
    pltpu.sync_copy(bsum_v, bsum_out.at[pl.ds(base, _BPW)])


@functools.partial(
    pl.kernel,
    mesh=plsc.VectorSubcoreMesh(core_axis_name="c", subcore_axis_name="s"),
    out_type=[
        jax.ShapeDtypeStruct((_NW * _LANES,), jnp.float32),
        jax.ShapeDtypeStruct((_B,), jnp.float32),
    ],
    scratch_types=(
        [pltpu.VMEM((_NIDX, _IC), jnp.int32)] * 2
        + [pltpu.VMEM((_C, _D), jnp.float32)] * (2 * _NBUF)
        + [pltpu.VMEM((_BPW,), jnp.float32)] * 3
        + [pltpu.VMEM((_LANES,), jnp.float32)]
        + [pltpu.SemaphoreType.DMA] * (2 * _NBUF + 1)
    ),
)
def _sc_gather_dot(inp, inp2, uemb, pemb, ubias, pbias, *rest):
    _sc_body(inp, inp2, uemb, pemb, ubias, pbias, *rest)


def _tc_finish(partials_ref, bsum_ref, out_ref):
    s = jnp.sum(partials_ref[...])
    out_ref[...] = jax.nn.sigmoid(bsum_ref[...] + s)


def kernel(inputs, user_embedding, user_bias, product_embedding, product_bias):
    u_idx = inputs[:, 0].astype(jnp.int32).reshape(_NW, _NIDX, _IC)
    p_idx = inputs[:, 1].astype(jnp.int32).reshape(_NW, _NIDX, _IC)
    partials, bsum = _sc_gather_dot(
        u_idx, p_idx, user_embedding, product_embedding,
        user_bias.reshape(-1), product_bias.reshape(-1))

    out = pl.pallas_call(
        _tc_finish,
        out_shape=jax.ShapeDtypeStruct((_B // _D, _D), jnp.float32),
    )(partials.reshape(4, _D), bsum.reshape(_B // _D, _D))
    return out.reshape(_B, 1)

# --- scband reference (transcript-rebuilt; emitter-appended) ---
"""Pipeline reference for scband-recommender-net-60129542925 (READ-ONLY COPY).

The authoritative reference and input builder live on the scoring server;
editing this copy changes nothing except your own understanding.
"""

import jax, jax.numpy as jnp
import numpy as np

NUM_USERS = 100000
NUM_PRODUCTS = 100000
EMBED_DIM = 128
BATCH = 16384


def setup_inputs(seed: int = 0) -> dict:
    key = jax.random.key(seed)
    k1, k2, k3, k4, k5 = jax.random.split(key, 5)
    inputs = jax.random.randint(k1, (BATCH, 2), 0, NUM_USERS)
    # he_normal-style init for embedding tables (stddev ~ sqrt(2/fan_in))
    std = float(np.sqrt(2.0 / EMBED_DIM))
    user_embedding = jax.random.normal(k2, (NUM_USERS, EMBED_DIM), dtype=jnp.float32) * std
    product_embedding = jax.random.normal(k3, (NUM_PRODUCTS, EMBED_DIM), dtype=jnp.float32) * std
    user_bias = jax.random.normal(k4, (NUM_USERS, 1), dtype=jnp.float32) * 0.05
    product_bias = jax.random.normal(k5, (NUM_PRODUCTS, 1), dtype=jnp.float32) * 0.05
    return {
        "inputs": inputs,
        "user_embedding": user_embedding,
        "user_bias": user_bias,
        "product_embedding": product_embedding,
        "product_bias": product_bias,
    }


def reference(inputs, user_embedding, user_bias, product_embedding, product_bias):
    u_idx = inputs[:, 0]
    p_idx = inputs[:, 1]
    user_vector = jnp.take(user_embedding, u_idx, axis=0)      # [B, D]
    ub = jnp.take(user_bias, u_idx, axis=0)                    # [B, 1]
    product_vector = jnp.take(product_embedding, p_idx, axis=0)  # [B, D]
    pb = jnp.take(product_bias, p_idx, axis=0)                 # [B, 1]
    # Faithful to tf.tensordot(user_vector, product_vector, 2): full
    # contraction over BOTH axes, yielding a scalar (as in the original code).
    dot_user_product = jnp.tensordot(user_vector, product_vector, 2)  # scalar
    x = dot_user_product + ub + pb                             # [B, 1] via broadcast
    return jax.nn.sigmoid(x)

if __name__ == "__main__":
    import jax
    _d = setup_inputs()
    print(jax.jit(kernel)(*tuple(_d.values())))

</pallas_src>

<mosaic_0001>
#map = affine_map<(d0, d1) -> (0, 0, 0)>
#map1 = affine_map<(d0, d1) -> (0, 0)>
#map2 = affine_map<(d0, d1) -> (0)>
module attributes {stable_mosaic.version = 14 : i64} {
  func.func @_sc_gather_dot(%arg0: i32, %arg1: i32, %arg2: memref<32x4x128xi32, #tpu.memory_space<hbm>>, %arg3: memref<32x4x128xi32, #tpu.memory_space<hbm>>, %arg4: memref<100000x128xf32, #tpu.memory_space<hbm>>, %arg5: memref<100000x128xf32, #tpu.memory_space<hbm>>, %arg6: memref<100000xf32, #tpu.memory_space<hbm>>, %arg7: memref<100000xf32, #tpu.memory_space<hbm>>, %arg8: memref<512xf32, #tpu.memory_space<hbm>>, %arg9: memref<16384xf32, #tpu.memory_space<hbm>>, %arg10: memref<4x128xi32, #tpu.memory_space<vmem>>, %arg11: memref<4x128xi32, #tpu.memory_space<vmem>>, %arg12: memref<64x128xf32, #tpu.memory_space<vmem>>, %arg13: memref<64x128xf32, #tpu.memory_space<vmem>>, %arg14: memref<64x128xf32, #tpu.memory_space<vmem>>, %arg15: memref<64x128xf32, #tpu.memory_space<vmem>>, %arg16: memref<64x128xf32, #tpu.memory_space<vmem>>, %arg17: memref<64x128xf32, #tpu.memory_space<vmem>>, %arg18: memref<64x128xf32, #tpu.memory_space<vmem>>, %arg19: memref<64x128xf32, #tpu.memory_space<vmem>>, %arg20: memref<512xf32, #tpu.memory_space<vmem>>, %arg21: memref<512xf32, #tpu.memory_space<vmem>>, %arg22: memref<512xf32, #tpu.memory_space<vmem>>, %arg23: memref<16xf32, #tpu.memory_space<vmem>>, %arg24: memref<!tpu.dma_semaphore, #tpu.memory_space<semaphore_mem>>, %arg25: memref<!tpu.dma_semaphore, #tpu.memory_space<semaphore_mem>>, %arg26: memref<!tpu.dma_semaphore, #tpu.memory_space<semaphore_mem>>, %arg27: memref<!tpu.dma_semaphore, #tpu.memory_space<semaphore_mem>>, %arg28: memref<!tpu.dma_semaphore, #tpu.memory_space<semaphore_mem>>, %arg29: memref<!tpu.dma_semaphore, #tpu.memory_space<semaphore_mem>>, %arg30: memref<!tpu.dma_semaphore, #tpu.memory_space<semaphore_mem>>, %arg31: memref<!tpu.dma_semaphore, #tpu.memory_space<semaphore_mem>>, %arg32: memref<!tpu.dma_semaphore, #tpu.memory_space<semaphore_mem>>) attributes {dimension_semantics = [#tpu.dimension_semantics<core_parallel>, #tpu.dimension_semantics<subcore_parallel>], iteration_bounds = array<i64: 2, 16>, scalar_prefetch = 0 : i64, scratch_operands = 23 : i64, tpu.core_type = #tpu.core_type<sc_vector_subcore>, window_params = [{transform_indices = #map}, {transform_indices = #map}, {transform_indices = #map1}, {transform_indices = #map1}, {transform_indices = #map2}, {transform_indices = #map2}, {transform_indices = #map2}, {transform_indices = #map2}]} {
    %mul3A = arith.constant 2 : i32
    %mul3A_0 = arith.muli %arg1, %mul3A : i32
    %add3A = arith.addi %mul3A_0, %arg0 : i32
    %mul3A_1 = arith.constant 512 : i32
    %mul3A_2 = arith.muli %add3A, %mul3A_1 : i32
    %dma_start3A = arith.constant 0 : i32
    %dma_start3A_3 = arith.constant 0 : i32
    %dma_start3A_4 = tpu.memref_slice %arg2[%add3A, %dma_start3A, %dma_start3A_3] : memref<32x4x128xi32, #tpu.memory_space<hbm>> -> memref<1x4x128xi32, #tpu.memory_space<hbm>>
    %dma_start3A_5 = tpu.memref_squeeze %dma_start3A_4 : memref<1x4x128xi32, #tpu.memory_space<hbm>> -> memref<4x128xi32, #tpu.memory_space<hbm>>
    %dma_start3A_6 = arith.constant 0 : i32
    %dma_start3A_7 = arith.constant 0 : i32
    %dma_start3A_8 = tpu.memref_slice %arg2[%add3A, %dma_start3A_6, %dma_start3A_7] : memref<32x4x128xi32, #tpu.memory_space<hbm>> -> memref<1x4x128xi32, #tpu.memory_space<hbm>>
    %dma_start3A_9 = tpu.memref_squeeze %dma_start3A_8 : memref<1x4x128xi32, #tpu.memory_space<hbm>> -> memref<4x128xi32, #tpu.memory_space<hbm>>
    tpu.enqueue_dma source(%dma_start3A_9 : memref<4x128xi32, #tpu.memory_space<hbm>>) target(%arg10 : memref<4x128xi32, #tpu.memory_space<vmem>>) target_semaphore(%arg32 : memref<!tpu.dma_semaphore, #tpu.memory_space<semaphore_mem>>)
    %dma_start3A_10 = arith.constant 0 : i32
    %dma_start3A_11 = arith.constant 0 : i32
    %dma_start3A_12 = tpu.memref_slice %arg3[%add3A, %dma_start3A_10, %dma_start3A_11] : memref<32x4x128xi32, #tpu.memory_space<hbm>> -> memref<1x4x128xi32, #tpu.memory_space<hbm>>
    %dma_start3A_13 = tpu.memref_squeeze %dma_start3A_12 : memref<1x4x128xi32, #tpu.memory_space<hbm>> -> memref<4x128xi32, #tpu.memory_space<hbm>>
    %dma_start3A_14 = arith.constant 0 : i32
    %dma_start3A_15 = arith.constant 0 : i32
    %dma_start3A_16 = tpu.memref_slice %arg3[%add3A, %dma_start3A_14, %dma_start3A_15] : memref<32x4x128xi32, #tpu.memory_space<hbm>> -> memref<1x4x128xi32, #tpu.memory_space<hbm>>
    %dma_start3A_17 = tpu.memref_squeeze %dma_start3A_16 : memref<1x4x128xi32, #tpu.memory_space<hbm>> -> memref<4x128xi32, #tpu.memory_space<hbm>>
    tpu.enqueue_dma source(%dma_start3A_17 : memref<4x128xi32, #tpu.memory_space<hbm>>) target(%arg11 : memref<4x128xi32, #tpu.memory_space<vmem>>) target_semaphore(%arg32 : memref<!tpu.dma_semaphore, #tpu.memory_space<semaphore_mem>>)
    %dma_wait3A = arith.constant 0 : i32
    %dma_wait3A_18 = arith.constant 0 : i32
    %dma_wait3A_19 = tpu.memref_slice %arg2[%add3A, %dma_wait3A, %dma_wait3A_18] : memref<32x4x128xi32, #tpu.memory_space<hbm>> -> memref<1x4x128xi32, #tpu.memory_space<hbm>>
    %dma_wait3A_20 = tpu.memref_squeeze %dma_wait3A_19 : memref<1x4x128xi32, #tpu.memory_space<hbm>> -> memref<4x128xi32, #tpu.memory_space<hbm>>
    %dma_wait3A_21 = arith.constant 0 : i32
    %dma_wait3A_22 = arith.constant 0 : i32
    %dma_wait3A_23 = tpu.memref_slice %arg2[%add3A, %dma_wait3A_21, %dma_wait3A_22] : memref<32x4x128xi32, #tpu.memory_space<hbm>> -> memref<1x4x128xi32, #tpu.memory_space<hbm>>
    %dma_wait3A_24 = tpu.memref_squeeze %dma_wait3A_23 : memref<1x4x128xi32, #tpu.memory_space<hbm>> -> memref<4x128xi32, #tpu.memory_space<hbm>>
    tpu.wait_dma2 semaphore(%arg32 : memref<!tpu.dma_semaphore, #tpu.memory_space<semaphore_mem>>) src(%dma_wait3A_24 : memref<4x128xi32, #tpu.memory_space<hbm>>) dst(%arg10 : memref<4x128xi32, #tpu.memory_space<vmem>>)
    %dma_wait3A_25 = arith.constant 0 : i32
    %dma_wait3A_26 = arith.constant 0 : i32
    %dma_wait3A_27 = tpu.memref_slice %arg3[%add3A, %dma_wait3A_25, %dma_wait3A_26] : memref<32x4x128xi32, #tpu.memory_space<hbm>> -> memref<1x4x128xi32, #tpu.memory_space<hbm>>
    %dma_wait3A_28 = tpu.memref_squeeze %dma_wait3A_27 : memref<1x4x128xi32, #tpu.memory_space<hbm>> -> memref<4x128xi32, #tpu.memory_space<hbm>>
    %dma_wait3A_29 = arith.constant 0 : i32
    %dma_wait3A_30 = arith.constant 0 : i32
    %dma_wait3A_31 = tpu.memref_slice %arg3[%add3A, %dma_wait3A_29, %dma_wait3A_30] : memref<32x4x128xi32, #tpu.memory_space<hbm>> -> memref<1x4x128xi32, #tpu.memory_space<hbm>>
    %dma_wait3A_32 = tpu.memref_squeeze %dma_wait3A_31 : memref<1x4x128xi32, #tpu.memory_space<hbm>> -> memref<4x128xi32, #tpu.memory_space<hbm>>
    tpu.wait_dma2 semaphore(%arg32 : memref<!tpu.dma_semaphore, #tpu.memory_space<semaphore_mem>>) src(%dma_wait3A_32 : memref<4x128xi32, #tpu.memory_space<hbm>>) dst(%arg11 : memref<4x128xi32, #tpu.memory_space<vmem>>)
    %dma_start3A_33 = arith.constant 0 : i32
    %dma_start3A_34 = arith.constant 0 : i32
    %dma_start3A_35 = tpu.memref_slice %arg10[%dma_start3A_33, %dma_start3A_34] : memref<4x128xi32, #tpu.memory_space<vmem>> -> memref<1x64xi32, #tpu.memory_space<vmem>>
    %dma_start3A_36 = tpu.memref_squeeze %dma_start3A_35 : memref<1x64xi32, #tpu.memory_space<vmem>> -> memref<64xi32, #tpu.memory_space<vmem>>
    %dma_start3A_37 = arith.constant 0 : i32
    %dma_start3A_38 = arith.constant 0 : i32
    %dma_start3A_39 = tpu.memref_slice %arg4[%dma_start3A_37, %dma_start3A_38] : memref<100000x128xf32, #tpu.memory_space<hbm>> -> memref<100000x128xf32, #tpu.memory_space<hbm>>
    tpu.enqueue_indirect_dma source(%dma_start3A_39 : memref<100000x128xf32, #tpu.memory_space<hbm>>) target(%arg12 : memref<64x128xf32, #tpu.memory_space<vmem>>) offsets(%dma_start3A_36 : memref<64xi32, #tpu.memory_space<vmem>>) semaphore(%arg24 : memref<!tpu.dma_semaphore, #tpu.memory_space<semaphore_mem>>)
    %dma_start3A_40 = arith.constant 0 : i32
    %dma_start3A_41 = arith.constant 0 : i32
    %dma_start3A_42 = tpu.memref_slice %arg11[%dma_start3A_40, %dma_start3A_41] : memref<4x128xi32, #tpu.memory_space<vmem>> -> memref<1x64xi32, #tpu.memory_space<vmem>>
    %dma_start3A_43 = tpu.memref_squeeze %dma_start3A_42 : memref<1x64xi32, #tpu.memory_space<vmem>> -> memref<64xi32, #tpu.memory_space<vmem>>
    %dma_start3A_44 = arith.constant 0 : i32
    %dma_start3A_45 = arith.constant 0 : i32
    %dma_start3A_46 = tpu.memref_slice %arg5[%dma_start3A_44, %dma_start3A_45] : memref<100000x128xf32, #tpu.memory_space<hbm>> -> memref<100000x128xf32, #tpu.memory_space<hbm>>
    tpu.enqueue_indirect_dma source(%dma_start3A_46 : memref<100000x128xf32, #tpu.memory_space<hbm>>) target(%arg16 : memref<64x128xf32, #tpu.memory_space<vmem>>) offsets(%dma_start3A_43 : memref<64xi32, #tpu.memory_space<vmem>>) semaphore(%arg28 : memref<!tpu.dma_semaphore, #tpu.memory_space<semaphore_mem>>)
    %dma_start3A_47 = arith.constant 0 : i32
    %dma_start3A_48 = arith.constant 64 : i32
    %dma_start3A_49 = tpu.memref_slice %arg10[%dma_start3A_47, %dma_start3A_48] : memref<4x128xi32, #tpu.memory_space<vmem>> -> memref<1x64xi32, #tpu.memory_space<vmem>>
    %dma_start3A_50 = tpu.memref_squeeze %dma_start3A_49 : memref<1x64xi32, #tpu.memory_space<vmem>> -> memref<64xi32, #tpu.memory_space<vmem>>
    %dma_start3A_51 = arith.constant 0 : i32
    %dma_start3A_52 = arith.constant 0 : i32
    %dma_start3A_53 = tpu.memref_slice %arg4[%dma_start3A_51, %dma_start3A_52] : memref<100000x128xf32, #tpu.memory_space<hbm>> -> memref<100000x128xf32, #tpu.memory_space<hbm>>
    tpu.enqueue_indirect_dma source(%dma_start3A_53 : memref<100000x128xf32, #tpu.memory_space<hbm>>) target(%arg13 : memref<64x128xf32, #tpu.memory_space<vmem>>) offsets(%dma_start3A_50 : memref<64xi32, #tpu.memory_space<vmem>>) semaphore(%arg25 : memref<!tpu.dma_semaphore, #tpu.memory_space<semaphore_mem>>)
    %dma_start3A_54 = arith.constant 0 : i32
    %dma_start3A_55 = arith.constant 64 : i32
    %dma_start3A_56 = tpu.memref_slice %arg11[%dma_start3A_54, %dma_start3A_55] : memref<4x128xi32, #tpu.memory_space<vmem>> -> memref<1x64xi32, #tpu.memory_space<vmem>>
    %dma_start3A_57 = tpu.memref_squeeze %dma_start3A_56 : memref<1x64xi32, #tpu.memory_space<vmem>> -> memref<64xi32, #tpu.memory_space<vmem>>
    %dma_start3A_58 = arith.constant 0 : i32
    %dma_start3A_59 = arith.constant 0 : i32
    %dma_start3A_60 = tpu.memref_slice %arg5[%dma_start3A_58, %dma_start3A_59] : memref<100000x128xf32, #tpu.memory_space<hbm>> -> memref<100000x128xf32, #tpu.memory_space<hbm>>
    tpu.enqueue_indirect_dma source(%dma_start3A_60 : memref<100000x128xf32, #tpu.memory_space<hbm>>) target(%arg17 : memref<64x128xf32, #tpu.memory_space<vmem>>) offsets(%dma_start3A_57 : memref<64xi32, #tpu.memory_space<vmem>>) semaphore(%arg29 : memref<!tpu.dma_semaphore, #tpu.memory_space<semaphore_mem>>)
    %dma_start3A_61 = arith.constant 1 : i32
    %dma_start3A_62 = arith.constant 0 : i32
    %dma_start3A_63 = tpu.memref_slice %arg10[%dma_start3A_61, %dma_start3A_62] : memref<4x128xi32, #tpu.memory_space<vmem>> -> memref<1x64xi32, #tpu.memory_space<vmem>>
    %dma_start3A_64 = tpu.memref_squeeze %dma_start3A_63 : memref<1x64xi32, #tpu.memory_space<vmem>> -> memref<64xi32, #tpu.memory_space<vmem>>
    %dma_start3A_65 = arith.constant 0 : i32
    %dma_start3A_66 = arith.constant 0 : i32
    %dma_start3A_67 = tpu.memref_slice %arg4[%dma_start3A_65, %dma_start3A_66] : memref<100000x128xf32, #tpu.memory_space<hbm>> -> memref<100000x128xf32, #tpu.memory_space<hbm>>
    tpu.enqueue_indirect_dma source(%dma_start3A_67 : memref<100000x128xf32, #tpu.memory_space<hbm>>) target(%arg14 : memref<64x128xf32, #tpu.memory_space<vmem>>) offsets(%dma_start3A_64 : memref<64xi32, #tpu.memory_space<vmem>>) semaphore(%arg26 : memref<!tpu.dma_semaphore, #tpu.memory_space<semaphore_mem>>)
    %dma_start3A_68 = arith.constant 1 : i32
    %dma_start3A_69 = arith.constant 0 : i32
    %dma_start3A_70 = tpu.memref_slice %arg11[%dma_start3A_68, %dma_start3A_69] : memref<4x128xi32, #tpu.memory_space<vmem>> -> memref<1x64xi32, #tpu.memory_space<vmem>>
    %dma_start3A_71 = tpu.memref_squeeze %dma_start3A_70 : memref<1x64xi32, #tpu.memory_space<vmem>> -> memref<64xi32, #tpu.memory_space<vmem>>
    %dma_start3A_72 = arith.constant 0 : i32
    %dma_start3A_73 = arith.constant 0 : i32
    %dma_start3A_74 = tpu.memref_slice %arg5[%dma_start3A_72, %dma_start3A_73] : memref<100000x128xf32, #tpu.memory_space<hbm>> -> memref<100000x128xf32, #tpu.memory_space<hbm>>
    tpu.enqueue_indirect_dma source(%dma_start3A_74 : memref<100000x128xf32, #tpu.memory_space<hbm>>) target(%arg18 : memref<64x128xf32, #tpu.memory_space<vmem>>) offsets(%dma_start3A_71 : memref<64xi32, #tpu.memory_space<vmem>>) semaphore(%arg30 : memref<!tpu.dma_semaphore, #tpu.memory_space<semaphore_mem>>)
    %dma_start3A_75 = arith.constant 0 : i32
    %dma_start3A_76 = arith.constant 0 : i32
    %dma_start3A_77 = tpu.memref_slice %arg20[%dma_start3A_76] : memref<512xf32, #tpu.memory_space<vmem>> -> memref<128xf32, #tpu.memory_space<vmem>>
    %dma_start3A_78 = arith.constant 0 : i32
    %dma_start3A_79 = tpu.memref_slice %arg10[%dma_start3A_75, %dma_start3A_78] : memref<4x128xi32, #tpu.memory_space<vmem>> -> memref<1x128xi32, #tpu.memory_space<vmem>>
    %dma_start3A_80 = tpu.memref_squeeze %dma_start3A_79 : memref<1x128xi32, #tpu.memory_space<vmem>> -> memref<128xi32, #tpu.memory_space<vmem>>
    %dma_start3A_81 = arith.constant 0 : i32
    %dma_start3A_82 = tpu.memref_slice %arg6[%dma_start3A_81] : memref<100000xf32, #tpu.memory_space<hbm>> -> memref<100000xf32, #tpu.memory_space<hbm>>
    tpu.enqueue_indirect_dma source(%dma_start3A_82 : memref<100000xf32, #tpu.memory_space<hbm>>) target(%dma_start3A_77 : memref<128xf32, #tpu.memory_space<vmem>>) offsets(%dma_start3A_80 : memref<128xi32, #tpu.memory_space<vmem>>) semaphore(%arg32 : memref<!tpu.dma_semaphore, #tpu.memory_space<semaphore_mem>>)
    %dma_start3A_83 = arith.constant 0 : i32
    %dma_start3A_84 = arith.constant 0 : i32
    %dma_start3A_85 = tpu.memref_slice %arg21[%dma_start3A_84] : memref<512xf32, #tpu.memory_space<vmem>> -> memref<128xf32, #tpu.memory_space<vmem>>
    %dma_start3A_86 = arith.constant 0 : i32
    %dma_start3A_87 = tpu.memref_slice %arg11[%dma_start3A_83, %dma_start3A_86] : memref<4x128xi32, #tpu.memory_space<vmem>> -> memref<1x128xi32, #tpu.memory_space<vmem>>
    %dma_start3A_88 = tpu.memref_squeeze %dma_start3A_87 : memref<1x128xi32, #tpu.memory_space<vmem>> -> memref<128xi32, #tpu.memory_space<vmem>>
    %dma_start3A_89 = arith.constant 0 : i32
    %dma_start3A_90 = tpu.memref_slice %arg7[%dma_start3A_89] : memref<100000xf32, #tpu.memory_space<hbm>> -> memref<100000xf32, #tpu.memory_space<hbm>>
    tpu.enqueue_indirect_dma source(%dma_start3A_90 : memref<100000xf32, #tpu.memory_space<hbm>>) target(%dma_start3A_85 : memref<128xf32, #tpu.memory_space<vmem>>) offsets(%dma_start3A_88 : memref<128xi32, #tpu.memory_space<vmem>>) semaphore(%arg32 : memref<!tpu.dma_semaphore, #tpu.memory_space<semaphore_mem>>)
    %dma_start3A_91 = arith.constant 1 : i32
    %dma_start3A_92 = arith.constant 128 : i32
    %dma_start3A_93 = tpu.memref_slice %arg20[%dma_start3A_92] : memref<512xf32, #tpu.memory_space<vmem>> -> memref<128xf32, #tpu.memory_space<vmem>>
    %dma_start3A_94 = arith.constant 0 : i32
    %dma_start3A_95 = tpu.memref_slice %arg10[%dma_start3A_91, %dma_start3A_94] : memref<4x128xi32, #tpu.memory_space<vmem>> -> memref<1x128xi32, #tpu.memory_space<vmem>>
    %dma_start3A_96 = tpu.memref_squeeze %dma_start3A_95 : memref<1x128xi32, #tpu.memory_space<vmem>> -> memref<128xi32, #tpu.memory_space<vmem>>
    %dma_start3A_97 = arith.constant 0 : i32
    %dma_start3A_98 = tpu.memref_slice %arg6[%dma_start3A_97] : memref<100000xf32, #tpu.memory_space<hbm>> -> memref<100000xf32, #tpu.memory_space<hbm>>
    tpu.enqueue_indirect_dma source(%dma_start3A_98 : memref<100000xf32, #tpu.memory_space<hbm>>) target(%dma_start3A_93 : memref<128xf32, #tpu.memory_space<vmem>>) offsets(%dma_start3A_96 : memref<128xi32, #tpu.memory_space<vmem>>) semaphore(%arg32 : memref<!tpu.dma_semaphore, #tpu.memory_space<semaphore_mem>>)
    %dma_start3A_99 = arith.constant 1 : i32
    %dma_start3A_100 = arith.constant 128 : i32
    %dma_start3A_101 = tpu.memref_slice %arg21[%dma_start3A_100] : memref<512xf32, #tpu.memory_space<vmem>> -> memref<128xf32, #tpu.memory_space<vmem>>
    %dma_start3A_102 = arith.constant 0 : i32
    %dma_start3A_103 = tpu.memref_slice %arg11[%dma_start3A_99, %dma_start3A_102] : memref<4x128xi32, #tpu.memory_space<vmem>> -> memref<1x128xi32, #tpu.memory_space<vmem>>
    %dma_start3A_104 = tpu.memref_squeeze %dma_start3A_103 : memref<1x128xi32, #tpu.memory_space<vmem>> -> memref<128xi32, #tpu.memory_space<vmem>>
    %dma_start3A_105 = arith.constant 0 : i32
    %dma_start3A_106 = tpu.memref_slice %arg7[%dma_start3A_105] : memref<100000xf32, #tpu.memory_space<hbm>> -> memref<100000xf32, #tpu.memory_space<hbm>>
    tpu.enqueue_indirect_dma source(%dma_start3A_106 : memref<100000xf32, #tpu.memory_space<hbm>>) target(%dma_start3A_101 : memref<128xf32, #tpu.memory_space<vmem>>) offsets(%dma_start3A_104 : memref<128xi32, #tpu.memory_space<vmem>>) semaphore(%arg32 : memref<!tpu.dma_semaphore, #tpu.memory_space<semaphore_mem>>)
    %dma_start3A_107 = arith.constant 2 : i32
    %dma_start3A_108 = arith.constant 256 : i32
    %dma_start3A_109 = tpu.memref_slice %arg20[%dma_start3A_108] : memref<512xf32, #tpu.memory_space<vmem>> -> memref<128xf32, #tpu.memory_space<vmem>>
    %dma_start3A_110 = arith.constant 0 : i32
    %dma_start3A_111 = tpu.memref_slice %arg10[%dma_start3A_107, %dma_start3A_110] : memref<4x128xi32, #tpu.memory_space<vmem>> -> memref<1x128xi32, #tpu.memory_space<vmem>>
    %dma_start3A_112 = tpu.memref_squeeze %dma_start3A_111 : memref<1x128xi32, #tpu.memory_space<vmem>> -> memref<128xi32, #tpu.memory_space<vmem>>
    %dma_start3A_113 = arith.constant 0 : i32
    %dma_start3A_114 = tpu.memref_slice %arg6[%dma_start3A_113] : memref<100000xf32, #tpu.memory_space<hbm>> -> memref<100000xf32, #tpu.memory_space<hbm>>
    tpu.enqueue_indirect_dma source(%dma_start3A_114 : memref<100000xf32, #tpu.memory_space<hbm>>) target(%dma_start3A_109 : memref<128xf32, #tpu.memory_space<vmem>>) offsets(%dma_start3A_112 : memref<128xi32, #tpu.memory_space<vmem>>) semaphore(%arg32 : memref<!tpu.dma_semaphore, #tpu.memory_space<semaphore_mem>>)
    %dma_start3A_115 = arith.constant 2 : i32
    %dma_start3A_116 = arith.constant 256 : i32
    %dma_start3A_117 = tpu.memref_slice %arg21[%dma_start3A_116] : memref<512xf32, #tpu.memory_space<vmem>> -> memref<128xf32, #tpu.memory_space<vmem>>
    %dma_start3A_118 = arith.constant 0 : i32
    %dma_start3A_119 = tpu.memref_slice %arg11[%dma_start3A_115, %dma_start3A_118] : memref<4x128xi32, #tpu.memory_space<vmem>> -> memref<1x128xi32, #tpu.memory_space<vmem>>
    %dma_start3A_120 = tpu.memref_squeeze %dma_start3A_119 : memref<1x128xi32, #tpu.memory_space<vmem>> -> memref<128xi32, #tpu.memory_space<vmem>>
    %dma_start3A_121 = arith.constant 0 : i32
    %dma_start3A_122 = tpu.memref_slice %arg7[%dma_start3A_121] : memref<100000xf32, #tpu.memory_space<hbm>> -> memref<100000xf32, #tpu.memory_space<hbm>>
    tpu.enqueue_indirect_dma source(%dma_start3A_122 : memref<100000xf32, #tpu.memory_space<hbm>>) target(%dma_start3A_117 : memref<128xf32, #tpu.memory_space<vmem>>) offsets(%dma_start3A_120 : memref<128xi32, #tpu.memory_space<vmem>>) semaphore(%arg32 : memref<!tpu.dma_semaphore, #tpu.memory_space<semaphore_mem>>)
    %dma_start3A_123 = arith.constant 3 : i32
    %dma_start3A_124 = arith.constant 384 : i32
    %dma_start3A_125 = tpu.memref_slice %arg20[%dma_start3A_124] : memref<512xf32, #tpu.memory_space<vmem>> -> memref<128xf32, #tpu.memory_space<vmem>>
    %dma_start3A_126 = arith.constant 0 : i32
    %dma_start3A_127 = tpu.memref_slice %arg10[%dma_start3A_123, %dma_start3A_126] : memref<4x128xi32, #tpu.memory_space<vmem>> -> memref<1x128xi32, #tpu.memory_space<vmem>>
    %dma_start3A_128 = tpu.memref_squeeze %dma_start3A_127 : memref<1x128xi32, #tpu.memory_space<vmem>> -> memref<128xi32, #tpu.memory_space<vmem>>
    %dma_start3A_129 = arith.constant 0 : i32
    %dma_start3A_130 = tpu.memref_slice %arg6[%dma_start3A_129] : memref<100000xf32, #tpu.memory_space<hbm>> -> memref<100000xf32, #tpu.memory_space<hbm>>
    tpu.enqueue_indirect_dma source(%dma_start3A_130 : memref<100000xf32, #tpu.memory_space<hbm>>) target(%dma_start3A_125 : memref<128xf32, #tpu.memory_space<vmem>>) offsets(%dma_start3A_128 : memref<128xi32, #tpu.memory_space<vmem>>) semaphore(%arg32 : memref<!tpu.dma_semaphore, #tpu.memory_space<semaphore_mem>>)
    %dma_start3A_131 = arith.constant 3 : i32
    %dma_start3A_132 = arith.constant 384 : i32
    %dma_start3A_133 = tpu.memref_slice %arg21[%dma_start3A_132] : memref<512xf32, #tpu.memory_space<vmem>> -> memref<128xf32, #tpu.memory_space<vmem>>
    %dma_start3A_134 = arith.constant 0 : i32
    %dma_start3A_135 = tpu.memref_slice %arg11[%dma_start3A_131, %dma_start3A_134] : memref<4x128xi32, #tpu.memory_space<vmem>> -> memref<1x128xi32, #tpu.memory_space<vmem>>
    %dma_start3A_136 = tpu.memref_squeeze %dma_start3A_135 : memref<1x128xi32, #tpu.memory_space<vmem>> -> memref<128xi32, #tpu.memory_space<vmem>>
    %dma_start3A_137 = arith.constant 0 : i32
    %dma_start3A_138 = tpu.memref_slice %arg7[%dma_start3A_137] : memref<100000xf32, #tpu.memory_space<hbm>> -> memref<100000xf32, #tpu.memory_space<hbm>>
    tpu.enqueue_indirect_dma source(%dma_start3A_138 : memref<100000xf32, #tpu.memory_space<hbm>>) target(%dma_start3A_133 : memref<128xf32, #tpu.memory_space<vmem>>) offsets(%dma_start3A_136 : memref<128xi32, #tpu.memory_space<vmem>>) semaphore(%arg32 : memref<!tpu.dma_semaphore, #tpu.memory_space<semaphore_mem>>)
    %broadcast_in_dim3A = arith.constant 0.000000e+00 : f32
    %broadcast_in_dim3A_139 = vector.broadcast %broadcast_in_dim3A : f32 to vector<16xf32>
    %broadcast_in_dim3A_140 = arith.constant 0.000000e+00 : f32
    %broadcast_in_dim3A_141 = vector.broadcast %broadcast_in_dim3A_140 : f32 to vector<16xf32>
    %broadcast_in_dim3A_142 = arith.constant 0.000000e+00 : f32
    %broadcast_in_dim3A_143 = vector.broadcast %broadcast_in_dim3A_142 : f32 to vector<16xf32>
    %broadcast_in_dim3A_144 = arith.constant 0.000000e+00 : f32
    %broadcast_in_dim3A_145 = vector.broadcast %broadcast_in_dim3A_144 : f32 to vector<16xf32>
    %broadcast_in_dim3A_146 = arith.constant 0.000000e+00 : f32
    %broadcast_in_dim3A_147 = vector.broadcast %broadcast_in_dim3A_146 : f32 to vector<16xf32>
    %broadcast_in_dim3A_148 = arith.constant 0.000000e+00 : f32
    %broadcast_in_dim3A_149 = vector.broadcast %broadcast_in_dim3A_148 : f32 to vector<16xf32>
    %broadcast_in_dim3A_150 = arith.constant 0.000000e+00 : f32
    %broadcast_in_dim3A_151 = vector.broadcast %broadcast_in_dim3A_150 : f32 to vector<16xf32>
    %broadcast_in_dim3A_152 = arith.constant 0.000000e+00 : f32
    %broadcast_in_dim3A_153 = vector.broadcast %broadcast_in_dim3A_152 : f32 to vector<16xf32>
    %dma_start3A_154 = arith.constant 1 : i32
    %dma_start3A_155 = arith.constant 64 : i32
    %dma_start3A_156 = tpu.memref_slice %arg10[%dma_start3A_154, %dma_start3A_155] : memref<4x128xi32, #tpu.memory_space<vmem>> -> memref<1x64xi32, #tpu.memory_space<vmem>>
    %dma_start3A_157 = tpu.memref_squeeze %dma_start3A_156 : memref<1x64xi32, #tpu.memory_space<vmem>> -> memref<64xi32, #tpu.memory_space<vmem>>
    %dma_start3A_158 = arith.constant 0 : i32
    %dma_start3A_159 = arith.constant 0 : i32
    %dma_start3A_160 = tpu.memref_slice %arg4[%dma_start3A_158, %dma_start3A_159] : memref<100000x128xf32, #tpu.memory_space<hbm>> -> memref<100000x128xf32, #tpu.memory_space<hbm>>
    tpu.enqueue_indirect_dma source(%dma_start3A_160 : memref<100000x128xf32, #tpu.memory_space<hbm>>) target(%arg15 : memref<64x128xf32, #tpu.memory_space<vmem>>) offsets(%dma_start3A_157 : memref<64xi32, #tpu.memory_space<vmem>>) semaphore(%arg27 : memref<!tpu.dma_semaphore, #tpu.memory_space<semaphore_mem>>)
    %dma_start3A_161 = arith.constant 1 : i32
    %dma_start3A_162 = arith.constant 64 : i32
    %dma_start3A_163 = tpu.memref_slice %arg11[%dma_start3A_161, %dma_start3A_162] : memref<4x128xi32, #tpu.memory_space<vmem>> -> memref<1x64xi32, #tpu.memory_space<vmem>>
    %dma_start3A_164 = tpu.memref_squeeze %dma_start3A_163 : memref<1x64xi32, #tpu.memory_space<vmem>> -> memref<64xi32, #tpu.memory_space<vmem>>
    %dma_start3A_165 = arith.constant 0 : i32
    %dma_start3A_166 = arith.constant 0 : i32
    %dma_start3A_167 = tpu.memref_slice %arg5[%dma_start3A_165, %dma_start3A_166] : memref<100000x128xf32, #tpu.memory_space<hbm>> -> memref<100000x128xf32, #tpu.memory_space<hbm>>
    tpu.enqueue_indirect_dma source(%dma_start3A_167 : memref<100000x128xf32, #tpu.memory_space<hbm>>) target(%arg19 : memref<64x128xf32, #tpu.memory_space<vmem>>) offsets(%dma_start3A_164 : memref<64xi32, #tpu.memory_space<vmem>>) semaphore(%arg31 : memref<!tpu.dma_semaphore, #tpu.memory_space<semaphore_mem>>)
    %dma_wait3A_168 = arith.constant 0 : i32
    %dma_wait3A_169 = arith.constant 0 : i32
    %dma_wait3A_170 = tpu.memref_slice %arg10[%dma_wait3A_168, %dma_wait3A_169] : memref<4x128xi32, #tpu.memory_space<vmem>> -> memref<1x64xi32, #tpu.memory_space<vmem>>
    %dma_wait3A_171 = tpu.memref_squeeze %dma_wait3A_170 : memref<1x64xi32, #tpu.memory_space<vmem>> -> memref<64xi32, #tpu.memory_space<vmem>>
    %dma_wait3A_172 = arith.constant 0 : i32
    %dma_wait3A_173 = arith.constant 0 : i32
    %dma_wait3A_174 = tpu.memref_slice %arg4[%dma_wait3A_172, %dma_wait3A_173] : memref<100000x128xf32, #tpu.memory_space<hbm>> -> memref<100000x128xf32, #tpu.memory_space<hbm>>
    tpu.wait_indirect_dma semaphore(%arg24 : memref<!tpu.dma_semaphore, #tpu.memory_space<semaphore_mem>>) src(%dma_wait3A_174 : memref<100000x128xf32, #tpu.memory_space<hbm>>) dst(%arg12 : memref<64x128xf32, #tpu.memory_space<vmem>>)
    %dma_wait3A_175 = arith.constant 0 : i32
    %dma_wait3A_176 = arith.constant 0 : i32
    %dma_wait3A_177 = tpu.memref_slice %arg11[%dma_wait3A_175, %dma_wait3A_176] : memref<4x128xi32, #tpu.memory_space<vmem>> -> memref<1x64xi32, #tpu.memory_space<vmem>>
    %dma_wait3A_178 = tpu.memref_squeeze %dma_wait3A_177 : memref<1x64xi32, #tpu.memory_space<vmem>> -> memref<64xi32, #tpu.memory_space<vmem>>
    %dma_wait3A_179 = arith.constant 0 : i32
    %dma_wait3A_180 = arith.constant 0 : i32
    %dma_wait3A_181 = tpu.memref_slice %arg5[%dma_wait3A_179, %dma_wait3A_180] : memref<100000x128xf32, #tpu.memory_space<hbm>> -> memref<100000x128xf32, #tpu.memory_space<hbm>>
    tpu.wait_indirect_dma semaphore(%arg28 : memref<!tpu.dma_semaphore, #tpu.memory_space<semaphore_mem>>) src(%dma_wait3A_181 : memref<100000x128xf32, #tpu.memory_space<hbm>>) dst(%arg16 : memref<64x128xf32, #tpu.memory_space<vmem>>)
    %scan3A = arith.constant 0 : i32
    %scan3A_182 = arith.constant 64 : i32
    %scan3A_183 = arith.addi %scan3A, %scan3A_182 : i32
    %scan3A_184 = arith.constant 1 : i32
    %scan3A_185:8 = scf.for %scan3A_810 = %scan3A to %scan3A_183 step %scan3A_184 iter_args(%scan3A_811 = %broadcast_in_dim3A_139, %scan3A_812 = %broadcast_in_dim3A_141, %scan3A_813 = %broadcast_in_dim3A_143, %scan3A_814 = %broadcast_in_dim3A_145, %scan3A_815 = %broadcast_in_dim3A_147, %scan3A_816 = %broadcast_in_dim3A_149, %scan3A_817 = %broadcast_in_dim3A_151, %scan3A_818 = %broadcast_in_dim3A_153) -> (vector<16xf32>, vector<16xf32>, vector<16xf32>, vector<16xf32>, vector<16xf32>, vector<16xf32>, vector<16xf32>, vector<16xf32>)  : i32 {
      %get3A_819 = arith.index_cast %scan3A_810 : i32 to index
      %get3A_820 = arith.constant 0 : index
      %get3A_821 = tpu.vector_load %arg12[%get3A_819, %get3A_820] {strides = array<i32>} : memref<64x128xf32, #tpu.memory_space<vmem>>, vector<1x16xf32>,
      %get3A_822 = vector.shape_cast %get3A_821 : vector<1x16xf32> to vector<16xf32>
      %get3A_823 = arith.index_cast %scan3A_810 : i32 to index
      %get3A_824 = arith.constant 0 : index
      %get3A_825 = tpu.vector_load %arg16[%get3A_823, %get3A_824] {strides = array<i32>} : memref<64x128xf32, #tpu.memory_space<vmem>>, vector<1x16xf32>,
      %get3A_826 = vector.shape_cast %get3A_825 : vector<1x16xf32> to vector<16xf32>
      %mul3A_827 = arith.mulf %get3A_822, %get3A_826 : vector<16xf32>
      %add3A_828 = arith.addf %scan3A_811, %mul3A_827 : vector<16xf32>
      %get3A_829 = arith.index_cast %scan3A_810 : i32 to index
      %get3A_830 = arith.constant 16 : index
      %get3A_831 = tpu.vector_load %arg12[%get3A_829, %get3A_830] {strides = array<i32>} : memref<64x128xf32, #tpu.memory_space<vmem>>, vector<1x16xf32>,
      %get3A_832 = vector.shape_cast %get3A_831 : vector<1x16xf32> to vector<16xf32>
      %get3A_833 = arith.index_cast %scan3A_810 : i32 to index
      %get3A_834 = arith.constant 16 : index
      %get3A_835 = tpu.vector_load %arg16[%get3A_833, %get3A_834] {strides = array<i32>} : memref<64x128xf32, #tpu.memory_space<vmem>>, vector<1x16xf32>,
      %get3A_836 = vector.shape_cast %get3A_835 : vector<1x16xf32> to vector<16xf32>
      %mul3A_837 = arith.mulf %get3A_832, %get3A_836 : vector<16xf32>
      %add3A_838 = arith.addf %scan3A_812, %mul3A_837 : vector<16xf32>
      %get3A_839 = arith.index_cast %scan3A_810 : i32 to index
      %get3A_840 = arith.constant 32 : index
      %get3A_841 = tpu.vector_load %arg12[%get3A_839, %get3A_840] {strides = array<i32>} : memref<64x128xf32, #tpu.memory_space<vmem>>, vector<1x16xf32>,
      %get3A_842 = vector.shape_cast %get3A_841 : vector<1x16xf32> to vector<16xf32>
      %get3A_843 = arith.index_cast %scan3A_810 : i32 to index
      %get3A_844 = arith.constant 32 : index
      %get3A_845 = tpu.vector_load %arg16[%get3A_843, %get3A_844] {strides = array<i32>} : memref<64x128xf32, #tpu.memory_space<vmem>>, vector<1x16xf32>,
      %get3A_846 = vector.shape_cast %get3A_845 : vector<1x16xf32> to vector<16xf32>
      %mul3A_847 = arith.mulf %get3A_842, %get3A_846 : vector<16xf32>
      %add3A_848 = arith.addf %scan3A_813, %mul3A_847 : vector<16xf32>
      %get3A_849 = arith.index_cast %scan3A_810 : i32 to index
      %get3A_850 = arith.constant 48 : index
      %get3A_851 = tpu.vector_load %arg12[%get3A_849, %get3A_850] {strides = array<i32>} : memref<64x128xf32, #tpu.memory_space<vmem>>, vector<1x16xf32>,
      %get3A_852 = vector.shape_cast %get3A_851 : vector<1x16xf32> to vector<16xf32>
      %get3A_853 = arith.index_cast %scan3A_810 : i32 to index
      %get3A_854 = arith.constant 48 : index
      %get3A_855 = tpu.vector_load %arg16[%get3A_853, %get3A_854] {strides = array<i32>} : memref<64x128xf32, #tpu.memory_space<vmem>>, vector<1x16xf32>,
      %get3A_856 = vector.shape_cast %get3A_855 : vector<1x16xf32> to vector<16xf32>
      %mul3A_857 = arith.mulf %get3A_852, %get3A_856 : vector<16xf32>
      %add3A_858 = arith.addf %scan3A_814, %mul3A_857 : vector<16xf32>
      %get3A_859 = arith.index_cast %scan3A_810 : i32 to index
      %get3A_860 = arith.constant 64 : index
      %get3A_861 = tpu.vector_load %arg12[%get3A_859, %get3A_860] {strides = array<i32>} : memref<64x128xf32, #tpu.memory_space<vmem>>, vector<1x16xf32>,
      %get3A_862 = vector.shape_cast %get3A_861 : vector<1x16xf32> to vector<16xf32>
      %get3A_863 = arith.index_cast %scan3A_810 : i32 to index
      %get3A_864 = arith.constant 64 : index
      %get3A_865 = tpu.vector_load %arg16[%get3A_863, %get3A_864] {strides = array<i32>} : memref<64x128xf32, #tpu.memory_space<vmem>>, vector<1x16xf32>,
      %get3A_866 = vector.shape_cast %get3A_865 : vector<1x16xf32> to vector<16xf32>
      %mul3A_867 = arith.mulf %get3A_862, %get3A_866 : vector<16xf32>
      %add3A_868 = arith.addf %scan3A_815, %mul3A_867 : vector<16xf32>
      %get3A_869 = arith.index_cast %scan3A_810 : i32 to index
      %get3A_870 = arith.constant 80 : index
      %get3A_871 = tpu.vector_load %arg12[%get3A_869, %get3A_870] {strides = array<i32>} : memref<64x128xf32, #tpu.memory_space<vmem>>, vector<1x16xf32>,
      %get3A_872 = vector.shape_cast %get3A_871 : vector<1x16xf32> to vector<16xf32>
      %get3A_873 = arith.index_cast %scan3A_810 : i32 to index
      %get3A_874 = arith.constant 80 : index
      %get3A_875 = tpu.vector_load %arg16[%get3A_873, %get3A_874] {strides = array<i32>} : memref<64x128xf32, #tpu.memory_space<vmem>>, vector<1x16xf32>,
      %get3A_876 = vector.shape_cast %get3A_875 : vector<1x16xf32> to vector<16xf32>
      %mul3A_877 = arith.mulf %get3A_872, %get3A_876 : vector<16xf32>
      %add3A_878 = arith.addf %scan3A_816, %mul3A_877 : vector<16xf32>
      %get3A_879 = arith.index_cast %scan3A_810 : i32 to index
      %get3A_880 = arith.constant 96 : index
      %get3A_881 = tpu.vector_load %arg12[%get3A_879, %get3A_880] {strides = array<i32>} : memref<64x128xf32, #tpu.memory_space<vmem>>, vector<1x16xf32>,
      %get3A_882 = vector.shape_cast %get3A_881 : vector<1x16xf32> to vector<16xf32>
      %get3A_883 = arith.index_cast %scan3A_810 : i32 to index
      %get3A_884 = arith.constant 96 : index
      %get3A_885 = tpu.vector_load %arg16[%get3A_883, %get3A_884] {strides = array<i32>} : memref<64x128xf32, #tpu.memory_space<vmem>>, vector<1x16xf32>,
      %get3A_886 = vector.shape_cast %get3A_885 : vector<1x16xf32> to vector<16xf32>
      %mul3A_887 = arith.mulf %get3A_882, %get3A_886 : vector<16xf32>
      %add3A_888 = arith.addf %scan3A_817, %mul3A_887 : vector<16xf32>
      %get3A_889 = arith.index_cast %scan3A_810 : i32 to index
      %get3A_890 = arith.constant 112 : index
      %get3A_891 = tpu.vector_load %arg12[%get3A_889, %get3A_890] {strides = array<i32>} : memref<64x128xf32, #tpu.memory_space<vmem>>, vector<1x16xf32>,
      %get3A_892 = vector.shape_cast %get3A_891 : vector<1x16xf32> to vector<16xf32>
      %get3A_893 = arith.index_cast %scan3A_810 : i32 to index
      %get3A_894 = arith.constant 112 : index
      %get3A_895 = tpu.vector_load %arg16[%get3A_893, %get3A_894] {strides = array<i32>} : memref<64x128xf32, #tpu.memory_space<vmem>>, vector<1x16xf32>,
      %get3A_896 = vector.shape_cast %get3A_895 : vector<1x16xf32> to vector<16xf32>
      %mul3A_897 = arith.mulf %get3A_892, %get3A_896 : vector<16xf32>
      %add3A_898 = arith.addf %scan3A_818, %mul3A_897 : vector<16xf32>
      scf.yield %add3A_828, %add3A_838, %add3A_848, %add3A_858, %add3A_868, %add3A_878, %add3A_888, %add3A_898 : vector<16xf32>, vector<16xf32>, vector<16xf32>, vector<16xf32>, vector<16xf32>, vector<16xf32>, vector<16xf32>, vector<16xf32>
    }
    %scan3A_186 = arith.constant 64 : i32
    %dma_start3A_187 = arith.constant 2 : i32
    %dma_start3A_188 = arith.constant 0 : i32
    %dma_start3A_189 = tpu.memref_slice %arg10[%dma_start3A_187, %dma_start3A_188] : memref<4x128xi32, #tpu.memory_space<vmem>> -> memref<1x64xi32, #tpu.memory_space<vmem>>
    %dma_start3A_190 = tpu.memref_squeeze %dma_start3A_189 : memref<1x64xi32, #tpu.memory_space<vmem>> -> memref<64xi32, #tpu.memory_space<vmem>>
    %dma_start3A_191 = arith.constant 0 : i32
    %dma_start3A_192 = arith.constant 0 : i32
    %dma_start3A_193 = tpu.memref_slice %arg4[%dma_start3A_191, %dma_start3A_192] : memref<100000x128xf32, #tpu.memory_space<hbm>> -> memref<100000x128xf32, #tpu.memory_space<hbm>>
    tpu.enqueue_indirect_dma source(%dma_start3A_193 : memref<100000x128xf32, #tpu.memory_space<hbm>>) target(%arg12 : memref<64x128xf32, #tpu.memory_space<vmem>>) offsets(%dma_start3A_190 : memref<64xi32, #tpu.memory_space<vmem>>) semaphore(%arg24 : memref<!tpu.dma_semaphore, #tpu.memory_space<semaphore_mem>>)
    %dma_start3A_194 = arith.constant 2 : i32
    %dma_start3A_195 = arith.constant 0 : i32
    %dma_start3A_196 = tpu.memref_slice %arg11[%dma_start3A_194, %dma_start3A_195] : memref<4x128xi32, #tpu.memory_space<vmem>> -> memref<1x64xi32, #tpu.memory_space<vmem>>
    %dma_start3A_197 = tpu.memref_squeeze %dma_start3A_196 : memref<1x64xi32, #tpu.memory_space<vmem>> -> memref<64xi32, #tpu.memory_space<vmem>>
    %dma_start3A_198 = arith.constant 0 : i32
    %dma_start3A_199 = arith.constant 0 : i32
    %dma_start3A_200 = tpu.memref_slice %arg5[%dma_start3A_198, %dma_start3A_199] : memref<100000x128xf32, #tpu.memory_space<hbm>> -> memref<100000x128xf32, #tpu.memory_space<hbm>>
    tpu.enqueue_indirect_dma source(%dma_start3A_200 : memref<100000x128xf32, #tpu.memory_space<hbm>>) target(%arg16 : memref<64x128xf32, #tpu.memory_space<vmem>>) offsets(%dma_start3A_197 : memref<64xi32, #tpu.memory_space<vmem>>) semaphore(%arg28 : memref<!tpu.dma_semaphore, #tpu.memory_space<semaphore_mem>>)
    %dma_wait3A_201 = arith.constant 0 : i32
    %dma_wait3A_202 = arith.constant 64 : i32
    %dma_wait3A_203 = tpu.memref_slice %arg10[%dma_wait3A_201, %dma_wait3A_202] : memref<4x128xi32, #tpu.memory_space<vmem>> -> memref<1x64xi32, #tpu.memory_space<vmem>>
    %dma_wait3A_204 = tpu.memref_squeeze %dma_wait3A_203 : memref<1x64xi32, #tpu.memory_space<vmem>> -> memref<64xi32, #tpu.memory_space<vmem>>
    %dma_wait3A_205 = arith.constant 0 : i32
    %dma_wait3A_206 = arith.constant 0 : i32
    %dma_wait3A_207 = tpu.memref_slice %arg4[%dma_wait3A_205, %dma_wait3A_206] : memref<100000x128xf32, #tpu.memory_space<hbm>> -> memref<100000x128xf32, #tpu.memory_space<hbm>>
    tpu.wait_indirect_dma semaphore(%arg25 : memref<!tpu.dma_semaphore, #tpu.memory_space<semaphore_mem>>) src(%dma_wait3A_207 : memref<100000x128xf32, #tpu.memory_space<hbm>>) dst(%arg13 : memref<64x128xf32, #tpu.memory_space<vmem>>)
    %dma_wait3A_208 = arith.constant 0 : i32
    %dma_wait3A_209 = arith.constant 64 : i32
    %dma_wait3A_210 = tpu.memref_slice %arg11[%dma_wait3A_208, %dma_wait3A_209] : memref<4x128xi32, #tpu.memory_space<vmem>> -> memref<1x64xi32, #tpu.memory_space<vmem>>
    %dma_wait3A_211 = tpu.memref_squeeze %dma_wait3A_210 : memref<1x64xi32, #tpu.memory_space<vmem>> -> memref<64xi32, #tpu.memory_space<vmem>>
    %dma_wait3A_212 = arith.constant 0 : i32
    %dma_wait3A_213 = arith.constant 0 : i32
    %dma_wait3A_214 = tpu.memref_slice %arg5[%dma_wait3A_212, %dma_wait3A_213] : memref<100000x128xf32, #tpu.memory_space<hbm>> -> memref<100000x128xf32, #tpu.memory_space<hbm>>
    tpu.wait_indirect_dma semaphore(%arg29 : memref<!tpu.dma_semaphore, #tpu.memory_space<semaphore_mem>>) src(%dma_wait3A_214 : memref<100000x128xf32, #tpu.memory_space<hbm>>) dst(%arg17 : memref<64x128xf32, #tpu.memory_space<vmem>>)
    %scan3A_215 = arith.constant 0 : i32
    %scan3A_216 = arith.constant 64 : i32
    %scan3A_217 = arith.addi %scan3A_215, %scan3A_216 : i32
    %scan3A_218 = arith.constant 1 : i32
    %scan3A_219:8 = scf.for %scan3A_810 = %scan3A_215 to %scan3A_217 step %scan3A_218 iter_args(%scan3A_811 = %scan3A_185#0, %scan3A_812 = %scan3A_185#1, %scan3A_813 = %scan3A_185#2, %scan3A_814 = %scan3A_185#3, %scan3A_815 = %scan3A_185#4, %scan3A_816 = %scan3A_185#5, %scan3A_817 = %scan3A_185#6, %scan3A_818 = %scan3A_185#7) -> (vector<16xf32>, vector<16xf32>, vector<16xf32>, vector<16xf32>, vector<16xf32>, vector<16xf32>, vector<16xf32>, vector<16xf32>)  : i32 {
      %get3A_819 = arith.index_cast %scan3A_810 : i32 to index
      %get3A_820 = arith.constant 0 : index
      %get3A_821 = tpu.vector_load %arg13[%get3A_819, %get3A_820] {strides = array<i32>} : memref<64x128xf32, #tpu.memory_space<vmem>>, vector<1x16xf32>,
      %get3A_822 = vector.shape_cast %get3A_821 : vector<1x16xf32> to vector<16xf32>
      %get3A_823 = arith.index_cast %scan3A_810 : i32 to index
      %get3A_824 = arith.constant 0 : index
      %get3A_825 = tpu.vector_load %arg17[%get3A_823, %get3A_824] {strides = array<i32>} : memref<64x128xf32, #tpu.memory_space<vmem>>, vector<1x16xf32>,
      %get3A_826 = vector.shape_cast %get3A_825 : vector<1x16xf32> to vector<16xf32>
      %mul3A_827 = arith.mulf %get3A_822, %get3A_826 : vector<16xf32>
      %add3A_828 = arith.addf %scan3A_811, %mul3A_827 : vector<16xf32>
      %get3A_829 = arith.index_cast %scan3A_810 : i32 to index
      %get3A_830 = arith.constant 16 : index
      %get3A_831 = tpu.vector_load %arg13[%get3A_829, %get3A_830] {strides = array<i32>} : memref<64x128xf32, #tpu.memory_space<vmem>>, vector<1x16xf32>,
      %get3A_832 = vector.shape_cast %get3A_831 : vector<1x16xf32> to vector<16xf32>
      %get3A_833 = arith.index_cast %scan3A_810 : i32 to index
      %get3A_834 = arith.constant 16 : index
      %get3A_835 = tpu.vector_load %arg17[%get3A_833, %get3A_834] {strides = array<i32>} : memref<64x128xf32, #tpu.memory_space<vmem>>, vector<1x16xf32>,
      %get3A_836 = vector.shape_cast %get3A_835 : vector<1x16xf32> to vector<16xf32>
      %mul3A_837 = arith.mulf %get3A_832, %get3A_836 : vector<16xf32>
      %add3A_838 = arith.addf %scan3A_812, %mul3A_837 : vector<16xf32>
      %get3A_839 = arith.index_cast %scan3A_810 : i32 to index
      %get3A_840 = arith.constant 32 : index
      %get3A_841 = tpu.vector_load %arg13[%get3A_839, %get3A_840] {strides = array<i32>} : memref<64x128xf32, #tpu.memory_space<vmem>>, vector<1x16xf32>,
      %get3A_842 = vector.shape_cast %get3A_841 : vector<1x16xf32> to vector<16xf32>
      %get3A_843 = arith.index_cast %scan3A_810 : i32 to index
      %get3A_844 = arith.constant 32 : index
      %get3A_845 = tpu.vector_load %arg17[%get3A_843, %get3A_844] {strides = array<i32>} : memref<64x128xf32, #tpu.memory_space<vmem>>, vector<1x16xf32>,
      %get3A_846 = vector.shape_cast %get3A_845 : vector<1x16xf32> to vector<16xf32>
      %mul3A_847 = arith.mulf %get3A_842, %get3A_846 : vector<16xf32>
      %add3A_848 = arith.addf %scan3A_813, %mul3A_847 : vector<16xf32>
      %get3A_849 = arith.index_cast %scan3A_810 : i32 to index
      %get3A_850 = arith.constant 48 : index
      %get3A_851 = tpu.vector_load %arg13[%get3A_849, %get3A_850] {strides = array<i32>} : memref<64x128xf32, #tpu.memory_space<vmem>>, vector<1x16xf32>,
      %get3A_852 = vector.shape_cast %get3A_851 : vector<1x16xf32> to vector<16xf32>
      %get3A_853 = arith.index_cast %scan3A_810 : i32 to index
      %get3A_854 = arith.constant 48 : index
      %get3A_855 = tpu.vector_load %arg17[%get3A_853, %get3A_854] {strides = array<i32>} : memref<64x128xf32, #tpu.memory_space<vmem>>, vector<1x16xf32>,
      %get3A_856 = vector.shape_cast %get3A_855 : vector<1x16xf32> to vector<16xf32>
      %mul3A_857 = arith.mulf %get3A_852, %get3A_856 : vector<16xf32>
      %add3A_858 = arith.addf %scan3A_814, %mul3A_857 : vector<16xf32>
      %get3A_859 = arith.index_cast %scan3A_810 : i32 to index
      %get3A_860 = arith.constant 64 : index
      %get3A_861 = tpu.vector_load %arg13[%get3A_859, %get3A_860] {strides = array<i32>} : memref<64x128xf32, #tpu.memory_space<vmem>>, vector<1x16xf32>,
      %get3A_862 = vector.shape_cast %get3A_861 : vector<1x16xf32> to vector<16xf32>
      %get3A_863 = arith.index_cast %scan3A_810 : i32 to index
      %get3A_864 = arith.constant 64 : index
      %get3A_865 = tpu.vector_load %arg17[%get3A_863, %get3A_864] {strides = array<i32>} : memref<64x128xf32, #tpu.memory_space<vmem>>, vector<1x16xf32>,
      %get3A_866 = vector.shape_cast %get3A_865 : vector<1x16xf32> to vector<16xf32>
      %mul3A_867 = arith.mulf %get3A_862, %get3A_866 : vector<16xf32>
      %add3A_868 = arith.addf %scan3A_815, %mul3A_867 : vector<16xf32>
      %get3A_869 = arith.index_cast %scan3A_810 : i32 to index
      %get3A_870 = arith.constant 80 : index
      %get3A_871 = tpu.vector_load %arg13[%get3A_869, %get3A_870] {strides = array<i32>} : memref<64x128xf32, #tpu.memory_space<vmem>>, vector<1x16xf32>,
      %get3A_872 = vector.shape_cast %get3A_871 : vector<1x16xf32> to vector<16xf32>
      %get3A_873 = arith.index_cast %scan3A_810 : i32 to index
      %get3A_874 = arith.constant 80 : index
      %get3A_875 = tpu.vector_load %arg17[%get3A_873, %get3A_874] {strides = array<i32>} : memref<64x128xf32, #tpu.memory_space<vmem>>, vector<1x16xf32>,
      %get3A_876 = vector.shape_cast %get3A_875 : vector<1x16xf32> to vector<16xf32>
      %mul3A_877 = arith.mulf %get3A_872, %get3A_876 : vector<16xf32>
      %add3A_878 = arith.addf %scan3A_816, %mul3A_877 : vector<16xf32>
      %get3A_879 = arith.index_cast %scan3A_810 : i32 to index
      %get3A_880 = arith.constant 96 : index
      %get3A_881 = tpu.vector_load %arg13[%get3A_879, %get3A_880] {strides = array<i32>} : memref<64x128xf32, #tpu.memory_space<vmem>>, vector<1x16xf32>,
      %get3A_882 = vector.shape_cast %get3A_881 : vector<1x16xf32> to vector<16xf32>
      %get3A_883 = arith.index_cast %scan3A_810 : i32 to index
      %get3A_884 = arith.constant 96 : index
      %get3A_885 = tpu.vector_load %arg17[%get3A_883, %get3A_884] {strides = array<i32>} : memref<64x128xf32, #tpu.memory_space<vmem>>, vector<1x16xf32>,
      %get3A_886 = vector.shape_cast %get3A_885 : vector<1x16xf32> to vector<16xf32>
      %mul3A_887 = arith.mulf %get3A_882, %get3A_886 : vector<16xf32>
      %add3A_888 = arith.addf %scan3A_817, %mul3A_887 : vector<16xf32>
      %get3A_889 = arith.index_cast %scan3A_810 : i32 to index
      %get3A_890 = arith.constant 112 : index
      %get3A_891 = tpu.vector_load %arg13[%get3A_889, %get3A_890] {strides = array<i32>} : memref<64x128xf32, #tpu.memory_space<vmem>>, vector<1x16xf32>,
      %get3A_892 = vector.shape_cast %get3A_891 : vector<1x16xf32> to vector<16xf32>
      %get3A_893 = arith.index_cast %scan3A_810 : i32 to index
      %get3A_894 = arith.constant 112 : index
      %get3A_895 = tpu.vector_load %arg17[%get3A_893, %get3A_894] {strides = array<i32>} : memref<64x128xf32, #tpu.memory_space<vmem>>, vector<1x16xf32>,
      %get3A_896 = vector.shape_cast %get3A_895 : vector<1x16xf32> to vector<16xf32>
      %mul3A_897 = arith.mulf %get3A_892, %get3A_896 : vector<16xf32>
      %add3A_898 = arith.addf %scan3A_818, %mul3A_897 : vector<16xf32>
      scf.yield %add3A_828, %add3A_838, %add3A_848, %add3A_858, %add3A_868, %add3A_878, %add3A_888, %add3A_898 : vector<16xf32>, vector<16xf32>, vector<16xf32>, vector<16xf32>, vector<16xf32>, vector<16xf32>, vector<16xf32>, vector<16xf32>
    }
    %scan3A_220 = arith.constant 64 : i32
    %dma_start3A_221 = arith.constant 2 : i32
    %dma_start3A_222 = arith.constant 64 : i32
    %dma_start3A_223 = tpu.memref_slice %arg10[%dma_start3A_221, %dma_start3A_222] : memref<4x128xi32, #tpu.memory_space<vmem>> -> memref<1x64xi32, #tpu.memory_space<vmem>>
    %dma_start3A_224 = tpu.memref_squeeze %dma_start3A_223 : memref<1x64xi32, #tpu.memory_space<vmem>> -> memref<64xi32, #tpu.memory_space<vmem>>
    %dma_start3A_225 = arith.constant 0 : i32
    %dma_start3A_226 = arith.constant 0 : i32
    %dma_start3A_227 = tpu.memref_slice %arg4[%dma_start3A_225, %dma_start3A_226] : memref<100000x128xf32, #tpu.memory_space<hbm>> -> memref<100000x128xf32, #tpu.memory_space<hbm>>
    tpu.enqueue_indirect_dma source(%dma_start3A_227 : memref<100000x128xf32, #tpu.memory_space<hbm>>) target(%arg13 : memref<64x128xf32, #tpu.memory_space<vmem>>) offsets(%dma_start3A_224 : memref<64xi32, #tpu.memory_space<vmem>>) semaphore(%arg25 : memref<!tpu.dma_semaphore, #tpu.memory_space<semaphore_mem>>)
    %dma_start3A_228 = arith.constant 2 : i32
    %dma_start3A_229 = arith.constant 64 : i32
    %dma_start3A_230 = tpu.memref_slice %arg11[%dma_start3A_228, %dma_start3A_229] : memref<4x128xi32, #tpu.memory_space<vmem>> -> memref<1x64xi32, #tpu.memory_space<vmem>>
    %dma_start3A_231 = tpu.memref_squeeze %dma_start3A_230 : memref<1x64xi32, #tpu.memory_space<vmem>> -> memref<64xi32, #tpu.memory_space<vmem>>
    %dma_start3A_232 = arith.constant 0 : i32
    %dma_start3A_233 = arith.constant 0 : i32
    %dma_start3A_234 = tpu.memref_slice %arg5[%dma_start3A_232, %dma_start3A_233] : memref<100000x128xf32, #tpu.memory_space<hbm>> -> memref<100000x128xf32, #tpu.memory_space<hbm>>
    tpu.enqueue_indirect_dma source(%dma_start3A_234 : memref<100000x128xf32, #tpu.memory_space<hbm>>) target(%arg17 : memref<64x128xf32, #tpu.memory_space<vmem>>) offsets(%dma_start3A_231 : memref<64xi32, #tpu.memory_space<vmem>>) semaphore(%arg29 : memref<!tpu.dma_semaphore, #tpu.memory_space<semaphore_mem>>)
    %dma_wait3A_235 = arith.constant 1 : i32
    %dma_wait3A_236 = arith.constant 0 : i32
    %dma_wait3A_237 = tpu.memref_slice %arg10[%dma_wait3A_235, %dma_wait3A_236] : memref<4x128xi32, #tpu.memory_space<vmem>> -> memref<1x64xi32, #tpu.memory_space<vmem>>
    %dma_wait3A_238 = tpu.memref_squeeze %dma_wait3A_237 : memref<1x64xi32, #tpu.memory_space<vmem>> -> memref<64xi32, #tpu.memory_space<vmem>>
    %dma_wait3A_239 = arith.constant 0 : i32
    %dma_wait3A_240 = arith.constant 0 : i32
    %dma_wait3A_241 = tpu.memref_slice %arg4[%dma_wait3A_239, %dma_wait3A_240] : memref<100000x128xf32, #tpu.memory_space<hbm>> -> memref<100000x128xf32, #tpu.memory_space<hbm>>
    tpu.wait_indirect_dma semaphore(%arg26 : memref<!tpu.dma_semaphore, #tpu.memory_space<semaphore_mem>>) src(%dma_wait3A_241 : memref<100000x128xf32, #tpu.memory_space<hbm>>) dst(%arg14 : memref<64x128xf32, #tpu.memory_space<vmem>>)
    %dma_wait3A_242 = arith.constant 1 : i32
    %dma_wait3A_243 = arith.constant 0 : i32
    %dma_wait3A_244 = tpu.memref_slice %arg11[%dma_wait3A_242, %dma_wait3A_243] : memref<4x128xi32, #tpu.memory_space<vmem>> -> memref<1x64xi32, #tpu.memory_space<vmem>>
    %dma_wait3A_245 = tpu.memref_squeeze %dma_wait3A_244 : memref<1x64xi32, #tpu.memory_space<vmem>> -> memref<64xi32, #tpu.memory_space<vmem>>
    %dma_wait3A_246 = arith.constant 0 : i32
    %dma_wait3A_247 = arith.constant 0 : i32
    %dma_wait3A_248 = tpu.memref_slice %arg5[%dma_wait3A_246, %dma_wait3A_247] : memref<100000x128xf32, #tpu.memory_space<hbm>> -> memref<100000x128xf32, #tpu.memory_space<hbm>>
    tpu.wait_indirect_dma semaphore(%arg30 : memref<!tpu.dma_semaphore, #tpu.memory_space<semaphore_mem>>) src(%dma_wait3A_248 : memref<100000x128xf32, #tpu.memory_space<hbm>>) dst(%arg18 : memref<64x128xf32, #tpu.memory_space<vmem>>)
    %scan3A_249 = arith.constant 0 : i32
    %scan3A_250 = arith.constant 64 : i32
    %scan3A_251 = arith.addi %scan3A_249, %scan3A_250 : i32
    %scan3A_252 = arith.constant 1 : i32
    %scan3A_253:8 = scf.for %scan3A_810 = %scan3A_249 to %scan3A_251 step %scan3A_252 iter_args(%scan3A_811 = %scan3A_219#0, %scan3A_812 = %scan3A_219#1, %scan3A_813 = %scan3A_219#2, %scan3A_814 = %scan3A_219#3, %scan3A_815 = %scan3A_219#4, %scan3A_816 = %scan3A_219#5, %scan3A_817 = %scan3A_219#6, %scan3A_818 = %scan3A_219#7) -> (vector<16xf32>, vector<16xf32>, vector<16xf32>, vector<16xf32>, vector<16xf32>, vector<16xf32>, vector<16xf32>, vector<16xf32>)  : i32 {
      %get3A_819 = arith.index_cast %scan3A_810 : i32 to index
      %get3A_820 = arith.constant 0 : index
      %get3A_821 = tpu.vector_load %arg14[%get3A_819, %get3A_820] {strides = array<i32>} : memref<64x128xf32, #tpu.memory_space<vmem>>, vector<1x16xf32>,
      %get3A_822 = vector.shape_cast %get3A_821 : vector<1x16xf32> to vector<16xf32>
      %get3A_823 = arith.index_cast %scan3A_810 : i32 to index
      %get3A_824 = arith.constant 0 : index
      %get3A_825 = tpu.vector_load %arg18[%get3A_823, %get3A_824] {strides = array<i32>} : memref<64x128xf32, #tpu.memory_space<vmem>>, vector<1x16xf32>,
      %get3A_826 = vector.shape_cast %get3A_825 : vector<1x16xf32> to vector<16xf32>
      %mul3A_827 = arith.mulf %get3A_822, %get3A_826 : vector<16xf32>
      %add3A_828 = arith.addf %scan3A_811, %mul3A_827 : vector<16xf32>
      %get3A_829 = arith.index_cast %scan3A_810 : i32 to index
      %get3A_830 = arith.constant 16 : index
      %get3A_831 = tpu.vector_load %arg14[%get3A_829, %get3A_830] {strides = array<i32>} : memref<64x128xf32, #tpu.memory_space<vmem>>, vector<1x16xf32>,
      %get3A_832 = vector.shape_cast %get3A_831 : vector<1x16xf32> to vector<16xf32>
      %get3A_833 = arith.index_cast %scan3A_810 : i32 to index
      %get3A_834 = arith.constant 16 : index
      %get3A_835 = tpu.vector_load %arg18[%get3A_833, %get3A_834] {strides = array<i32>} : memref<64x128xf32, #tpu.memory_space<vmem>>, vector<1x16xf32>,
      %get3A_836 = vector.shape_cast %get3A_835 : vector<1x16xf32> to vector<16xf32>
      %mul3A_837 = arith.mulf %get3A_832, %get3A_836 : vector<16xf32>
      %add3A_838 = arith.addf %scan3A_812, %mul3A_837 : vector<16xf32>
      %get3A_839 = arith.index_cast %scan3A_810 : i32 to index
      %get3A_840 = arith.constant 32 : index
      %get3A_841 = tpu.vector_load %arg14[%get3A_839, %get3A_840] {strides = array<i32>} : memref<64x128xf32, #tpu.memory_space<vmem>>, vector<1x16xf32>,
      %get3A_842 = vector.shape_cast %get3A_841 : vector<1x16xf32> to vector<16xf32>
      %get3A_843 = arith.index_cast %scan3A_810 : i32 to index
      %get3A_844 = arith.constant 32 : index
      %get3A_845 = tpu.vector_load %arg18[%get3A_843, %get3A_844] {strides = array<i32>} : memref<64x128xf32, #tpu.memory_space<vmem>>, vector<1x16xf32>,
      %get3A_846 = vector.shape_cast %get3A_845 : vector<1x16xf32> to vector<16xf32>
      %mul3A_847 = arith.mulf %get3A_842, %get3A_846 : vector<16xf32>
      %add3A_848 = arith.addf %scan3A_813, %mul3A_847 : vector<16xf32>
      %get3A_849 = arith.index_cast %scan3A_810 : i32 to index
      %get3A_850 = arith.constant 48 : index
      %get3A_851 = tpu.vector_load %arg14[%get3A_849, %get3A_850] {strides = array<i32>} : memref<64x128xf32, #tpu.memory_space<vmem>>, vector<1x16xf32>,
      %get3A_852 = vector.shape_cast %get3A_851 : vector<1x16xf32> to vector<16xf32>
      %get3A_853 = arith.index_cast %scan3A_810 : i32 to index
      %get3A_854 = arith.constant 48 : index
      %get3A_855 = tpu.vector_load %arg18[%get3A_853, %get3A_854] {strides = array<i32>} : memref<64x128xf32, #tpu.memory_space<vmem>>, vector<1x16xf32>,
      %get3A_856 = vector.shape_cast %get3A_855 : vector<1x16xf32> to vector<16xf32>
      %mul3A_857 = arith.mulf %get3A_852, %get3A_856 : vector<16xf32>
      %add3A_858 = arith.addf %scan3A_814, %mul3A_857 : vector<16xf32>
      %get3A_859 = arith.index_cast %scan3A_810 : i32 to index
      %get3A_860 = arith.constant 64 : index
      %get3A_861 = tpu.vector_load %arg14[%get3A_859, %get3A_860] {strides = array<i32>} : memref<64x128xf32, #tpu.memory_space<vmem>>, vector<1x16xf32>,
      %get3A_862 = vector.shape_cast %get3A_861 : vector<1x16xf32> to vector<16xf32>
      %get3A_863 = arith.index_cast %scan3A_810 : i32 to index
      %get3A_864 = arith.constant 64 : index
      %get3A_865 = tpu.vector_load %arg18[%get3A_863, %get3A_864] {strides = array<i32>} : memref<64x128xf32, #tpu.memory_space<vmem>>, vector<1x16xf32>,
      %get3A_866 = vector.shape_cast %get3A_865 : vector<1x16xf32> to vector<16xf32>
      %mul3A_867 = arith.mulf %get3A_862, %get3A_866 : vector<16xf32>
      %add3A_868 = arith.addf %scan3A_815, %mul3A_867 : vector<16xf32>
      %get3A_869 = arith.index_cast %scan3A_810 : i32 to index
      %get3A_870 = arith.constant 80 : index
      %get3A_871 = tpu.vector_load %arg14[%get3A_869, %get3A_870] {strides = array<i32>} : memref<64x128xf32, #tpu.memory_space<vmem>>, vector<1x16xf32>,
      %get3A_872 = vector.shape_cast %get3A_871 : vector<1x16xf32> to vector<16xf32>
      %get3A_873 = arith.index_cast %scan3A_810 : i32 to index
      %get3A_874 = arith.constant 80 : index
      %get3A_875 = tpu.vector_load %arg18[%get3A_873, %get3A_874] {strides = array<i32>} : memref<64x128xf32, #tpu.memory_space<vmem>>, vector<1x16xf32>,
      %get3A_876 = vector.shape_cast %get3A_875 : vector<1x16xf32> to vector<16xf32>
      %mul3A_877 = arith.mulf %get3A_872, %get3A_876 : vector<16xf32>
      %add3A_878 = arith.addf %scan3A_816, %mul3A_877 : vector<16xf32>
      %get3A_879 = arith.index_cast %scan3A_810 : i32 to index
      %get3A_880 = arith.constant 96 : index
      %get3A_881 = tpu.vector_load %arg14[%get3A_879, %get3A_880] {strides = array<i32>} : memref<64x128xf32, #tpu.memory_space<vmem>>, vector<1x16xf32>,
      %get3A_882 = vector.shape_cast %get3A_881 : vector<1x16xf32> to vector<16xf32>
      %get3A_883 = arith.index_cast %scan3A_810 : i32 to index
      %get3A_884 = arith.constant 96 : index
      %get3A_885 = tpu.vector_load %arg18[%get3A_883, %get3A_884] {strides = array<i32>} : memref<64x128xf32, #tpu.memory_space<vmem>>, vector<1x16xf32>,
      %get3A_886 = vector.shape_cast %get3A_885 : vector<1x16xf32> to vector<16xf32>
      %mul3A_887 = arith.mulf %get3A_882, %get3A_886 : vector<16xf32>
      %add3A_888 = arith.addf %scan3A_817, %mul3A_887 : vector<16xf32>
      %get3A_889 = arith.index_cast %scan3A_810 : i32 to index
      %get3A_890 = arith.constant 112 : index
      %get3A_891 = tpu.vector_load %arg14[%get3A_889, %get3A_890] {strides = array<i32>} : memref<64x128xf32, #tpu.memory_space<vmem>>, vector<1x16xf32>,
      %get3A_892 = vector.shape_cast %get3A_891 : vector<1x16xf32> to vector<16xf32>
      %get3A_893 = arith.index_cast %scan3A_810 : i32 to index
      %get3A_894 = arith.constant 112 : index
      %get3A_895 = tpu.vector_load %arg18[%get3A_893, %get3A_894] {strides = array<i32>} : memref<64x128xf32, #tpu.memory_space<vmem>>, vector<1x16xf32>,
      %get3A_896 = vector.shape_cast %get3A_895 : vector<1x16xf32> to vector<16xf32>
      %mul3A_897 = arith.mulf %get3A_892, %get3A_896 : vector<16xf32>
      %add3A_898 = arith.addf %scan3A_818, %mul3A_897 : vector<16xf32>
      scf.yield %add3A_828, %add3A_838, %add3A_848, %add3A_858, %add3A_868, %add3A_878, %add3A_888, %add3A_898 : vector<16xf32>, vector<16xf32>, vector<16xf32>, vector<16xf32>, vector<16xf32>, vector<16xf32>, vector<16xf32>, vector<16xf32>
    }
    %scan3A_254 = arith.constant 64 : i32
    %dma_start3A_255 = arith.constant 3 : i32
    %dma_start3A_256 = arith.constant 0 : i32
    %dma_start3A_257 = tpu.memref_slice %arg10[%dma_start3A_255, %dma_start3A_256] : memref<4x128xi32, #tpu.memory_space<vmem>> -> memref<1x64xi32, #tpu.memory_space<vmem>>
    %dma_start3A_258 = tpu.memref_squeeze %dma_start3A_257 : memref<1x64xi32, #tpu.memory_space<vmem>> -> memref<64xi32, #tpu.memory_space<vmem>>
    %dma_start3A_259 = arith.constant 0 : i32
    %dma_start3A_260 = arith.constant 0 : i32
    %dma_start3A_261 = tpu.memref_slice %arg4[%dma_start3A_259, %dma_start3A_260] : memref<100000x128xf32, #tpu.memory_space<hbm>> -> memref<100000x128xf32, #tpu.memory_space<hbm>>
    tpu.enqueue_indirect_dma source(%dma_start3A_261 : memref<100000x128xf32, #tpu.memory_space<hbm>>) target(%arg14 : memref<64x128xf32, #tpu.memory_space<vmem>>) offsets(%dma_start3A_258 : memref<64xi32, #tpu.memory_space<vmem>>) semaphore(%arg26 : memref<!tpu.dma_semaphore, #tpu.memory_space<semaphore_mem>>)
    %dma_start3A_262 = arith.constant 3 : i32
    %dma_start3A_263 = arith.constant 0 : i32
    %dma_start3A_264 = tpu.memref_slice %arg11[%dma_start3A_262, %dma_start3A_263] : memref<4x128xi32, #tpu.memory_space<vmem>> -> memref<1x64xi32, #tpu.memory_space<vmem>>
    %dma_start3A_265 = tpu.memref_squeeze %dma_start3A_264 : memref<1x64xi32, #tpu.memory_space<vmem>> -> memref<64xi32, #tpu.memory_space<vmem>>
    %dma_start3A_266 = arith.constant 0 : i32
    %dma_start3A_267 = arith.constant 0 : i32
    %dma_start3A_268 = tpu.memref_slice %arg5[%dma_start3A_266, %dma_start3A_267] : memref<100000x128xf32, #tpu.memory_space<hbm>> -> memref<100000x128xf32, #tpu.memory_space<hbm>>
    tpu.enqueue_indirect_dma source(%dma_start3A_268 : memref<100000x128xf32, #tpu.memory_space<hbm>>) target(%arg18 : memref<64x128xf32, #tpu.memory_space<vmem>>) offsets(%dma_start3A_265 : memref<64xi32, #tpu.memory_space<vmem>>) semaphore(%arg30 : memref<!tpu.dma_semaphore, #tpu.memory_space<semaphore_mem>>)
    %dma_wait3A_269 = arith.constant 1 : i32
    %dma_wait3A_270 = arith.constant 64 : i32
    %dma_wait3A_271 = tpu.memref_slice %arg10[%dma_wait3A_269, %dma_wait3A_270] : memref<4x128xi32, #tpu.memory_space<vmem>> -> memref<1x64xi32, #tpu.memory_space<vmem>>
    %dma_wait3A_272 = tpu.memref_squeeze %dma_wait3A_271 : memref<1x64xi32, #tpu.memory_space<vmem>> -> memref<64xi32, #tpu.memory_space<vmem>>
    %dma_wait3A_273 = arith.constant 0 : i32
    %dma_wait3A_274 = arith.constant 0 : i32
    %dma_wait3A_275 = tpu.memref_slice %arg4[%dma_wait3A_273, %dma_wait3A_274] : memref<100000x128xf32, #tpu.memory_space<hbm>> -> memref<100000x128xf32, #tpu.memory_space<hbm>>
    tpu.wait_indirect_dma semaphore(%arg27 : memref<!tpu.dma_semaphore, #tpu.memory_space<semaphore_mem>>) src(%dma_wait3A_275 : memref<100000x128xf32, #tpu.memory_space<hbm>>) dst(%arg15 : memref<64x128xf32, #tpu.memory_space<vmem>>)
    %dma_wait3A_276 = arith.constant 1 : i32
    %dma_wait3A_277 = arith.constant 64 : i32
    %dma_wait3A_278 = tpu.memref_slice %arg11[%dma_wait3A_276, %dma_wait3A_277] : memref<4x128xi32, #tpu.memory_space<vmem>> -> memref<1x64xi32, #tpu.memory_space<vmem>>
    %dma_wait3A_279 = tpu.memref_squeeze %dma_wait3A_278 : memref<1x64xi32, #tpu.memory_space<vmem>> -> memref<64xi32, #tpu.memory_space<vmem>>
    %dma_wait3A_280 = arith.constant 0 : i32
    %dma_wait3A_281 = arith.constant 0 : i32
    %dma_wait3A_282 = tpu.memref_slice %arg5[%dma_wait3A_280, %dma_wait3A_281] : memref<100000x128xf32, #tpu.memory_space<hbm>> -> memref<100000x128xf32, #tpu.memory_space<hbm>>
    tpu.wait_indirect_dma semaphore(%arg31 : memref<!tpu.dma_semaphore, #tpu.memory_space<semaphore_mem>>) src(%dma_wait3A_282 : memref<100000x128xf32, #tpu.memory_space<hbm>>) dst(%arg19 : memref<64x128xf32, #tpu.memory_space<vmem>>)
    %scan3A_283 = arith.constant 0 : i32
    %scan3A_284 = arith.constant 64 : i32
    %scan3A_285 = arith.addi %scan3A_283, %scan3A_284 : i32
    %scan3A_286 = arith.constant 1 : i32
    %scan3A_287:8 = scf.for %scan3A_810 = %scan3A_283 to %scan3A_285 step %scan3A_286 iter_args(%scan3A_811 = %scan3A_253#0, %scan3A_812 = %scan3A_253#1, %scan3A_813 = %scan3A_253#2, %scan3A_814 = %scan3A_253#3, %scan3A_815 = %scan3A_253#4, %scan3A_816 = %scan3A_253#5, %scan3A_817 = %scan3A_253#6, %scan3A_818 = %scan3A_253#7) -> (vector<16xf32>, vector<16xf32>, vector<16xf32>, vector<16xf32>, vector<16xf32>, vector<16xf32>, vector<16xf32>, vector<16xf32>)  : i32 {
      %get3A_819 = arith.index_cast %scan3A_810 : i32 to index
      %get3A_820 = arith.constant 0 : index
      %get3A_821 = tpu.vector_load %arg15[%get3A_819, %get3A_820] {strides = array<i32>} : memref<64x128xf32, #tpu.memory_space<vmem>>, vector<1x16xf32>,
      %get3A_822 = vector.shape_cast %get3A_821 : vector<1x16xf32> to vector<16xf32>
      %get3A_823 = arith.index_cast %scan3A_810 : i32 to index
      %get3A_824 = arith.constant 0 : index
      %get3A_825 = tpu.vector_load %arg19[%get3A_823, %get3A_824] {strides = array<i32>} : memref<64x128xf32, #tpu.memory_space<vmem>>, vector<1x16xf32>,
      %get3A_826 = vector.shape_cast %get3A_825 : vector<1x16xf32> to vector<16xf32>
      %mul3A_827 = arith.mulf %get3A_822, %get3A_826 : vector<16xf32>
      %add3A_828 = arith.addf %scan3A_811, %mul3A_827 : vector<16xf32>
      %get3A_829 = arith.index_cast %scan3A_810 : i32 to index
      %get3A_830 = arith.constant 16 : index
      %get3A_831 = tpu.vector_load %arg15[%get3A_829, %get3A_830] {strides = array<i32>} : memref<64x128xf32, #tpu.memory_space<vmem>>, vector<1x16xf32>,
      %get3A_832 = vector.shape_cast %get3A_831 : vector<1x16xf32> to vector<16xf32>
      %get3A_833 = arith.index_cast %scan3A_810 : i32 to index
      %get3A_834 = arith.constant 16 : index
      %get3A_835 = tpu.vector_load %arg19[%get3A_833, %get3A_834] {strides = array<i32>} : memref<64x128xf32, #tpu.memory_space<vmem>>, vector<1x16xf32>,
      %get3A_836 = vector.shape_cast %get3A_835 : vector<1x16xf32> to vector<16xf32>
      %mul3A_837 = arith.mulf %get3A_832, %get3A_836 : vector<16xf32>
      %add3A_838 = arith.addf %scan3A_812, %mul3A_837 : vector<16xf32>
      %get3A_839 = arith.index_cast %scan3A_810 : i32 to index
      %get3A_840 = arith.constant 32 : index
      %get3A_841 = tpu.vector_load %arg15[%get3A_839, %get3A_840] {strides = array<i32>} : memref<64x128xf32, #tpu.memory_space<vmem>>, vector<1x16xf32>,
      %get3A_842 = vector.shape_cast %get3A_841 : vector<1x16xf32> to vector<16xf32>
      %get3A_843 = arith.index_cast %scan3A_810 : i32 to index
      %get3A_844 = arith.constant 32 : index
      %get3A_845 = tpu.vector_load %arg19[%get3A_843, %get3A_844] {strides = array<i32>} : memref<64x128xf32, #tpu.memory_space<vmem>>, vector<1x16xf32>,
      %get3A_846 = vector.shape_cast %get3A_845 : vector<1x16xf32> to vector<16xf32>
      %mul3A_847 = arith.mulf %get3A_842, %get3A_846 : vector<16xf32>
      %add3A_848 = arith.addf %scan3A_813, %mul3A_847 : vector<16xf32>
      %get3A_849 = arith.index_cast %scan3A_810 : i32 to index
      %get3A_850 = arith.constant 48 : index
      %get3A_851 = tpu.vector_load %arg15[%get3A_849, %get3A_850] {strides = array<i32>} : memref<64x128xf32, #tpu.memory_space<vmem>>, vector<1x16xf32>,
      %get3A_852 = vector.shape_cast %get3A_851 : vector<1x16xf32> to vector<16xf32>
      %get3A_853 = arith.index_cast %scan3A_810 : i32 to index
      %get3A_854 = arith.constant 48 : index
      %get3A_855 = tpu.vector_load %arg19[%get3A_853, %get3A_854] {strides = array<i32>} : memref<64x128xf32, #tpu.memory_space<vmem>>, vector<1x16xf32>,
      %get3A_856 = vector.shape_cast %get3A_855 : vector<1x16xf32> to vector<16xf32>
      %mul3A_857 = arith.mulf %get3A_852, %get3A_856 : vector<16xf32>
      %add3A_858 = arith.addf %scan3A_814, %mul3A_857 : vector<16xf32>
      %get3A_859 = arith.index_cast %scan3A_810 : i32 to index
      %get3A_860 = arith.constant 64 : index
      %get3A_861 = tpu.vector_load %arg15[%get3A_859, %get3A_860] {strides = array<i32>} : memref<64x128xf32, #tpu.memory_space<vmem>>, vector<1x16xf32>,
      %get3A_862 = vector.shape_cast %get3A_861 : vector<1x16xf32> to vector<16xf32>
      %get3A_863 = arith.index_cast %scan3A_810 : i32 to index
      %get3A_864 = arith.constant 64 : index
      %get3A_865 = tpu.vector_load %arg19[%get3A_863, %get3A_864] {strides = array<i32>} : memref<64x128xf32, #tpu.memory_space<vmem>>, vector<1x16xf32>,
      %get3A_866 = vector.shape_cast %get3A_865 : vector<1x16xf32> to vector<16xf32>
      %mul3A_867 = arith.mulf %get3A_862, %get3A_866 : vector<16xf32>
      %add3A_868 = arith.addf %scan3A_815, %mul3A_867 : vector<16xf32>
      %get3A_869 = arith.index_cast %scan3A_810 : i32 to index
      %get3A_870 = arith.constant 80 : index
      %get3A_871 = tpu.vector_load %arg15[%get3A_869, %get3A_870] {strides = array<i32>} : memref<64x128xf32, #tpu.memory_space<vmem>>, vector<1x16xf32>,
      %get3A_872 = vector.shape_cast %get3A_871 : vector<1x16xf32> to vector<16xf32>
      %get3A_873 = arith.index_cast %scan3A_810 : i32 to index
      %get3A_874 = arith.constant 80 : index
      %get3A_875 = tpu.vector_load %arg19[%get3A_873, %get3A_874] {strides = array<i32>} : memref<64x128xf32, #tpu.memory_space<vmem>>, vector<1x16xf32>,
      %get3A_876 = vector.shape_cast %get3A_875 : vector<1x16xf32> to vector<16xf32>
      %mul3A_877 = arith.mulf %get3A_872, %get3A_876 : vector<16xf32>
      %add3A_878 = arith.addf %scan3A_816, %mul3A_877 : vector<16xf32>
      %get3A_879 = arith.index_cast %scan3A_810 : i32 to index
      %get3A_880 = arith.constant 96 : index
      %get3A_881 = tpu.vector_load %arg15[%get3A_879, %get3A_880] {strides = array<i32>} : memref<64x128xf32, #tpu.memory_space<vmem>>, vector<1x16xf32>,
      %get3A_882 = vector.shape_cast %get3A_881 : vector<1x16xf32> to vector<16xf32>
      %get3A_883 = arith.index_cast %scan3A_810 : i32 to index
      %get3A_884 = arith.constant 96 : index
      %get3A_885 = tpu.vector_load %arg19[%get3A_883, %get3A_884] {strides = array<i32>} : memref<64x128xf32, #tpu.memory_space<vmem>>, vector<1x16xf32>,
      %get3A_886 = vector.shape_cast %get3A_885 : vector<1x16xf32> to vector<16xf32>
      %mul3A_887 = arith.mulf %get3A_882, %get3A_886 : vector<16xf32>
      %add3A_888 = arith.addf %scan3A_817, %mul3A_887 : vector<16xf32>
      %get3A_889 = arith.index_cast %scan3A_810 : i32 to index
      %get3A_890 = arith.constant 112 : index
      %get3A_891 = tpu.vector_load %arg15[%get3A_889, %get3A_890] {strides = array<i32>} : memref<64x128xf32, #tpu.memory_space<vmem>>, vector<1x16xf32>,
      %get3A_892 = vector.shape_cast %get3A_891 : vector<1x16xf32> to vector<16xf32>
      %get3A_893 = arith.index_cast %scan3A_810 : i32 to index
      %get3A_894 = arith.constant 112 : index
      %get3A_895 = tpu.vector_load %arg19[%get3A_893, %get3A_894] {strides = array<i32>} : memref<64x128xf32, #tpu.memory_space<vmem>>, vector<1x16xf32>,
      %get3A_896 = vector.shape_cast %get3A_895 : vector<1x16xf32> to vector<16xf32>
      %mul3A_897 = arith.mulf %get3A_892, %get3A_896 : vector<16xf32>
      %add3A_898 = arith.addf %scan3A_818, %mul3A_897 : vector<16xf32>
      scf.yield %add3A_828, %add3A_838, %add3A_848, %add3A_858, %add3A_868, %add3A_878, %add3A_888, %add3A_898 : vector<16xf32>, vector<16xf32>, vector<16xf32>, vector<16xf32>, vector<16xf32>, vector<16xf32>, vector<16xf32>, vector<16xf32>
    }
    %scan3A_288 = arith.constant 64 : i32
    %dma_start3A_289 = arith.constant 3 : i32
    %dma_start3A_290 = arith.constant 64 : i32
    %dma_start3A_291 = tpu.memref_slice %arg10[%dma_start3A_289, %dma_start3A_290] : memref<4x128xi32, #tpu.memory_space<vmem>> -> memref<1x64xi32, #tpu.memory_space<vmem>>
    %dma_start3A_292 = tpu.memref_squeeze %dma_start3A_291 : memref<1x64xi32, #tpu.memory_space<vmem>> -> memref<64xi32, #tpu.memory_space<vmem>>
    %dma_start3A_293 = arith.constant 0 : i32
    %dma_start3A_294 = arith.constant 0 : i32
    %dma_start3A_295 = tpu.memref_slice %arg4[%dma_start3A_293, %dma_start3A_294] : memref<100000x128xf32, #tpu.memory_space<hbm>> -> memref<100000x128xf32, #tpu.memory_space<hbm>>
    tpu.enqueue_indirect_dma source(%dma_start3A_295 : memref<100000x128xf32, #tpu.memory_space<hbm>>) target(%arg15 : memref<64x128xf32, #tpu.memory_space<vmem>>) offsets(%dma_start3A_292 : memref<64xi32, #tpu.memory_space<vmem>>) semaphore(%arg27 : memref<!tpu.dma_semaphore, #tpu.memory_space<semaphore_mem>>)
    %dma_start3A_296 = arith.constant 3 : i32
    %dma_start3A_297 = arith.constant 64 : i32
    %dma_start3A_298 = tpu.memref_slice %arg11[%dma_start3A_296, %dma_start3A_297] : memref<4x128xi32, #tpu.memory_space<vmem>> -> memref<1x64xi32, #tpu.memory_space<vmem>>
    %dma_start3A_299 = tpu.memref_squeeze %dma_start3A_298 : memref<1x64xi32, #tpu.memory_space<vmem>> -> memref<64xi32, #tpu.memory_space<vmem>>
    %dma_start3A_300 = arith.constant 0 : i32
    %dma_start3A_301 = arith.constant 0 : i32
    %dma_start3A_302 = tpu.memref_slice %arg5[%dma_start3A_300, %dma_start3A_301] : memref<100000x128xf32, #tpu.memory_space<hbm>> -> memref<100000x128xf32, #tpu.memory_space<hbm>>
    tpu.enqueue_indirect_dma source(%dma_start3A_302 : memref<100000x128xf32, #tpu.memory_space<hbm>>) target(%arg19 : memref<64x128xf32, #tpu.memory_space<vmem>>) offsets(%dma_start3A_299 : memref<64xi32, #tpu.memory_space<vmem>>) semaphore(%arg31 : memref<!tpu.dma_semaphore, #tpu.memory_space<semaphore_mem>>)
    %dma_wait3A_303 = arith.constant 2 : i32
    %dma_wait3A_304 = arith.constant 0 : i32
    %dma_wait3A_305 = tpu.memref_slice %arg10[%dma_wait3A_303, %dma_wait3A_304] : memref<4x128xi32, #tpu.memory_space<vmem>> -> memref<1x64xi32, #tpu.memory_space<vmem>>
    %dma_wait3A_306 = tpu.memref_squeeze %dma_wait3A_305 : memref<1x64xi32, #tpu.memory_space<vmem>> -> memref<64xi32, #tpu.memory_space<vmem>>
    %dma_wait3A_307 = arith.constant 0 : i32
    %dma_wait3A_308 = arith.constant 0 : i32
    %dma_wait3A_309 = tpu.memref_slice %arg4[%dma_wait3A_307, %dma_wait3A_308] : memref<100000x128xf32, #tpu.memory_space<hbm>> -> memref<100000x128xf32, #tpu.memory_space<hbm>>
    tpu.wait_indirect_dma semaphore(%arg24 : memref<!tpu.dma_semaphore, #tpu.memory_space<semaphore_mem>>) src(%dma_wait3A_309 : memref<100000x128xf32, #tpu.memory_space<hbm>>) dst(%arg12 : memref<64x128xf32, #tpu.memory_space<vmem>>)
    %dma_wait3A_310 = arith.constant 2 : i32
    %dma_wait3A_311 = arith.constant 0 : i32
    %dma_wait3A_312 = tpu.memref_slice %arg11[%dma_wait3A_310, %dma_wait3A_311] : memref<4x128xi32, #tpu.memory_space<vmem>> -> memref<1x64xi32, #tpu.memory_space<vmem>>
    %dma_wait3A_313 = tpu.memref_squeeze %dma_wait3A_312 : memref<1x64xi32, #tpu.memory_space<vmem>> -> memref<64xi32, #tpu.memory_space<vmem>>
    %dma_wait3A_314 = arith.constant 0 : i32
    %dma_wait3A_315 = arith.constant 0 : i32
    %dma_wait3A_316 = tpu.memref_slice %arg5[%dma_wait3A_314, %dma_wait3A_315] : memref<100000x128xf32, #tpu.memory_space<hbm>> -> memref<100000x128xf32, #tpu.memory_space<hbm>>
    tpu.wait_indirect_dma semaphore(%arg28 : memref<!tpu.dma_semaphore, #tpu.memory_space<semaphore_mem>>) src(%dma_wait3A_316 : memref<100000x128xf32, #tpu.memory_space<hbm>>) dst(%arg16 : memref<64x128xf32, #tpu.memory_space<vmem>>)
    %scan3A_317 = arith.constant 0 : i32
    %scan3A_318 = arith.constant 64 : i32
    %scan3A_319 = arith.addi %scan3A_317, %scan3A_318 : i32
    %scan3A_320 = arith.constant 1 : i32
    %scan3A_321:8 = scf.for %scan3A_810 = %scan3A_317 to %scan3A_319 step %scan3A_320 iter_args(%scan3A_811 = %scan3A_287#0, %scan3A_812 = %scan3A_287#1, %scan3A_813 = %scan3A_287#2, %scan3A_814 = %scan3A_287#3, %scan3A_815 = %scan3A_287#4, %scan3A_816 = %scan3A_287#5, %scan3A_817 = %scan3A_287#6, %scan3A_818 = %scan3A_287#7) -> (vector<16xf32>, vector<16xf32>, vector<16xf32>, vector<16xf32>, vector<16xf32>, vector<16xf32>, vector<16xf32>, vector<16xf32>)  : i32 {
      %get3A_819 = arith.index_cast %scan3A_810 : i32 to index
      %get3A_820 = arith.constant 0 : index
      %get3A_821 = tpu.vector_load %arg12[%get3A_819, %get3A_820] {strides = array<i32>} : memref<64x128xf32, #tpu.memory_space<vmem>>, vector<1x16xf32>,
      %get3A_822 = vector.shape_cast %get3A_821 : vector<1x16xf32> to vector<16xf32>
      %get3A_823 = arith.index_cast %scan3A_810 : i32 to index
      %get3A_824 = arith.constant 0 : index
      %get3A_825 = tpu.vector_load %arg16[%get3A_823, %get3A_824] {strides = array<i32>} : memref<64x128xf32, #tpu.memory_space<vmem>>, vector<1x16xf32>,
      %get3A_826 = vector.shape_cast %get3A_825 : vector<1x16xf32> to vector<16xf32>
      %mul3A_827 = arith.mulf %get3A_822, %get3A_826 : vector<16xf32>
      %add3A_828 = arith.addf %scan3A_811, %mul3A_827 : vector<16xf32>
      %get3A_829 = arith.index_cast %scan3A_810 : i32 to index
      %get3A_830 = arith.constant 16 : index
      %get3A_831 = tpu.vector_load %arg12[%get3A_829, %get3A_830] {strides = array<i32>} : memref<64x128xf32, #tpu.memory_space<vmem>>, vector<1x16xf32>,
      %get3A_832 = vector.shape_cast %get3A_831 : vector<1x16xf32> to vector<16xf32>
      %get3A_833 = arith.index_cast %scan3A_810 : i32 to index
      %get3A_834 = arith.constant 16 : index
      %get3A_835 = tpu.vector_load %arg16[%get3A_833, %get3A_834] {strides = array<i32>} : memref<64x128xf32, #tpu.memory_space<vmem>>, vector<1x16xf32>,
      %get3A_836 = vector.shape_cast %get3A_835 : vector<1x16xf32> to vector<16xf32>
      %mul3A_837 = arith.mulf %get3A_832, %get3A_836 : vector<16xf32>
      %add3A_838 = arith.addf %scan3A_812, %mul3A_837 : vector<16xf32>
      %get3A_839 = arith.index_cast %scan3A_810 : i32 to index
      %get3A_840 = arith.constant 32 : index
      %get3A_841 = tpu.vector_load %arg12[%get3A_839, %get3A_840] {strides = array<i32>} : memref<64x128xf32, #tpu.memory_space<vmem>>, vector<1x16xf32>,
      %get3A_842 = vector.shape_cast %get3A_841 : vector<1x16xf32> to vector<16xf32>
      %get3A_843 = arith.index_cast %scan3A_810 : i32 to index
      %get3A_844 = arith.constant 32 : index
      %get3A_845 = tpu.vector_load %arg16[%get3A_843, %get3A_844] {strides = array<i32>} : memref<64x128xf32, #tpu.memory_space<vmem>>, vector<1x16xf32>,
      %get3A_846 = vector.shape_cast %get3A_845 : vector<1x16xf32> to vector<16xf32>
      %mul3A_847 = arith.mulf %get3A_842, %get3A_846 : vector<16xf32>
      %add3A_848 = arith.addf %scan3A_813, %mul3A_847 : vector<16xf32>
      %get3A_849 = arith.index_cast %scan3A_810 : i32 to index
      %get3A_850 = arith.constant 48 : index
      %get3A_851 = tpu.vector_load %arg12[%get3A_849, %get3A_850] {strides = array<i32>} : memref<64x128xf32, #tpu.memory_space<vmem>>, vector<1x16xf32>,
      %get3A_852 = vector.shape_cast %get3A_851 : vector<1x16xf32> to vector<16xf32>
      %get3A_853 = arith.index_cast %scan3A_810 : i32 to index
      %get3A_854 = arith.constant 48 : index
      %get3A_855 = tpu.vector_load %arg16[%get3A_853, %get3A_854] {strides = array<i32>} : memref<64x128xf32, #tpu.memory_space<vmem>>, vector<1x16xf32>,
      %get3A_856 = vector.shape_cast %get3A_855 : vector<1x16xf32> to vector<16xf32>
      %mul3A_857 = arith.mulf %get3A_852, %get3A_856 : vector<16xf32>
      %add3A_858 = arith.addf %scan3A_814, %mul3A_857 : vector<16xf32>
      %get3A_859 = arith.index_cast %scan3A_810 : i32 to index
      %get3A_860 = arith.constant 64 : index
      %get3A_861 = tpu.vector_load %arg12[%get3A_859, %get3A_860] {strides = array<i32>} : memref<64x128xf32, #tpu.memory_space<vmem>>, vector<1x16xf32>,
      %get3A_862 = vector.shape_cast %get3A_861 : vector<1x16xf32> to vector<16xf32>
      %get3A_863 = arith.index_cast %scan3A_810 : i32 to index
      %get3A_864 = arith.constant 64 : index
      %get3A_865 = tpu.vector_load %arg16[%get3A_863, %get3A_864] {strides = array<i32>} : memref<64x128xf32, #tpu.memory_space<vmem>>, vector<1x16xf32>,
      %get3A_866 = vector.shape_cast %get3A_865 : vector<1x16xf32> to vector<16xf32>
      %mul3A_867 = arith.mulf %get3A_862, %get3A_866 : vector<16xf32>
      %add3A_868 = arith.addf %scan3A_815, %mul3A_867 : vector<16xf32>
      %get3A_869 = arith.index_cast %scan3A_810 : i32 to index
      %get3A_870 = arith.constant 80 : index
      %get3A_871 = tpu.vector_load %arg12[%get3A_869, %get3A_870] {strides = array<i32>} : memref<64x128xf32, #tpu.memory_space<vmem>>, vector<1x16xf32>,
      %get3A_872 = vector.shape_cast %get3A_871 : vector<1x16xf32> to vector<16xf32>
      %get3A_873 = arith.index_cast %scan3A_810 : i32 to index
      %get3A_874 = arith.constant 80 : index
      %get3A_875 = tpu.vector_load %arg16[%get3A_873, %get3A_874] {strides = array<i32>} : memref<64x128xf32, #tpu.memory_space<vmem>>, vector<1x16xf32>,
      %get3A_876 = vector.shape_cast %get3A_875 : vector<1x16xf32> to vector<16xf32>
      %mul3A_877 = arith.mulf %get3A_872, %get3A_876 : vector<16xf32>
      %add3A_878 = arith.addf %scan3A_816, %mul3A_877 : vector<16xf32>
      %get3A_879 = arith.index_cast %scan3A_810 : i32 to index
      %get3A_880 = arith.constant 96 : index
      %get3A_881 = tpu.vector_load %arg12[%get3A_879, %get3A_880] {strides = array<i32>} : memref<64x128xf32, #tpu.memory_space<vmem>>, vector<1x16xf32>,
      %get3A_882 = vector.shape_cast %get3A_881 : vector<1x16xf32> to vector<16xf32>
      %get3A_883 = arith.index_cast %scan3A_810 : i32 to index
      %get3A_884 = arith.constant 96 : index
      %get3A_885 = tpu.vector_load %arg16[%get3A_883, %get3A_884] {strides = array<i32>} : memref<64x128xf32, #tpu.memory_space<vmem>>, vector<1x16xf32>,
      %get3A_886 = vector.shape_cast %get3A_885 : vector<1x16xf32> to vector<16xf32>
      %mul3A_887 = arith.mulf %get3A_882, %get3A_886 : vector<16xf32>
      %add3A_888 = arith.addf %scan3A_817, %mul3A_887 : vector<16xf32>
      %get3A_889 = arith.index_cast %scan3A_810 : i32 to index
      %get3A_890 = arith.constant 112 : index
      %get3A_891 = tpu.vector_load %arg12[%get3A_889, %get3A_890] {strides = array<i32>} : memref<64x128xf32, #tpu.memory_space<vmem>>, vector<1x16xf32>,
      %get3A_892 = vector.shape_cast %get3A_891 : vector<1x16xf32> to vector<16xf32>
      %get3A_893 = arith.index_cast %scan3A_810 : i32 to index
      %get3A_894 = arith.constant 112 : index
      %get3A_895 = tpu.vector_load %arg16[%get3A_893, %get3A_894] {strides = array<i32>} : memref<64x128xf32, #tpu.memory_space<vmem>>, vector<1x16xf32>,
      %get3A_896 = vector.shape_cast %get3A_895 : vector<1x16xf32> to vector<16xf32>
      %mul3A_897 = arith.mulf %get3A_892, %get3A_896 : vector<16xf32>
      %add3A_898 = arith.addf %scan3A_818, %mul3A_897 : vector<16xf32>
      scf.yield %add3A_828, %add3A_838, %add3A_848, %add3A_858, %add3A_868, %add3A_878, %add3A_888, %add3A_898 : vector<16xf32>, vector<16xf32>, vector<16xf32>, vector<16xf32>, vector<16xf32>, vector<16xf32>, vector<16xf32>, vector<16xf32>
    }
    %scan3A_322 = arith.constant 64 : i32
    %dma_wait3A_323 = arith.constant 2 : i32
    %dma_wait3A_324 = arith.constant 64 : i32
    %dma_wait3A_325 = tpu.memref_slice %arg10[%dma_wait3A_323, %dma_wait3A_324] : memref<4x128xi32, #tpu.memory_space<vmem>> -> memref<1x64xi32, #tpu.memory_space<vmem>>
    %dma_wait3A_326 = tpu.memref_squeeze %dma_wait3A_325 : memref<1x64xi32, #tpu.memory_space<vmem>> -> memref<64xi32, #tpu.memory_space<vmem>>
    %dma_wait3A_327 = arith.constant 0 : i32
    %dma_wait3A_328 = arith.constant 0 : i32
    %dma_wait3A_329 = tpu.memref_slice %arg4[%dma_wait3A_327, %dma_wait3A_328] : memref<100000x128xf32, #tpu.memory_space<hbm>> -> memref<100000x128xf32, #tpu.memory_space<hbm>>
    tpu.wait_indirect_dma semaphore(%arg25 : memref<!tpu.dma_semaphore, #tpu.memory_space<semaphore_mem>>) src(%dma_wait3A_329 : memref<100000x128xf32, #tpu.memory_space<hbm>>) dst(%arg13 : memref<64x128xf32, #tpu.memory_space<vmem>>)
    %dma_wait3A_330 = arith.constant 2 : i32
    %dma_wait3A_331 = arith.constant 64 : i32
    %dma_wait3A_332 = tpu.memref_slice %arg11[%dma_wait3A_330, %dma_wait3A_331] : memref<4x128xi32, #tpu.memory_space<vmem>> -> memref<1x64xi32, #tpu.memory_space<vmem>>
    %dma_wait3A_333 = tpu.memref_squeeze %dma_wait3A_332 : memref<1x64xi32, #tpu.memory_space<vmem>> -> memref<64xi32, #tpu.memory_space<vmem>>
    %dma_wait3A_334 = arith.constant 0 : i32
    %dma_wait3A_335 = arith.constant 0 : i32
    %dma_wait3A_336 = tpu.memref_slice %arg5[%dma_wait3A_334, %dma_wait3A_335] : memref<100000x128xf32, #tpu.memory_space<hbm>> -> memref<100000x128xf32, #tpu.memory_space<hbm>>
    tpu.wait_indirect_dma semaphore(%arg29 : memref<!tpu.dma_semaphore, #tpu.memory_space<semaphore_mem>>) src(%dma_wait3A_336 : memref<100000x128xf32, #tpu.memory_space<hbm>>) dst(%arg17 : memref<64x128xf32, #tpu.memory_space<vmem>>)
    %scan3A_337 = arith.constant 0 : i32
    %scan3A_338 = arith.constant 64 : i32
    %scan3A_339 = arith.addi %scan3A_337, %scan3A_338 : i32
    %scan3A_340 = arith.constant 1 : i32
    %scan3A_341:8 = scf.for %scan3A_810 = %scan3A_337 to %scan3A_339 step %scan3A_340 iter_args(%scan3A_811 = %scan3A_321#0, %scan3A_812 = %scan3A_321#1, %scan3A_813 = %scan3A_321#2, %scan3A_814 = %scan3A_321#3, %scan3A_815 = %scan3A_321#4, %scan3A_816 = %scan3A_321#5, %scan3A_817 = %scan3A_321#6, %scan3A_818 = %scan3A_321#7) -> (vector<16xf32>, vector<16xf32>, vector<16xf32>, vector<16xf32>, vector<16xf32>, vector<16xf32>, vector<16xf32>, vector<16xf32>)  : i32 {
      %get3A_819 = arith.index_cast %scan3A_810 : i32 to index
      %get3A_820 = arith.constant 0 : index
      %get3A_821 = tpu.vector_load %arg13[%get3A_819, %get3A_820] {strides = array<i32>} : memref<64x128xf32, #tpu.memory_space<vmem>>, vector<1x16xf32>,
      %get3A_822 = vector.shape_cast %get3A_821 : vector<1x16xf32> to vector<16xf32>
      %get3A_823 = arith.index_cast %scan3A_810 : i32 to index
      %get3A_824 = arith.constant 0 : index
      %get3A_825 = tpu.vector_load %arg17[%get3A_823, %get3A_824] {strides = array<i32>} : memref<64x128xf32, #tpu.memory_space<vmem>>, vector<1x16xf32>,
      %get3A_826 = vector.shape_cast %get3A_825 : vector<1x16xf32> to vector<16xf32>
      %mul3A_827 = arith.mulf %get3A_822, %get3A_826 : vector<16xf32>
      %add3A_828 = arith.addf %scan3A_811, %mul3A_827 : vector<16xf32>
      %get3A_829 = arith.index_cast %scan3A_810 : i32 to index
      %get3A_830 = arith.constant 16 : index
      %get3A_831 = tpu.vector_load %arg13[%get3A_829, %get3A_830] {strides = array<i32>} : memref<64x128xf32, #tpu.memory_space<vmem>>, vector<1x16xf32>,
      %get3A_832 = vector.shape_cast %get3A_831 : vector<1x16xf32> to vector<16xf32>
      %get3A_833 = arith.index_cast %scan3A_810 : i32 to index
      %get3A_834 = arith.constant 16 : index
      %get3A_835 = tpu.vector_load %arg17[%get3A_833, %get3A_834] {strides = array<i32>} : memref<64x128xf32, #tpu.memory_space<vmem>>, vector<1x16xf32>,
      %get3A_836 = vector.shape_cast %get3A_835 : vector<1x16xf32> to vector<16xf32>
      %mul3A_837 = arith.mulf %get3A_832, %get3A_836 : vector<16xf32>
      %add3A_838 = arith.addf %scan3A_812, %mul3A_837 : vector<16xf32>
      %get3A_839 = arith.index_cast %scan3A_810 : i32 to index
      %get3A_840 = arith.constant 32 : index
      %get3A_841 = tpu.vector_load %arg13[%get3A_839, %get3A_840] {strides = array<i32>} : memref<64x128xf32, #tpu.memory_space<vmem>>, vector<1x16xf32>,
      %get3A_842 = vector.shape_cast %get3A_841 : vector<1x16xf32> to vector<16xf32>
      %get3A_843 = arith.index_cast %scan3A_810 : i32 to index
      %get3A_844 = arith.constant 32 : index
      %get3A_845 = tpu.vector_load %arg17[%get3A_843, %get3A_844] {strides = array<i32>} : memref<64x128xf32, #tpu.memory_space<vmem>>, vector<1x16xf32>,
      %get3A_846 = vector.shape_cast %get3A_845 : vector<1x16xf32> to vector<16xf32>
      %mul3A_847 = arith.mulf %get3A_842, %get3A_846 : vector<16xf32>
      %add3A_848 = arith.addf %scan3A_813, %mul3A_847 : vector<16xf32>
      %get3A_849 = arith.index_cast %scan3A_810 : i32 to index
      %get3A_850 = arith.constant 48 : index
      %get3A_851 = tpu.vector_load %arg13[%get3A_849, %get3A_850] {strides = array<i32>} : memref<64x128xf32, #tpu.memory_space<vmem>>, vector<1x16xf32>,
      %get3A_852 = vector.shape_cast %get3A_851 : vector<1x16xf32> to vector<16xf32>
      %get3A_853 = arith.index_cast %scan3A_810 : i32 to index
      %get3A_854 = arith.constant 48 : index
      %get3A_855 = tpu.vector_load %arg17[%get3A_853, %get3A_854] {strides = array<i32>} : memref<64x128xf32, #tpu.memory_space<vmem>>, vector<1x16xf32>,
      %get3A_856 = vector.shape_cast %get3A_855 : vector<1x16xf32> to vector<16xf32>
      %mul3A_857 = arith.mulf %get3A_852, %get3A_856 : vector<16xf32>
      %add3A_858 = arith.addf %scan3A_814, %mul3A_857 : vector<16xf32>
      %get3A_859 = arith.index_cast %scan3A_810 : i32 to index
      %get3A_860 = arith.constant 64 : index
      %get3A_861 = tpu.vector_load %arg13[%get3A_859, %get3A_860] {strides = array<i32>} : memref<64x128xf32, #tpu.memory_space<vmem>>, vector<1x16xf32>,
      %get3A_862 = vector.shape_cast %get3A_861 : vector<1x16xf32> to vector<16xf32>
      %get3A_863 = arith.index_cast %scan3A_810 : i32 to index
      %get3A_864 = arith.constant 64 : index
      %get3A_865 = tpu.vector_load %arg17[%get3A_863, %get3A_864] {strides = array<i32>} : memref<64x128xf32, #tpu.memory_space<vmem>>, vector<1x16xf32>,
      %get3A_866 = vector.shape_cast %get3A_865 : vector<1x16xf32> to vector<16xf32>
      %mul3A_867 = arith.mulf %get3A_862, %get3A_866 : vector<16xf32>
      %add3A_868 = arith.addf %scan3A_815, %mul3A_867 : vector<16xf32>
      %get3A_869 = arith.index_cast %scan3A_810 : i32 to index
      %get3A_870 = arith.constant 80 : index
      %get3A_871 = tpu.vector_load %arg13[%get3A_869, %get3A_870] {strides = array<i32>} : memref<64x128xf32, #tpu.memory_space<vmem>>, vector<1x16xf32>,
      %get3A_872 = vector.shape_cast %get3A_871 : vector<1x16xf32> to vector<16xf32>
      %get3A_873 = arith.index_cast %scan3A_810 : i32 to index
      %get3A_874 = arith.constant 80 : index
      %get3A_875 = tpu.vector_load %arg17[%get3A_873, %get3A_874] {strides = array<i32>} : memref<64x128xf32, #tpu.memory_space<vmem>>, vector<1x16xf32>,
      %get3A_876 = vector.shape_cast %get3A_875 : vector<1x16xf32> to vector<16xf32>
      %mul3A_877 = arith.mulf %get3A_872, %get3A_876 : vector<16xf32>
      %add3A_878 = arith.addf %scan3A_816, %mul3A_877 : vector<16xf32>
      %get3A_879 = arith.index_cast %scan3A_810 : i32 to index
      %get3A_880 = arith.constant 96 : index
      %get3A_881 = tpu.vector_load %arg13[%get3A_879, %get3A_880] {strides = array<i32>} : memref<64x128xf32, #tpu.memory_space<vmem>>, vector<1x16xf32>,
      %get3A_882 = vector.shape_cast %get3A_881 : vector<1x16xf32> to vector<16xf32>
      %get3A_883 = arith.index_cast %scan3A_810 : i32 to index
      %get3A_884 = arith.constant 96 : index
      %get3A_885 = tpu.vector_load %arg17[%get3A_883, %get3A_884] {strides = array<i32>} : memref<64x128xf32, #tpu.memory_space<vmem>>, vector<1x16xf32>,
      %get3A_886 = vector.shape_cast %get3A_885 : vector<1x16xf32> to vector<16xf32>
      %mul3A_887 = arith.mulf %get3A_882, %get3A_886 : vector<16xf32>
      %add3A_888 = arith.addf %scan3A_817, %mul3A_887 : vector<16xf32>
      %get3A_889 = arith.index_cast %scan3A_810 : i32 to index
      %get3A_890 = arith.constant 112 : index
      %get3A_891 = tpu.vector_load %arg13[%get3A_889, %get3A_890] {strides = array<i32>} : memref<64x128xf32, #tpu.memory_space<vmem>>, vector<1x16xf32>,
      %get3A_892 = vector.shape_cast %get3A_891 : vector<1x16xf32> to vector<16xf32>
      %get3A_893 = arith.index_cast %scan3A_810 : i32 to index
      %get3A_894 = arith.constant 112 : index
      %get3A_895 = tpu.vector_load %arg17[%get3A_893, %get3A_894] {strides = array<i32>} : memref<64x128xf32, #tpu.memory_space<vmem>>, vector<1x16xf32>,
      %get3A_896 = vector.shape_cast %get3A_895 : vector<1x16xf32> to vector<16xf32>
      %mul3A_897 = arith.mulf %get3A_892, %get3A_896 : vector<16xf32>
      %add3A_898 = arith.addf %scan3A_818, %mul3A_897 : vector<16xf32>
      scf.yield %add3A_828, %add3A_838, %add3A_848, %add3A_858, %add3A_868, %add3A_878, %add3A_888, %add3A_898 : vector<16xf32>, vector<16xf32>, vector<16xf32>, vector<16xf32>, vector<16xf32>, vector<16xf32>, vector<16xf32>, vector<16xf32>
    }
    %scan3A_342 = arith.constant 64 : i32
    %dma_wait3A_343 = arith.constant 3 : i32
    %dma_wait3A_344 = arith.constant 0 : i32
    %dma_wait3A_345 = tpu.memref_slice %arg10[%dma_wait3A_343, %dma_wait3A_344] : memref<4x128xi32, #tpu.memory_space<vmem>> -> memref<1x64xi32, #tpu.memory_space<vmem>>
    %dma_wait3A_346 = tpu.memref_squeeze %dma_wait3A_345 : memref<1x64xi32, #tpu.memory_space<vmem>> -> memref<64xi32, #tpu.memory_space<vmem>>
    %dma_wait3A_347 = arith.constant 0 : i32
    %dma_wait3A_348 = arith.constant 0 : i32
    %dma_wait3A_349 = tpu.memref_slice %arg4[%dma_wait3A_347, %dma_wait3A_348] : memref<100000x128xf32, #tpu.memory_space<hbm>> -> memref<100000x128xf32, #tpu.memory_space<hbm>>
    tpu.wait_indirect_dma semaphore(%arg26 : memref<!tpu.dma_semaphore, #tpu.memory_space<semaphore_mem>>) src(%dma_wait3A_349 : memref<100000x128xf32, #tpu.memory_space<hbm>>) dst(%arg14 : memref<64x128xf32, #tpu.memory_space<vmem>>)
    %dma_wait3A_350 = arith.constant 3 : i32
    %dma_wait3A_351 = arith.constant 0 : i32
    %dma_wait3A_352 = tpu.memref_slice %arg11[%dma_wait3A_350, %dma_wait3A_351] : memref<4x128xi32, #tpu.memory_space<vmem>> -> memref<1x64xi32, #tpu.memory_space<vmem>>
    %dma_wait3A_353 = tpu.memref_squeeze %dma_wait3A_352 : memref<1x64xi32, #tpu.memory_space<vmem>> -> memref<64xi32, #tpu.memory_space<vmem>>
    %dma_wait3A_354 = arith.constant 0 : i32
    %dma_wait3A_355 = arith.constant 0 : i32
    %dma_wait3A_356 = tpu.memref_slice %arg5[%dma_wait3A_354, %dma_wait3A_355] : memref<100000x128xf32, #tpu.memory_space<hbm>> -> memref<100000x128xf32, #tpu.memory_space<hbm>>
    tpu.wait_indirect_dma semaphore(%arg30 : memref<!tpu.dma_semaphore, #tpu.memory_space<semaphore_mem>>) src(%dma_wait3A_356 : memref<100000x128xf32, #tpu.memory_space<hbm>>) dst(%arg18 : memref<64x128xf32, #tpu.memory_space<vmem>>)
    %scan3A_357 = arith.constant 0 : i32
    %scan3A_358 = arith.constant 64 : i32
    %scan3A_359 = arith.addi %scan3A_357, %scan3A_358 : i32
    %scan3A_360 = arith.constant 1 : i32
    %scan3A_361:8 = scf.for %scan3A_810 = %scan3A_357 to %scan3A_359 step %scan3A_360 iter_args(%scan3A_811 = %scan3A_341#0, %scan3A_812 = %scan3A_341#1, %scan3A_813 = %scan3A_341#2, %scan3A_814 = %scan3A_341#3, %scan3A_815 = %scan3A_341#4, %scan3A_816 = %scan3A_341#5, %scan3A_817 = %scan3A_341#6, %scan3A_818 = %scan3A_341#7) -> (vector<16xf32>, vector<16xf32>, vector<16xf32>, vector<16xf32>, vector<16xf32>, vector<16xf32>, vector<16xf32>, vector<16xf32>)  : i32 {
      %get3A_819 = arith.index_cast %scan3A_810 : i32 to index
      %get3A_820 = arith.constant 0 : index
      %get3A_821 = tpu.vector_load %arg14[%get3A_819, %get3A_820] {strides = array<i32>} : memref<64x128xf32, #tpu.memory_space<vmem>>, vector<1x16xf32>,
      %get3A_822 = vector.shape_cast %get3A_821 : vector<1x16xf32> to vector<16xf32>
      %get3A_823 = arith.index_cast %scan3A_810 : i32 to index
      %get3A_824 = arith.constant 0 : index
      %get3A_825 = tpu.vector_load %arg18[%get3A_823, %get3A_824] {strides = array<i32>} : memref<64x128xf32, #tpu.memory_space<vmem>>, vector<1x16xf32>,
      %get3A_826 = vector.shape_cast %get3A_825 : vector<1x16xf32> to vector<16xf32>
      %mul3A_827 = arith.mulf %get3A_822, %get3A_826 : vector<16xf32>
      %add3A_828 = arith.addf %scan3A_811, %mul3A_827 : vector<16xf32>
      %get3A_829 = arith.index_cast %scan3A_810 : i32 to index
      %get3A_830 = arith.constant 16 : index
      %get3A_831 = tpu.vector_load %arg14[%get3A_829, %get3A_830] {strides = array<i32>} : memref<64x128xf32, #tpu.memory_space<vmem>>, vector<1x16xf32>,
      %get3A_832 = vector.shape_cast %get3A_831 : vector<1x16xf32> to vector<16xf32>
      %get3A_833 = arith.index_cast %scan3A_810 : i32 to index
      %get3A_834 = arith.constant 16 : index
      %get3A_835 = tpu.vector_load %arg18[%get3A_833, %get3A_834] {strides = array<i32>} : memref<64x128xf32, #tpu.memory_space<vmem>>, vector<1x16xf32>,
      %get3A_836 = vector.shape_cast %get3A_835 : vector<1x16xf32> to vector<16xf32>
      %mul3A_837 = arith.mulf %get3A_832, %get3A_836 : vector<16xf32>
      %add3A_838 = arith.addf %scan3A_812, %mul3A_837 : vector<16xf32>
      %get3A_839 = arith.index_cast %scan3A_810 : i32 to index
      %get3A_840 = arith.constant 32 : index
      %get3A_841 = tpu.vector_load %arg14[%get3A_839, %get3A_840] {strides = array<i32>} : memref<64x128xf32, #tpu.memory_space<vmem>>, vector<1x16xf32>,
      %get3A_842 = vector.shape_cast %get3A_841 : vector<1x16xf32> to vector<16xf32>
      %get3A_843 = arith.index_cast %scan3A_810 : i32 to index
      %get3A_844 = arith.constant 32 : index
      %get3A_845 = tpu.vector_load %arg18[%get3A_843, %get3A_844] {strides = array<i32>} : memref<64x128xf32, #tpu.memory_space<vmem>>, vector<1x16xf32>,
      %get3A_846 = vector.shape_cast %get3A_845 : vector<1x16xf32> to vector<16xf32>
      %mul3A_847 = arith.mulf %get3A_842, %get3A_846 : vector<16xf32>
      %add3A_848 = arith.addf %scan3A_813, %mul3A_847 : vector<16xf32>
      %get3A_849 = arith.index_cast %scan3A_810 : i32 to index
      %get3A_850 = arith.constant 48 : index
      %get3A_851 = tpu.vector_load %arg14[%get3A_849, %get3A_850] {strides = array<i32>} : memref<64x128xf32, #tpu.memory_space<vmem>>, vector<1x16xf32>,
      %get3A_852 = vector.shape_cast %get3A_851 : vector<1x16xf32> to vector<16xf32>
      %get3A_853 = arith.index_cast %scan3A_810 : i32 to index
      %get3A_854 = arith.constant 48 : index
      %get3A_855 = tpu.vector_load %arg18[%get3A_853, %get3A_854] {strides = array<i32>} : memref<64x128xf32, #tpu.memory_space<vmem>>, vector<1x16xf32>,
      %get3A_856 = vector.shape_cast %get3A_855 : vector<1x16xf32> to vector<16xf32>
      %mul3A_857 = arith.mulf %get3A_852, %get3A_856 : vector<16xf32>
      %add3A_858 = arith.addf %scan3A_814, %mul3A_857 : vector<16xf32>
      %get3A_859 = arith.index_cast %scan3A_810 : i32 to index
      %get3A_860 = arith.constant 64 : index
      %get3A_861 = tpu.vector_load %arg14[%get3A_859, %get3A_860] {strides = array<i32>} : memref<64x128xf32, #tpu.memory_space<vmem>>, vector<1x16xf32>,
      %get3A_862 = vector.shape_cast %get3A_861 : vector<1x16xf32> to vector<16xf32>
      %get3A_863 = arith.index_cast %scan3A_810 : i32 to index
      %get3A_864 = arith.constant 64 : index
      %get3A_865 = tpu.vector_load %arg18[%get3A_863, %get3A_864] {strides = array<i32>} : memref<64x128xf32, #tpu.memory_space<vmem>>, vector<1x16xf32>,
      %get3A_866 = vector.shape_cast %get3A_865 : vector<1x16xf32> to vector<16xf32>
      %mul3A_867 = arith.mulf %get3A_862, %get3A_866 : vector<16xf32>
      %add3A_868 = arith.addf %scan3A_815, %mul3A_867 : vector<16xf32>
      %get3A_869 = arith.index_cast %scan3A_810 : i32 to index
      %get3A_870 = arith.constant 80 : index
      %get3A_871 = tpu.vector_load %arg14[%get3A_869, %get3A_870] {strides = array<i32>} : memref<64x128xf32, #tpu.memory_space<vmem>>, vector<1x16xf32>,
      %get3A_872 = vector.shape_cast %get3A_871 : vector<1x16xf32> to vector<16xf32>
      %get3A_873 = arith.index_cast %scan3A_810 : i32 to index
      %get3A_874 = arith.constant 80 : index
      %get3A_875 = tpu.vector_load %arg18[%get3A_873, %get3A_874] {strides = array<i32>} : memref<64x128xf32, #tpu.memory_space<vmem>>, vector<1x16xf32>,
      %get3A_876 = vector.shape_cast %get3A_875 : vector<1x16xf32> to vector<16xf32>
      %mul3A_877 = arith.mulf %get3A_872, %get3A_876 : vector<16xf32>
      %add3A_878 = arith.addf %scan3A_816, %mul3A_877 : vector<16xf32>
      %get3A_879 = arith.index_cast %scan3A_810 : i32 to index
      %get3A_880 = arith.constant 96 : index
      %get3A_881 = tpu.vector_load %arg14[%get3A_879, %get3A_880] {strides = array<i32>} : memref<64x128xf32, #tpu.memory_space<vmem>>, vector<1x16xf32>,
      %get3A_882 = vector.shape_cast %get3A_881 : vector<1x16xf32> to vector<16xf32>
      %get3A_883 = arith.index_cast %scan3A_810 : i32 to index
      %get3A_884 = arith.constant 96 : index
      %get3A_885 = tpu.vector_load %arg18[%get3A_883, %get3A_884] {strides = array<i32>} : memref<64x128xf32, #tpu.memory_space<vmem>>, vector<1x16xf32>,
      %get3A_886 = vector.shape_cast %get3A_885 : vector<1x16xf32> to vector<16xf32>
      %mul3A_887 = arith.mulf %get3A_882, %get3A_886 : vector<16xf32>
      %add3A_888 = arith.addf %scan3A_817, %mul3A_887 : vector<16xf32>
      %get3A_889 = arith.index_cast %scan3A_810 : i32 to index
      %get3A_890 = arith.constant 112 : index
      %get3A_891 = tpu.vector_load %arg14[%get3A_889, %get3A_890] {strides = array<i32>} : memref<64x128xf32, #tpu.memory_space<vmem>>, vector<1x16xf32>,
      %get3A_892 = vector.shape_cast %get3A_891 : vector<1x16xf32> to vector<16xf32>
      %get3A_893 = arith.index_cast %scan3A_810 : i32 to index
      %get3A_894 = arith.constant 112 : index
      %get3A_895 = tpu.vector_load %arg18[%get3A_893, %get3A_894] {strides = array<i32>} : memref<64x128xf32, #tpu.memory_space<vmem>>, vector<1x16xf32>,
      %get3A_896 = vector.shape_cast %get3A_895 : vector<1x16xf32> to vector<16xf32>
      %mul3A_897 = arith.mulf %get3A_892, %get3A_896 : vector<16xf32>
      %add3A_898 = arith.addf %scan3A_818, %mul3A_897 : vector<16xf32>
      scf.yield %add3A_828, %add3A_838, %add3A_848, %add3A_858, %add3A_868, %add3A_878, %add3A_888, %add3A_898 : vector<16xf32>, vector<16xf32>, vector<16xf32>, vector<16xf32>, vector<16xf32>, vector<16xf32>, vector<16xf32>, vector<16xf32>
    }
    %scan3A_362 = arith.constant 64 : i32
    %dma_wait3A_363 = arith.constant 3 : i32
    %dma_wait3A_364 = arith.constant 64 : i32
    %dma_wait3A_365 = tpu.memref_slice %arg10[%dma_wait3A_363, %dma_wait3A_364] : memref<4x128xi32, #tpu.memory_space<vmem>> -> memref<1x64xi32, #tpu.memory_space<vmem>>
    %dma_wait3A_366 = tpu.memref_squeeze %dma_wait3A_365 : memref<1x64xi32, #tpu.memory_space<vmem>> -> memref<64xi32, #tpu.memory_space<vmem>>
    %dma_wait3A_367 = arith.constant 0 : i32
    %dma_wait3A_368 = arith.constant 0 : i32
    %dma_wait3A_369 = tpu.memref_slice %arg4[%dma_wait3A_367, %dma_wait3A_368] : memref<100000x128xf32, #tpu.memory_space<hbm>> -> memref<100000x128xf32, #tpu.memory_space<hbm>>
    tpu.wait_indirect_dma semaphore(%arg27 : memref<!tpu.dma_semaphore, #tpu.memory_space<semaphore_mem>>) src(%dma_wait3A_369 : memref<100000x128xf32, #tpu.memory_space<hbm>>) dst(%arg15 : memref<64x128xf32, #tpu.memory_space<vmem>>)
    %dma_wait3A_370 = arith.constant 3 : i32
    %dma_wait3A_371 = arith.constant 64 : i32
    %dma_wait3A_372 = tpu.memref_slice %arg11[%dma_wait3A_370, %dma_wait3A_371] : memref<4x128xi32, #tpu.memory_space<vmem>> -> memref<1x64xi32, #tpu.memory_space<vmem>>
    %dma_wait3A_373 = tpu.memref_squeeze %dma_wait3A_372 : memref<1x64xi32, #tpu.memory_space<vmem>> -> memref<64xi32, #tpu.memory_space<vmem>>
    %dma_wait3A_374 = arith.constant 0 : i32
    %dma_wait3A_375 = arith.constant 0 : i32
    %dma_wait3A_376 = tpu.memref_slice %arg5[%dma_wait3A_374, %dma_wait3A_375] : memref<100000x128xf32, #tpu.memory_space<hbm>> -> memref<100000x128xf32, #tpu.memory_space<hbm>>
    tpu.wait_indirect_dma semaphore(%arg31 : memref<!tpu.dma_semaphore, #tpu.memory_space<semaphore_mem>>) src(%dma_wait3A_376 : memref<100000x128xf32, #tpu.memory_space<hbm>>) dst(%arg19 : memref<64x128xf32, #tpu.memory_space<vmem>>)
    %scan3A_377 = arith.constant 0 : i32
    %scan3A_378 = arith.constant 64 : i32
    %scan3A_379 = arith.addi %scan3A_377, %scan3A_378 : i32
    %scan3A_380 = arith.constant 1 : i32
    %scan3A_381:8 = scf.for %scan3A_810 = %scan3A_377 to %scan3A_379 step %scan3A_380 iter_args(%scan3A_811 = %scan3A_361#0, %scan3A_812 = %scan3A_361#1, %scan3A_813 = %scan3A_361#2, %scan3A_814 = %scan3A_361#3, %scan3A_815 = %scan3A_361#4, %scan3A_816 = %scan3A_361#5, %scan3A_817 = %scan3A_361#6, %scan3A_818 = %scan3A_361#7) -> (vector<16xf32>, vector<16xf32>, vector<16xf32>, vector<16xf32>, vector<16xf32>, vector<16xf32>, vector<16xf32>, vector<16xf32>)  : i32 {
      %get3A_819 = arith.index_cast %scan3A_810 : i32 to index
      %get3A_820 = arith.constant 0 : index
      %get3A_821 = tpu.vector_load %arg15[%get3A_819, %get3A_820] {strides = array<i32>} : memref<64x128xf32, #tpu.memory_space<vmem>>, vector<1x16xf32>,
      %get3A_822 = vector.shape_cast %get3A_821 : vector<1x16xf32> to vector<16xf32>
      %get3A_823 = arith.index_cast %scan3A_810 : i32 to index
      %get3A_824 = arith.constant 0 : index
      %get3A_825 = tpu.vector_load %arg19[%get3A_823, %get3A_824] {strides = array<i32>} : memref<64x128xf32, #tpu.memory_space<vmem>>, vector<1x16xf32>,
      %get3A_826 = vector.shape_cast %get3A_825 : vector<1x16xf32> to vector<16xf32>
      %mul3A_827 = arith.mulf %get3A_822, %get3A_826 : vector<16xf32>
      %add3A_828 = arith.addf %scan3A_811, %mul3A_827 : vector<16xf32>
      %get3A_829 = arith.index_cast %scan3A_810 : i32 to index
      %get3A_830 = arith.constant 16 : index
      %get3A_831 = tpu.vector_load %arg15[%get3A_829, %get3A_830] {strides = array<i32>} : memref<64x128xf32, #tpu.memory_space<vmem>>, vector<1x16xf32>,
      %get3A_832 = vector.shape_cast %get3A_831 : vector<1x16xf32> to vector<16xf32>
      %get3A_833 = arith.index_cast %scan3A_810 : i32 to index
      %get3A_834 = arith.constant 16 : index
      %get3A_835 = tpu.vector_load %arg19[%get3A_833, %get3A_834] {strides = array<i32>} : memref<64x128xf32, #tpu.memory_space<vmem>>, vector<1x16xf32>,
      %get3A_836 = vector.shape_cast %get3A_835 : vector<1x16xf32> to vector<16xf32>
      %mul3A_837 = arith.mulf %get3A_832, %get3A_836 : vector<16xf32>
      %add3A_838 = arith.addf %scan3A_812, %mul3A_837 : vector<16xf32>
      %get3A_839 = arith.index_cast %scan3A_810 : i32 to index
      %get3A_840 = arith.constant 32 : index
      %get3A_841 = tpu.vector_load %arg15[%get3A_839, %get3A_840] {strides = array<i32>} : memref<64x128xf32, #tpu.memory_space<vmem>>, vector<1x16xf32>,
      %get3A_842 = vector.shape_cast %get3A_841 : vector<1x16xf32> to vector<16xf32>
      %get3A_843 = arith.index_cast %scan3A_810 : i32 to index
      %get3A_844 = arith.constant 32 : index
      %get3A_845 = tpu.vector_load %arg19[%get3A_843, %get3A_844] {strides = array<i32>} : memref<64x128xf32, #tpu.memory_space<vmem>>, vector<1x16xf32>,
      %get3A_846 = vector.shape_cast %get3A_845 : vector<1x16xf32> to vector<16xf32>
      %mul3A_847 = arith.mulf %get3A_842, %get3A_846 : vector<16xf32>
      %add3A_848 = arith.addf %scan3A_813, %mul3A_847 : vector<16xf32>
      %get3A_849 = arith.index_cast %scan3A_810 : i32 to index
      %get3A_850 = arith.constant 48 : index
      %get3A_851 = tpu.vector_load %arg15[%get3A_849, %get3A_850] {strides = array<i32>} : memref<64x128xf32, #tpu.memory_space<vmem>>, vector<1x16xf32>,
      %get3A_852 = vector.shape_cast %get3A_851 : vector<1x16xf32> to vector<16xf32>
      %get3A_853 = arith.index_cast %scan3A_810 : i32 to index
      %get3A_854 = arith.constant 48 : index
      %get3A_855 = tpu.vector_load %arg19[%get3A_853, %get3A_854] {strides = array<i32>} : memref<64x128xf32, #tpu.memory_space<vmem>>, vector<1x16xf32>,
      %get3A_856 = vector.shape_cast %get3A_855 : vector<1x16xf32> to vector<16xf32>
      %mul3A_857 = arith.mulf %get3A_852, %get3A_856 : vector<16xf32>
      %add3A_858 = arith.addf %scan3A_814, %mul3A_857 : vector<16xf32>
      %get3A_859 = arith.index_cast %scan3A_810 : i32 to index
      %get3A_860 = arith.constant 64 : index
      %get3A_861 = tpu.vector_load %arg15[%get3A_859, %get3A_860] {strides = array<i32>} : memref<64x128xf32, #tpu.memory_space<vmem>>, vector<1x16xf32>,
      %get3A_862 = vector.shape_cast %get3A_861 : vector<1x16xf32> to vector<16xf32>
      %get3A_863 = arith.index_cast %scan3A_810 : i32 to index
      %get3A_864 = arith.constant 64 : index
      %get3A_865 = tpu.vector_load %arg19[%get3A_863, %get3A_864] {strides = array<i32>} : memref<64x128xf32, #tpu.memory_space<vmem>>, vector<1x16xf32>,
      %get3A_866 = vector.shape_cast %get3A_865 : vector<1x16xf32> to vector<16xf32>
      %mul3A_867 = arith.mulf %get3A_862, %get3A_866 : vector<16xf32>
      %add3A_868 = arith.addf %scan3A_815, %mul3A_867 : vector<16xf32>
      %get3A_869 = arith.index_cast %scan3A_810 : i32 to index
      %get3A_870 = arith.constant 80 : index
      %get3A_871 = tpu.vector_load %arg15[%get3A_869, %get3A_870] {strides = array<i32>} : memref<64x128xf32, #tpu.memory_space<vmem>>, vector<1x16xf32>,
      %get3A_872 = vector.shape_cast %get3A_871 : vector<1x16xf32> to vector<16xf32>
      %get3A_873 = arith.index_cast %scan3A_810 : i32 to index
      %get3A_874 = arith.constant 80 : index
      %get3A_875 = tpu.vector_load %arg19[%get3A_873, %get3A_874] {strides = array<i32>} : memref<64x128xf32, #tpu.memory_space<vmem>>, vector<1x16xf32>,
      %get3A_876 = vector.shape_cast %get3A_875 : vector<1x16xf32> to vector<16xf32>
      %mul3A_877 = arith.mulf %get3A_872, %get3A_876 : vector<16xf32>
      %add3A_878 = arith.addf %scan3A_816, %mul3A_877 : vector<16xf32>
      %get3A_879 = arith.index_cast %scan3A_810 : i32 to index
      %get3A_880 = arith.constant 96 : index
      %get3A_881 = tpu.vector_load %arg15[%get3A_879, %get3A_880] {strides = array<i32>} : memref<64x128xf32, #tpu.memory_space<vmem>>, vector<1x16xf32>,
      %get3A_882 = vector.shape_cast %get3A_881 : vector<1x16xf32> to vector<16xf32>
      %get3A_883 = arith.index_cast %scan3A_810 : i32 to index
      %get3A_884 = arith.constant 96 : index
      %get3A_885 = tpu.vector_load %arg19[%get3A_883, %get3A_884] {strides = array<i32>} : memref<64x128xf32, #tpu.memory_space<vmem>>, vector<1x16xf32>,
      %get3A_886 = vector.shape_cast %get3A_885 : vector<1x16xf32> to vector<16xf32>
      %mul3A_887 = arith.mulf %get3A_882, %get3A_886 : vector<16xf32>
      %add3A_888 = arith.addf %scan3A_817, %mul3A_887 : vector<16xf32>
      %get3A_889 = arith.index_cast %scan3A_810 : i32 to index
      %get3A_890 = arith.constant 112 : index
      %get3A_891 = tpu.vector_load %arg15[%get3A_889, %get3A_890] {strides = array<i32>} : memref<64x128xf32, #tpu.memory_space<vmem>>, vector<1x16xf32>,
      %get3A_892 = vector.shape_cast %get3A_891 : vector<1x16xf32> to vector<16xf32>
      %get3A_893 = arith.index_cast %scan3A_810 : i32 to index
      %get3A_894 = arith.constant 112 : index
      %get3A_895 = tpu.vector_load %arg19[%get3A_893, %get3A_894] {strides = array<i32>} : memref<64x128xf32, #tpu.memory_space<vmem>>, vector<1x16xf32>,
      %get3A_896 = vector.shape_cast %get3A_895 : vector<1x16xf32> to vector<16xf32>
      %mul3A_897 = arith.mulf %get3A_892, %get3A_896 : vector<16xf32>
      %add3A_898 = arith.addf %scan3A_818, %mul3A_897 : vector<16xf32>
      scf.yield %add3A_828, %add3A_838, %add3A_848, %add3A_858, %add3A_868, %add3A_878, %add3A_888, %add3A_898 : vector<16xf32>, vector<16xf32>, vector<16xf32>, vector<16xf32>, vector<16xf32>, vector<16xf32>, vector<16xf32>, vector<16xf32>
    }
    %scan3A_382 = arith.constant 64 : i32
    %add3A_383 = arith.addf %scan3A_381#0, %scan3A_381#1 : vector<16xf32>
    %add3A_384 = arith.addf %add3A_383, %scan3A_381#2 : vector<16xf32>
    %add3A_385 = arith.addf %add3A_384, %scan3A_381#3 : vector<16xf32>
    %add3A_386 = arith.addf %add3A_385, %scan3A_381#4 : vector<16xf32>
    %add3A_387 = arith.addf %add3A_386, %scan3A_381#5 : vector<16xf32>
    %add3A_388 = arith.addf %add3A_387, %scan3A_381#6 : vector<16xf32>
    %add3A_389 = arith.addf %add3A_388, %scan3A_381#7 : vector<16xf32>
    %swap3A = arith.constant 0 : index
    %swap3A_390 = tpu.vector_load %arg23[%swap3A] {strides = array<i32>} : memref<16xf32, #tpu.memory_space<vmem>>, vector<16xf32>,
    %swap3A_391 = vector.shape_cast %swap3A_390 : vector<16xf32> to vector<16xf32>
    %swap3A_392 = vector.shape_cast %add3A_389 : vector<16xf32> to vector<16xf32>
    tpu.vector_store %arg23[%swap3A], %swap3A_392 {strides = array<i32>} : memref<16xf32, #tpu.memory_space<vmem>>, vector<16xf32>,
    %dma_wait3A_393 = arith.constant 0 : i32
    %dma_wait3A_394 = arith.constant 0 : i32
    %dma_wait3A_395 = tpu.memref_slice %arg20[%dma_wait3A_394] : memref<512xf32, #tpu.memory_space<vmem>> -> memref<128xf32, #tpu.memory_space<vmem>>
    %dma_wait3A_396 = arith.constant 0 : i32
    %dma_wait3A_397 = tpu.memref_slice %arg10[%dma_wait3A_393, %dma_wait3A_396] : memref<4x128xi32, #tpu.memory_space<vmem>> -> memref<1x128xi32, #tpu.memory_space<vmem>>
    %dma_wait3A_398 = tpu.memref_squeeze %dma_wait3A_397 : memref<1x128xi32, #tpu.memory_space<vmem>> -> memref<128xi32, #tpu.memory_space<vmem>>
    %dma_wait3A_399 = arith.constant 0 : i32
    %dma_wait3A_400 = tpu.memref_slice %arg6[%dma_wait3A_399] : memref<100000xf32, #tpu.memory_space<hbm>> -> memref<100000xf32, #tpu.memory_space<hbm>>
    tpu.wait_indirect_dma semaphore(%arg32 : memref<!tpu.dma_semaphore, #tpu.memory_space<semaphore_mem>>) src(%dma_wait3A_400 : memref<100000xf32, #tpu.memory_space<hbm>>) dst(%dma_wait3A_395 : memref<128xf32, #tpu.memory_space<vmem>>)
    %dma_wait3A_401 = arith.constant 0 : i32
    %dma_wait3A_402 = arith.constant 0 : i32
    %dma_wait3A_403 = tpu.memref_slice %arg21[%dma_wait3A_402] : memref<512xf32, #tpu.memory_space<vmem>> -> memref<128xf32, #tpu.memory_space<vmem>>
    %dma_wait3A_404 = arith.constant 0 : i32
    %dma_wait3A_405 = tpu.memref_slice %arg11[%dma_wait3A_401, %dma_wait3A_404] : memref<4x128xi32, #tpu.memory_space<vmem>> -> memref<1x128xi32, #tpu.memory_space<vmem>>
    %dma_wait3A_406 = tpu.memref_squeeze %dma_wait3A_405 : memref<1x128xi32, #tpu.memory_space<vmem>> -> memref<128xi32, #tpu.memory_space<vmem>>
    %dma_wait3A_407 = arith.constant 0 : i32
    %dma_wait3A_408 = tpu.memref_slice %arg7[%dma_wait3A_407] : memref<100000xf32, #tpu.memory_space<hbm>> -> memref<100000xf32, #tpu.memory_space<hbm>>
    tpu.wait_indirect_dma semaphore(%arg32 : memref<!tpu.dma_semaphore, #tpu.memory_space<semaphore_mem>>) src(%dma_wait3A_408 : memref<100000xf32, #tpu.memory_space<hbm>>) dst(%dma_wait3A_403 : memref<128xf32, #tpu.memory_space<vmem>>)
    %dma_wait3A_409 = arith.constant 1 : i32
    %dma_wait3A_410 = arith.constant 128 : i32
    %dma_wait3A_411 = tpu.memref_slice %arg20[%dma_wait3A_410] : memref<512xf32, #tpu.memory_space<vmem>> -> memref<128xf32, #tpu.memory_space<vmem>>
    %dma_wait3A_412 = arith.constant 0 : i32
    %dma_wait3A_413 = tpu.memref_slice %arg10[%dma_wait3A_409, %dma_wait3A_412] : memref<4x128xi32, #tpu.memory_space<vmem>> -> memref<1x128xi32, #tpu.memory_space<vmem>>
    %dma_wait3A_414 = tpu.memref_squeeze %dma_wait3A_413 : memref<1x128xi32, #tpu.memory_space<vmem>> -> memref<128xi32, #tpu.memory_space<vmem>>
    %dma_wait3A_415 = arith.constant 0 : i32
    %dma_wait3A_416 = tpu.memref_slice %arg6[%dma_wait3A_415] : memref<100000xf32, #tpu.memory_space<hbm>> -> memref<100000xf32, #tpu.memory_space<hbm>>
    tpu.wait_indirect_dma semaphore(%arg32 : memref<!tpu.dma_semaphore, #tpu.memory_space<semaphore_mem>>) src(%dma_wait3A_416 : memref<100000xf32, #tpu.memory_space<hbm>>) dst(%dma_wait3A_411 : memref<128xf32, #tpu.memory_space<vmem>>)
    %dma_wait3A_417 = arith.constant 1 : i32
    %dma_wait3A_418 = arith.constant 128 : i32
    %dma_wait3A_419 = tpu.memref_slice %arg21[%dma_wait3A_418] : memref<512xf32, #tpu.memory_space<vmem>> -> memref<128xf32, #tpu.memory_space<vmem>>
    %dma_wait3A_420 = arith.constant 0 : i32
    %dma_wait3A_421 = tpu.memref_slice %arg11[%dma_wait3A_417, %dma_wait3A_420] : memref<4x128xi32, #tpu.memory_space<vmem>> -> memref<1x128xi32, #tpu.memory_space<vmem>>
    %dma_wait3A_422 = tpu.memref_squeeze %dma_wait3A_421 : memref<1x128xi32, #tpu.memory_space<vmem>> -> memref<128xi32, #tpu.memory_space<vmem>>
    %dma_wait3A_423 = arith.constant 0 : i32
    %dma_wait3A_424 = tpu.memref_slice %arg7[%dma_wait3A_423] : memref<100000xf32, #tpu.memory_space<hbm>> -> memref<100000xf32, #tpu.memory_space<hbm>>
    tpu.wait_indirect_dma semaphore(%arg32 : memref<!tpu.dma_semaphore, #tpu.memory_space<semaphore_mem>>) src(%dma_wait3A_424 : memref<100000xf32, #tpu.memory_space<hbm>>) dst(%dma_wait3A_419 : memref<128xf32, #tpu.memory_space<vmem>>)
    %dma_wait3A_425 = arith.constant 2 : i32
    %dma_wait3A_426 = arith.constant 256 : i32
    %dma_wait3A_427 = tpu.memref_slice %arg20[%dma_wait3A_426] : memref<512xf32, #tpu.memory_space<vmem>> -> memref<128xf32, #tpu.memory_space<vmem>>
    %dma_wait3A_428 = arith.constant 0 : i32
    %dma_wait3A_429 = tpu.memref_slice %arg10[%dma_wait3A_425, %dma_wait3A_428] : memref<4x128xi32, #tpu.memory_space<vmem>> -> memref<1x128xi32, #tpu.memory_space<vmem>>
    %dma_wait3A_430 = tpu.memref_squeeze %dma_wait3A_429 : memref<1x128xi32, #tpu.memory_space<vmem>> -> memref<128xi32, #tpu.memory_space<vmem>>
    %dma_wait3A_431 = arith.constant 0 : i32
    %dma_wait3A_432 = tpu.memref_slice %arg6[%dma_wait3A_431] : memref<100000xf32, #tpu.memory_space<hbm>> -> memref<100000xf32, #tpu.memory_space<hbm>>
    tpu.wait_indirect_dma semaphore(%arg32 : memref<!tpu.dma_semaphore, #tpu.memory_space<semaphore_mem>>) src(%dma_wait3A_432 : memref<100000xf32, #tpu.memory_space<hbm>>) dst(%dma_wait3A_427 : memref<128xf32, #tpu.memory_space<vmem>>)
    %dma_wait3A_433 = arith.constant 2 : i32
    %dma_wait3A_434 = arith.constant 256 : i32
    %dma_wait3A_435 = tpu.memref_slice %arg21[%dma_wait3A_434] : memref<512xf32, #tpu.memory_space<vmem>> -> memref<128xf32, #tpu.memory_space<vmem>>
    %dma_wait3A_436 = arith.constant 0 : i32
    %dma_wait3A_437 = tpu.memref_slice %arg11[%dma_wait3A_433, %dma_wait3A_436] : memref<4x128xi32, #tpu.memory_space<vmem>> -> memref<1x128xi32, #tpu.memory_space<vmem>>
    %dma_wait3A_438 = tpu.memref_squeeze %dma_wait3A_437 : memref<1x128xi32, #tpu.memory_space<vmem>> -> memref<128xi32, #tpu.memory_space<vmem>>
    %dma_wait3A_439 = arith.constant 0 : i32
    %dma_wait3A_440 = tpu.memref_slice %arg7[%dma_wait3A_439] : memref<100000xf32, #tpu.memory_space<hbm>> -> memref<100000xf32, #tpu.memory_space<hbm>>
    tpu.wait_indirect_dma semaphore(%arg32 : memref<!tpu.dma_semaphore, #tpu.memory_space<semaphore_mem>>) src(%dma_wait3A_440 : memref<100000xf32, #tpu.memory_space<hbm>>) dst(%dma_wait3A_435 : memref<128xf32, #tpu.memory_space<vmem>>)
    %dma_wait3A_441 = arith.constant 3 : i32
    %dma_wait3A_442 = arith.constant 384 : i32
    %dma_wait3A_443 = tpu.memref_slice %arg20[%dma_wait3A_442] : memref<512xf32, #tpu.memory_space<vmem>> -> memref<128xf32, #tpu.memory_space<vmem>>
    %dma_wait3A_444 = arith.constant 0 : i32
    %dma_wait3A_445 = tpu.memref_slice %arg10[%dma_wait3A_441, %dma_wait3A_444] : memref<4x128xi32, #tpu.memory_space<vmem>> -> memref<1x128xi32, #tpu.memory_space<vmem>>
    %dma_wait3A_446 = tpu.memref_squeeze %dma_wait3A_445 : memref<1x128xi32, #tpu.memory_space<vmem>> -> memref<128xi32, #tpu.memory_space<vmem>>
    %dma_wait3A_447 = arith.constant 0 : i32
    %dma_wait3A_448 = tpu.memref_slice %arg6[%dma_wait3A_447] : memref<100000xf32, #tpu.memory_space<hbm>> -> memref<100000xf32, #tpu.memory_space<hbm>>
    tpu.wait_indirect_dma semaphore(%arg32 : memref<!tpu.dma_semaphore, #tpu.memory_space<semaphore_mem>>) src(%dma_wait3A_448 : memref<100000xf32, #tpu.memory_space<hbm>>) dst(%dma_wait3A_443 : memref<128xf32, #tpu.memory_space<vmem>>)
    %dma_wait3A_449 = arith.constant 3 : i32
    %dma_wait3A_450 = arith.constant 384 : i32
    %dma_wait3A_451 = tpu.memref_slice %arg21[%dma_wait3A_450] : memref<512xf32, #tpu.memory_space<vmem>> -> memref<128xf32, #tpu.memory_space<vmem>>
    %dma_wait3A_452 = arith.constant 0 : i32
    %dma_wait3A_453 = tpu.memref_slice %arg11[%dma_wait3A_449, %dma_wait3A_452] : memref<4x128xi32, #tpu.memory_space<vmem>> -> memref<1x128xi32, #tpu.memory_space<vmem>>
    %dma_wait3A_454 = tpu.memref_squeeze %dma_wait3A_453 : memref<1x128xi32, #tpu.memory_space<vmem>> -> memref<128xi32, #tpu.memory_space<vmem>>
    %dma_wait3A_455 = arith.constant 0 : i32
    %dma_wait3A_456 = tpu.memref_slice %arg7[%dma_wait3A_455] : memref<100000xf32, #tpu.memory_space<hbm>> -> memref<100000xf32, #tpu.memory_space<hbm>>
    tpu.wait_indirect_dma semaphore(%arg32 : memref<!tpu.dma_semaphore, #tpu.memory_space<semaphore_mem>>) src(%dma_wait3A_456 : memref<100000xf32, #tpu.memory_space<hbm>>) dst(%dma_wait3A_451 : memref<128xf32, #tpu.memory_space<vmem>>)
    %get3A = arith.constant 0 : index
    %get3A_457 = tpu.vector_load %arg20[%get3A] {strides = array<i32>} : memref<512xf32, #tpu.memory_space<vmem>>, vector<16xf32>,
    %get3A_458 = vector.shape_cast %get3A_457 : vector<16xf32> to vector<16xf32>
    %get3A_459 = arith.constant 0 : index
    %get3A_460 = tpu.vector_load %arg21[%get3A_459] {strides = array<i32>} : memref<512xf32, #tpu.memory_space<vmem>>, vector<16xf32>,
    %get3A_461 = vector.shape_cast %get3A_460 : vector<16xf32> to vector<16xf32>
    %add3A_462 = arith.addf %get3A_458, %get3A_461 : vector<16xf32>
    %swap3A_463 = arith.constant 0 : index
    %swap3A_464 = tpu.vector_load %arg22[%swap3A_463] {strides = array<i32>} : memref<512xf32, #tpu.memory_space<vmem>>, vector<16xf32>,
    %swap3A_465 = vector.shape_cast %swap3A_464 : vector<16xf32> to vector<16xf32>
    %swap3A_466 = vector.shape_cast %add3A_462 : vector<16xf32> to vector<16xf32>
    tpu.vector_store %arg22[%swap3A_463], %swap3A_466 {strides = array<i32>} : memref<512xf32, #tpu.memory_space<vmem>>, vector<16xf32>,
    %get3A_467 = arith.constant 16 : index
    %get3A_468 = tpu.vector_load %arg20[%get3A_467] {strides = array<i32>} : memref<512xf32, #tpu.memory_space<vmem>>, vector<16xf32>,
    %get3A_469 = vector.shape_cast %get3A_468 : vector<16xf32> to vector<16xf32>
    %get3A_470 = arith.constant 16 : index
    %get3A_471 = tpu.vector_load %arg21[%get3A_470] {strides = array<i32>} : memref<512xf32, #tpu.memory_space<vmem>>, vector<16xf32>,
    %get3A_472 = vector.shape_cast %get3A_471 : vector<16xf32> to vector<16xf32>
    %add3A_473 = arith.addf %get3A_469, %get3A_472 : vector<16xf32>
    %swap3A_474 = arith.constant 16 : index
    %swap3A_475 = tpu.vector_load %arg22[%swap3A_474] {strides = array<i32>} : memref<512xf32, #tpu.memory_space<vmem>>, vector<16xf32>,
    %swap3A_476 = vector.shape_cast %swap3A_475 : vector<16xf32> to vector<16xf32>
    %swap3A_477 = vector.shape_cast %add3A_473 : vector<16xf32> to vector<16xf32>
    tpu.vector_store %arg22[%swap3A_474], %swap3A_477 {strides = array<i32>} : memref<512xf32, #tpu.memory_space<vmem>>, vector<16xf32>,
    %get3A_478 = arith.constant 32 : index
    %get3A_479 = tpu.vector_load %arg20[%get3A_478] {strides = array<i32>} : memref<512xf32, #tpu.memory_space<vmem>>, vector<16xf32>,
    %get3A_480 = vector.shape_cast %get3A_479 : vector<16xf32> to vector<16xf32>
    %get3A_481 = arith.constant 32 : index
    %get3A_482 = tpu.vector_load %arg21[%get3A_481] {strides = array<i32>} : memref<512xf32, #tpu.memory_space<vmem>>, vector<16xf32>,
    %get3A_483 = vector.shape_cast %get3A_482 : vector<16xf32> to vector<16xf32>
    %add3A_484 = arith.addf %get3A_480, %get3A_483 : vector<16xf32>
    %swap3A_485 = arith.constant 32 : index
    %swap3A_486 = tpu.vector_load %arg22[%swap3A_485] {strides = array<i32>} : memref<512xf32, #tpu.memory_space<vmem>>, vector<16xf32>,
    %swap3A_487 = vector.shape_cast %swap3A_486 : vector<16xf32> to vector<16xf32>
    %swap3A_488 = vector.shape_cast %add3A_484 : vector<16xf32> to vector<16xf32>
    tpu.vector_store %arg22[%swap3A_485], %swap3A_488 {strides = array<i32>} : memref<512xf32, #tpu.memory_space<vmem>>, vector<16xf32>,
    %get3A_489 = arith.constant 48 : index
    %get3A_490 = tpu.vector_load %arg20[%get3A_489] {strides = array<i32>} : memref<512xf32, #tpu.memory_space<vmem>>, vector<16xf32>,
    %get3A_491 = vector.shape_cast %get3A_490 : vector<16xf32> to vector<16xf32>
    %get3A_492 = arith.constant 48 : index
    %get3A_493 = tpu.vector_load %arg21[%get3A_492] {strides = array<i32>} : memref<512xf32, #tpu.memory_space<vmem>>, vector<16xf32>,
    %get3A_494 = vector.shape_cast %get3A_493 : vector<16xf32> to vector<16xf32>
    %add3A_495 = arith.addf %get3A_491, %get3A_494 : vector<16xf32>
    %swap3A_496 = arith.constant 48 : index
    %swap3A_497 = tpu.vector_load %arg22[%swap3A_496] {strides = array<i32>} : memref<512xf32, #tpu.memory_space<vmem>>, vector<16xf32>,
    %swap3A_498 = vector.shape_cast %swap3A_497 : vector<16xf32> to vector<16xf32>
    %swap3A_499 = vector.shape_cast %add3A_495 : vector<16xf32> to vector<16xf32>
    tpu.vector_store %arg22[%swap3A_496], %swap3A_499 {strides = array<i32>} : memref<512xf32, #tpu.memory_space<vmem>>, vector<16xf32>,
    %get3A_500 = arith.constant 64 : index
    %get3A_501 = tpu.vector_load %arg20[%get3A_500] {strides = array<i32>} : memref<512xf32, #tpu.memory_space<vmem>>, vector<16xf32>,
    %get3A_502 = vector.shape_cast %get3A_501 : vector<16xf32> to vector<16xf32>
    %get3A_503 = arith.constant 64 : index
    %get3A_504 = tpu.vector_load %arg21[%get3A_503] {strides = array<i32>} : memref<512xf32, #tpu.memory_space<vmem>>, vector<16xf32>,
    %get3A_505 = vector.shape_cast %get3A_504 : vector<16xf32> to vector<16xf32>
    %add3A_506 = arith.addf %get3A_502, %get3A_505 : vector<16xf32>
    %swap3A_507 = arith.constant 64 : index
    %swap3A_508 = tpu.vector_load %arg22[%swap3A_507] {strides = array<i32>} : memref<512xf32, #tpu.memory_space<vmem>>, vector<16xf32>,
    %swap3A_509 = vector.shape_cast %swap3A_508 : vector<16xf32> to vector<16xf32>
    %swap3A_510 = vector.shape_cast %add3A_506 : vector<16xf32> to vector<16xf32>
    tpu.vector_store %arg22[%swap3A_507], %swap3A_510 {strides = array<i32>} : memref<512xf32, #tpu.memory_space<vmem>>, vector<16xf32>,
    %get3A_511 = arith.constant 80 : index
    %get3A_512 = tpu.vector_load %arg20[%get3A_511] {strides = array<i32>} : memref<512xf32, #tpu.memory_space<vmem>>, vector<16xf32>,
    %get3A_513 = vector.shape_cast %get3A_512 : vector<16xf32> to vector<16xf32>
    %get3A_514 = arith.constant 80 : index
    %get3A_515 = tpu.vector_load %arg21[%get3A_514] {strides = array<i32>} : memref<512xf32, #tpu.memory_space<vmem>>, vector<16xf32>,
    %get3A_516 = vector.shape_cast %get3A_515 : vector<16xf32> to vector<16xf32>
    %add3A_517 = arith.addf %get3A_513, %get3A_516 : vector<16xf32>
    %swap3A_518 = arith.constant 80 : index
    %swap3A_519 = tpu.vector_load %arg22[%swap3A_518] {strides = array<i32>} : memref<512xf32, #tpu.memory_space<vmem>>, vector<16xf32>,
    %swap3A_520 = vector.shape_cast %swap3A_519 : vector<16xf32> to vector<16xf32>
    %swap3A_521 = vector.shape_cast %add3A_517 : vector<16xf32> to vector<16xf32>
    tpu.vector_store %arg22[%swap3A_518], %swap3A_521 {strides = array<i32>} : memref<512xf32, #tpu.memory_space<vmem>>, vector<16xf32>,
    %get3A_522 = arith.constant 96 : index
    %get3A_523 = tpu.vector_load %arg20[%get3A_522] {strides = array<i32>} : memref<512xf32, #tpu.memory_space<vmem>>, vector<16xf32>,
    %get3A_524 = vector.shape_cast %get3A_523 : vector<16xf32> to vector<16xf32>
    %get3A_525 = arith.constant 96 : index
    %get3A_526 = tpu.vector_load %arg21[%get3A_525] {strides = array<i32>} : memref<512xf32, #tpu.memory_space<vmem>>, vector<16xf32>,
    %get3A_527 = vector.shape_cast %get3A_526 : vector<16xf32> to vector<16xf32>
    %add3A_528 = arith.addf %get3A_524, %get3A_527 : vector<16xf32>
    %swap3A_529 = arith.constant 96 : index
    %swap3A_530 = tpu.vector_load %arg22[%swap3A_529] {strides = array<i32>} : memref<512xf32, #tpu.memory_space<vmem>>, vector<16xf32>,
    %swap3A_531 = vector.shape_cast %swap3A_530 : vector<16xf32> to vector<16xf32>
    %swap3A_532 = vector.shape_cast %add3A_528 : vector<16xf32> to vector<16xf32>
    tpu.vector_store %arg22[%swap3A_529], %swap3A_532 {strides = array<i32>} : memref<512xf32, #tpu.memory_space<vmem>>, vector<16xf32>,
    %get3A_533 = arith.constant 112 : index
    %get3A_534 = tpu.vector_load %arg20[%get3A_533] {strides = array<i32>} : memref<512xf32, #tpu.memory_space<vmem>>, vector<16xf32>,
    %get3A_535 = vector.shape_cast %get3A_534 : vector<16xf32> to vector<16xf32>
    %get3A_536 = arith.constant 112 : index
    %get3A_537 = tpu.vector_load %arg21[%get3A_536] {strides = array<i32>} : memref<512xf32, #tpu.memory_space<vmem>>, vector<16xf32>,
    %get3A_538 = vector.shape_cast %get3A_537 : vector<16xf32> to vector<16xf32>
    %add3A_539 = arith.addf %get3A_535, %get3A_538 : vector<16xf32>
    %swap3A_540 = arith.constant 112 : index
    %swap3A_541 = tpu.vector_load %arg22[%swap3A_540] {strides = array<i32>} : memref<512xf32, #tpu.memory_space<vmem>>, vector<16xf32>,
    %swap3A_542 = vector.shape_cast %swap3A_541 : vector<16xf32> to vector<16xf32>
    %swap3A_543 = vector.shape_cast %add3A_539 : vector<16xf32> to vector<16xf32>
    tpu.vector_store %arg22[%swap3A_540], %swap3A_543 {strides = array<i32>} : memref<512xf32, #tpu.memory_space<vmem>>, vector<16xf32>,
    %get3A_544 = arith.constant 128 : index
    %get3A_545 = tpu.vector_load %arg20[%get3A_544] {strides = array<i32>} : memref<512xf32, #tpu.memory_space<vmem>>, vector<16xf32>,
    %get3A_546 = vector.shape_cast %get3A_545 : vector<16xf32> to vector<16xf32>
    %get3A_547 = arith.constant 128 : index
    %get3A_548 = tpu.vector_load %arg21[%get3A_547] {strides = array<i32>} : memref<512xf32, #tpu.memory_space<vmem>>, vector<16xf32>,
    %get3A_549 = vector.shape_cast %get3A_548 : vector<16xf32> to vector<16xf32>
    %add3A_550 = arith.addf %get3A_546, %get3A_549 : vector<16xf32>
    %swap3A_551 = arith.constant 128 : index
    %swap3A_552 = tpu.vector_load %arg22[%swap3A_551] {strides = array<i32>} : memref<512xf32, #tpu.memory_space<vmem>>, vector<16xf32>,
    %swap3A_553 = vector.shape_cast %swap3A_552 : vector<16xf32> to vector<16xf32>
    %swap3A_554 = vector.shape_cast %add3A_550 : vector<16xf32> to vector<16xf32>
    tpu.vector_store %arg22[%swap3A_551], %swap3A_554 {strides = array<i32>} : memref<512xf32, #tpu.memory_space<vmem>>, vector<16xf32>,
    %get3A_555 = arith.constant 144 : index
    %get3A_556 = tpu.vector_load %arg20[%get3A_555] {strides = array<i32>} : memref<512xf32, #tpu.memory_space<vmem>>, vector<16xf32>,
    %get3A_557 = vector.shape_cast %get3A_556 : vector<16xf32> to vector<16xf32>
    %get3A_558 = arith.constant 144 : index
    %get3A_559 = tpu.vector_load %arg21[%get3A_558] {strides = array<i32>} : memref<512xf32, #tpu.memory_space<vmem>>, vector<16xf32>,
    %get3A_560 = vector.shape_cast %get3A_559 : vector<16xf32> to vector<16xf32>
    %add3A_561 = arith.addf %get3A_557, %get3A_560 : vector<16xf32>
    %swap3A_562 = arith.constant 144 : index
    %swap3A_563 = tpu.vector_load %arg22[%swap3A_562] {strides = array<i32>} : memref<512xf32, #tpu.memory_space<vmem>>, vector<16xf32>,
    %swap3A_564 = vector.shape_cast %swap3A_563 : vector<16xf32> to vector<16xf32>
    %swap3A_565 = vector.shape_cast %add3A_561 : vector<16xf32> to vector<16xf32>
    tpu.vector_store %arg22[%swap3A_562], %swap3A_565 {strides = array<i32>} : memref<512xf32, #tpu.memory_space<vmem>>, vector<16xf32>,
    %get3A_566 = arith.constant 160 : index
    %get3A_567 = tpu.vector_load %arg20[%get3A_566] {strides = array<i32>} : memref<512xf32, #tpu.memory_space<vmem>>, vector<16xf32>,
    %get3A_568 = vector.shape_cast %get3A_567 : vector<16xf32> to vector<16xf32>
    %get3A_569 = arith.constant 160 : index
    %get3A_570 = tpu.vector_load %arg21[%get3A_569] {strides = array<i32>} : memref<512xf32, #tpu.memory_space<vmem>>, vector<16xf32>,
    %get3A_571 = vector.shape_cast %get3A_570 : vector<16xf32> to vector<16xf32>
    %add3A_572 = arith.addf %get3A_568, %get3A_571 : vector<16xf32>
    %swap3A_573 = arith.constant 160 : index
    %swap3A_574 = tpu.vector_load %arg22[%swap3A_573] {strides = array<i32>} : memref<512xf32, #tpu.memory_space<vmem>>, vector<16xf32>,
    %swap3A_575 = vector.shape_cast %swap3A_574 : vector<16xf32> to vector<16xf32>
    %swap3A_576 = vector.shape_cast %add3A_572 : vector<16xf32> to vector<16xf32>
    tpu.vector_store %arg22[%swap3A_573], %swap3A_576 {strides = array<i32>} : memref<512xf32, #tpu.memory_space<vmem>>, vector<16xf32>,
    %get3A_577 = arith.constant 176 : index
    %get3A_578 = tpu.vector_load %arg20[%get3A_577] {strides = array<i32>} : memref<512xf32, #tpu.memory_space<vmem>>, vector<16xf32>,
    %get3A_579 = vector.shape_cast %get3A_578 : vector<16xf32> to vector<16xf32>
    %get3A_580 = arith.constant 176 : index
    %get3A_581 = tpu.vector_load %arg21[%get3A_580] {strides = array<i32>} : memref<512xf32, #tpu.memory_space<vmem>>, vector<16xf32>,
    %get3A_582 = vector.shape_cast %get3A_581 : vector<16xf32> to vector<16xf32>
    %add3A_583 = arith.addf %get3A_579, %get3A_582 : vector<16xf32>
    %swap3A_584 = arith.constant 176 : index
    %swap3A_585 = tpu.vector_load %arg22[%swap3A_584] {strides = array<i32>} : memref<512xf32, #tpu.memory_space<vmem>>, vector<16xf32>,
    %swap3A_586 = vector.shape_cast %swap3A_585 : vector<16xf32> to vector<16xf32>
    %swap3A_587 = vector.shape_cast %add3A_583 : vector<16xf32> to vector<16xf32>
    tpu.vector_store %arg22[%swap3A_584], %swap3A_587 {strides = array<i32>} : memref<512xf32, #tpu.memory_space<vmem>>, vector<16xf32>,
    %get3A_588 = arith.constant 192 : index
    %get3A_589 = tpu.vector_load %arg20[%get3A_588] {strides = array<i32>} : memref<512xf32, #tpu.memory_space<vmem>>, vector<16xf32>,
    %get3A_590 = vector.shape_cast %get3A_589 : vector<16xf32> to vector<16xf32>
    %get3A_591 = arith.constant 192 : index
    %get3A_592 = tpu.vector_load %arg21[%get3A_591] {strides = array<i32>} : memref<512xf32, #tpu.memory_space<vmem>>, vector<16xf32>,
    %get3A_593 = vector.shape_cast %get3A_592 : vector<16xf32> to vector<16xf32>
    %add3A_594 = arith.addf %get3A_590, %get3A_593 : vector<16xf32>
    %swap3A_595 = arith.constant 192 : index
    %swap3A_596 = tpu.vector_load %arg22[%swap3A_595] {strides = array<i32>} : memref<512xf32, #tpu.memory_space<vmem>>, vector<16xf32>,
    %swap3A_597 = vector.shape_cast %swap3A_596 : vector<16xf32> to vector<16xf32>
    %swap3A_598 = vector.shape_cast %add3A_594 : vector<16xf32> to vector<16xf32>
    tpu.vector_store %arg22[%swap3A_595], %swap3A_598 {strides = array<i32>} : memref<512xf32, #tpu.memory_space<vmem>>, vector<16xf32>,
    %get3A_599 = arith.constant 208 : index
    %get3A_600 = tpu.vector_load %arg20[%get3A_599] {strides = array<i32>} : memref<512xf32, #tpu.memory_space<vmem>>, vector<16xf32>,
    %get3A_601 = vector.shape_cast %get3A_600 : vector<16xf32> to vector<16xf32>
    %get3A_602 = arith.constant 208 : index
    %get3A_603 = tpu.vector_load %arg21[%get3A_602] {strides = array<i32>} : memref<512xf32, #tpu.memory_space<vmem>>, vector<16xf32>,
    %get3A_604 = vector.shape_cast %get3A_603 : vector<16xf32> to vector<16xf32>
    %add3A_605 = arith.addf %get3A_601, %get3A_604 : vector<16xf32>
    %swap3A_606 = arith.constant 208 : index
    %swap3A_607 = tpu.vector_load %arg22[%swap3A_606] {strides = array<i32>} : memref<512xf32, #tpu.memory_space<vmem>>, vector<16xf32>,
    %swap3A_608 = vector.shape_cast %swap3A_607 : vector<16xf32> to vector<16xf32>
    %swap3A_609 = vector.shape_cast %add3A_605 : vector<16xf32> to vector<16xf32>
    tpu.vector_store %arg22[%swap3A_606], %swap3A_609 {strides = array<i32>} : memref<512xf32, #tpu.memory_space<vmem>>, vector<16xf32>,
    %get3A_610 = arith.constant 224 : index
    %get3A_611 = tpu.vector_load %arg20[%get3A_610] {strides = array<i32>} : memref<512xf32, #tpu.memory_space<vmem>>, vector<16xf32>,
    %get3A_612 = vector.shape_cast %get3A_611 : vector<16xf32> to vector<16xf32>
    %get3A_613 = arith.constant 224 : index
    %get3A_614 = tpu.vector_load %arg21[%get3A_613] {strides = array<i32>} : memref<512xf32, #tpu.memory_space<vmem>>, vector<16xf32>,
    %get3A_615 = vector.shape_cast %get3A_614 : vector<16xf32> to vector<16xf32>
    %add3A_616 = arith.addf %get3A_612, %get3A_615 : vector<16xf32>
    %swap3A_617 = arith.constant 224 : index
    %swap3A_618 = tpu.vector_load %arg22[%swap3A_617] {strides = array<i32>} : memref<512xf32, #tpu.memory_space<vmem>>, vector<16xf32>,
    %swap3A_619 = vector.shape_cast %swap3A_618 : vector<16xf32> to vector<16xf32>
    %swap3A_620 = vector.shape_cast %add3A_616 : vector<16xf32> to vector<16xf32>
    tpu.vector_store %arg22[%swap3A_617], %swap3A_620 {strides = array<i32>} : memref<512xf32, #tpu.memory_space<vmem>>, vector<16xf32>,
    %get3A_621 = arith.constant 240 : index
    %get3A_622 = tpu.vector_load %arg20[%get3A_621] {strides = array<i32>} : memref<512xf32, #tpu.memory_space<vmem>>, vector<16xf32>,
    %get3A_623 = vector.shape_cast %get3A_622 : vector<16xf32> to vector<16xf32>
    %get3A_624 = arith.constant 240 : index
    %get3A_625 = tpu.vector_load %arg21[%get3A_624] {strides = array<i32>} : memref<512xf32, #tpu.memory_space<vmem>>, vector<16xf32>,
    %get3A_626 = vector.shape_cast %get3A_625 : vector<16xf32> to vector<16xf32>
    %add3A_627 = arith.addf %get3A_623, %get3A_626 : vector<16xf32>
    %swap3A_628 = arith.constant 240 : index
    %swap3A_629 = tpu.vector_load %arg22[%swap3A_628] {strides = array<i32>} : memref<512xf32, #tpu.memory_space<vmem>>, vector<16xf32>,
    %swap3A_630 = vector.shape_cast %swap3A_629 : vector<16xf32> to vector<16xf32>
    %swap3A_631 = vector.shape_cast %add3A_627 : vector<16xf32> to vector<16xf32>
    tpu.vector_store %arg22[%swap3A_628], %swap3A_631 {strides = array<i32>} : memref<512xf32, #tpu.memory_space<vmem>>, vector<16xf32>,
    %get3A_632 = arith.constant 256 : index
    %get3A_633 = tpu.vector_load %arg20[%get3A_632] {strides = array<i32>} : memref<512xf32, #tpu.memory_space<vmem>>, vector<16xf32>,
    %get3A_634 = vector.shape_cast %get3A_633 : vector<16xf32> to vector<16xf32>
    %get3A_635 = arith.constant 256 : index
    %get3A_636 = tpu.vector_load %arg21[%get3A_635] {strides = array<i32>} : memref<512xf32, #tpu.memory_space<vmem>>, vector<16xf32>,
    %get3A_637 = vector.shape_cast %get3A_636 : vector<16xf32> to vector<16xf32>
    %add3A_638 = arith.addf %get3A_634, %get3A_637 : vector<16xf32>
    %swap3A_639 = arith.constant 256 : index
    %swap3A_640 = tpu.vector_load %arg22[%swap3A_639] {strides = array<i32>} : memref<512xf32, #tpu.memory_space<vmem>>, vector<16xf32>,
    %swap3A_641 = vector.shape_cast %swap3A_640 : vector<16xf32> to vector<16xf32>
    %swap3A_642 = vector.shape_cast %add3A_638 : vector<16xf32> to vector<16xf32>
    tpu.vector_store %arg22[%swap3A_639], %swap3A_642 {strides = array<i32>} : memref<512xf32, #tpu.memory_space<vmem>>, vector<16xf32>,
    %get3A_643 = arith.constant 272 : index
    %get3A_644 = tpu.vector_load %arg20[%get3A_643] {strides = array<i32>} : memref<512xf32, #tpu.memory_space<vmem>>, vector<16xf32>,
    %get3A_645 = vector.shape_cast %get3A_644 : vector<16xf32> to vector<16xf32>
    %get3A_646 = arith.constant 272 : index
    %get3A_647 = tpu.vector_load %arg21[%get3A_646] {strides = array<i32>} : memref<512xf32, #tpu.memory_space<vmem>>, vector<16xf32>,
    %get3A_648 = vector.shape_cast %get3A_647 : vector<16xf32> to vector<16xf32>
    %add3A_649 = arith.addf %get3A_645, %get3A_648 : vector<16xf32>
    %swap3A_650 = arith.constant 272 : index
    %swap3A_651 = tpu.vector_load %arg22[%swap3A_650] {strides = array<i32>} : memref<512xf32, #tpu.memory_space<vmem>>, vector<16xf32>,
    %swap3A_652 = vector.shape_cast %swap3A_651 : vector<16xf32> to vector<16xf32>
    %swap3A_653 = vector.shape_cast %add3A_649 : vector<16xf32> to vector<16xf32>
    tpu.vector_store %arg22[%swap3A_650], %swap3A_653 {strides = array<i32>} : memref<512xf32, #tpu.memory_space<vmem>>, vector<16xf32>,
    %get3A_654 = arith.constant 288 : index
    %get3A_655 = tpu.vector_load %arg20[%get3A_654] {strides = array<i32>} : memref<512xf32, #tpu.memory_space<vmem>>, vector<16xf32>,
    %get3A_656 = vector.shape_cast %get3A_655 : vector<16xf32> to vector<16xf32>
    %get3A_657 = arith.constant 288 : index
    %get3A_658 = tpu.vector_load %arg21[%get3A_657] {strides = array<i32>} : memref<512xf32, #tpu.memory_space<vmem>>, vector<16xf32>,
    %get3A_659 = vector.shape_cast %get3A_658 : vector<16xf32> to vector<16xf32>
    %add3A_660 = arith.addf %get3A_656, %get3A_659 : vector<16xf32>
    %swap3A_661 = arith.constant 288 : index
    %swap3A_662 = tpu.vector_load %arg22[%swap3A_661] {strides = array<i32>} : memref<512xf32, #tpu.memory_space<vmem>>, vector<16xf32>,
    %swap3A_663 = vector.shape_cast %swap3A_662 : vector<16xf32> to vector<16xf32>
    %swap3A_664 = vector.shape_cast %add3A_660 : vector<16xf32> to vector<16xf32>
    tpu.vector_store %arg22[%swap3A_661], %swap3A_664 {strides = array<i32>} : memref<512xf32, #tpu.memory_space<vmem>>, vector<16xf32>,
    %get3A_665 = arith.constant 304 : index
    %get3A_666 = tpu.vector_load %arg20[%get3A_665] {strides = array<i32>} : memref<512xf32, #tpu.memory_space<vmem>>, vector<16xf32>,
    %get3A_667 = vector.shape_cast %get3A_666 : vector<16xf32> to vector<16xf32>
    %get3A_668 = arith.constant 304 : index
    %get3A_669 = tpu.vector_load %arg21[%get3A_668] {strides = array<i32>} : memref<512xf32, #tpu.memory_space<vmem>>, vector<16xf32>,
    %get3A_670 = vector.shape_cast %get3A_669 : vector<16xf32> to vector<16xf32>
    %add3A_671 = arith.addf %get3A_667, %get3A_670 : vector<16xf32>
    %swap3A_672 = arith.constant 304 : index
    %swap3A_673 = tpu.vector_load %arg22[%swap3A_672] {strides = array<i32>} : memref<512xf32, #tpu.memory_space<vmem>>, vector<16xf32>,
    %swap3A_674 = vector.shape_cast %swap3A_673 : vector<16xf32> to vector<16xf32>
    %swap3A_675 = vector.shape_cast %add3A_671 : vector<16xf32> to vector<16xf32>
    tpu.vector_store %arg22[%swap3A_672], %swap3A_675 {strides = array<i32>} : memref<512xf32, #tpu.memory_space<vmem>>, vector<16xf32>,
    %get3A_676 = arith.constant 320 : index
    %get3A_677 = tpu.vector_load %arg20[%get3A_676] {strides = array<i32>} : memref<512xf32, #tpu.memory_space<vmem>>, vector<16xf32>,
    %get3A_678 = vector.shape_cast %get3A_677 : vector<16xf32> to vector<16xf32>
    %get3A_679 = arith.constant 320 : index
    %get3A_680 = tpu.vector_load %arg21[%get3A_679] {strides = array<i32>} : memref<512xf32, #tpu.memory_space<vmem>>, vector<16xf32>,
    %get3A_681 = vector.shape_cast %get3A_680 : vector<16xf32> to vector<16xf32>
    %add3A_682 = arith.addf %get3A_678, %get3A_681 : vector<16xf32>
    %swap3A_683 = arith.constant 320 : index
    %swap3A_684 = tpu.vector_load %arg22[%swap3A_683] {strides = array<i32>} : memref<512xf32, #tpu.memory_space<vmem>>, vector<16xf32>,
    %swap3A_685 = vector.shape_cast %swap3A_684 : vector<16xf32> to vector<16xf32>
    %swap3A_686 = vector.shape_cast %add3A_682 : vector<16xf32> to vector<16xf32>
    tpu.vector_store %arg22[%swap3A_683], %swap3A_686 {strides = array<i32>} : memref<512xf32, #tpu.memory_space<vmem>>, vector<16xf32>,
    %get3A_687 = arith.constant 336 : index
    %get3A_688 = tpu.vector_load %arg20[%get3A_687] {strides = array<i32>} : memref<512xf32, #tpu.memory_space<vmem>>, vector<16xf32>,
    %get3A_689 = vector.shape_cast %get3A_688 : vector<16xf32> to vector<16xf32>
    %get3A_690 = arith.constant 336 : index
    %get3A_691 = tpu.vector_load %arg21[%get3A_690] {strides = array<i32>} : memref<512xf32, #tpu.memory_space<vmem>>, vector<16xf32>,
    %get3A_692 = vector.shape_cast %get3A_691 : vector<16xf32> to vector<16xf32>
    %add3A_693 = arith.addf %get3A_689, %get3A_692 : vector<16xf32>
    %swap3A_694 = arith.constant 336 : index
    %swap3A_695 = tpu.vector_load %arg22[%swap3A_694] {strides = array<i32>} : memref<512xf32, #tpu.memory_space<vmem>>, vector<16xf32>,
    %swap3A_696 = vector.shape_cast %swap3A_695 : vector<16xf32> to vector<16xf32>
    %swap3A_697 = vector.shape_cast %add3A_693 : vector<16xf32> to vector<16xf32>
    tpu.vector_store %arg22[%swap3A_694], %swap3A_697 {strides = array<i32>} : memref<512xf32, #tpu.memory_space<vmem>>, vector<16xf32>,
    %get3A_698 = arith.constant 352 : index
    %get3A_699 = tpu.vector_load %arg20[%get3A_698] {strides = array<i32>} : memref<512xf32, #tpu.memory_space<vmem>>, vector<16xf32>,
    %get3A_700 = vector.shape_cast %get3A_699 : vector<16xf32> to vector<16xf32>
    %get3A_701 = arith.constant 352 : index
    %get3A_702 = tpu.vector_load %arg21[%get3A_701] {strides = array<i32>} : memref<512xf32, #tpu.memory_space<vmem>>, vector<16xf32>,
    %get3A_703 = vector.shape_cast %get3A_702 : vector<16xf32> to vector<16xf32>
    %add3A_704 = arith.addf %get3A_700, %get3A_703 : vector<16xf32>
    %swap3A_705 = arith.constant 352 : index
    %swap3A_706 = tpu.vector_load %arg22[%swap3A_705] {strides = array<i32>} : memref<512xf32, #tpu.memory_space<vmem>>, vector<16xf32>,
    %swap3A_707 = vector.shape_cast %swap3A_706 : vector<16xf32> to vector<16xf32>
    %swap3A_708 = vector.shape_cast %add3A_704 : vector<16xf32> to vector<16xf32>
    tpu.vector_store %arg22[%swap3A_705], %swap3A_708 {strides = array<i32>} : memref<512xf32, #tpu.memory_space<vmem>>, vector<16xf32>,
    %get3A_709 = arith.constant 368 : index
    %get3A_710 = tpu.vector_load %arg20[%get3A_709] {strides = array<i32>} : memref<512xf32, #tpu.memory_space<vmem>>, vector<16xf32>,
    %get3A_711 = vector.shape_cast %get3A_710 : vector<16xf32> to vector<16xf32>
    %get3A_712 = arith.constant 368 : index
    %get3A_713 = tpu.vector_load %arg21[%get3A_712] {strides = array<i32>} : memref<512xf32, #tpu.memory_space<vmem>>, vector<16xf32>,
    %get3A_714 = vector.shape_cast %get3A_713 : vector<16xf32> to vector<16xf32>
    %add3A_715 = arith.addf %get3A_711, %get3A_714 : vector<16xf32>
    %swap3A_716 = arith.constant 368 : index
    %swap3A_717 = tpu.vector_load %arg22[%swap3A_716] {strides = array<i32>} : memref<512xf32, #tpu.memory_space<vmem>>, vector<16xf32>,
    %swap3A_718 = vector.shape_cast %swap3A_717 : vector<16xf32> to vector<16xf32>
    %swap3A_719 = vector.shape_cast %add3A_715 : vector<16xf32> to vector<16xf32>
    tpu.vector_store %arg22[%swap3A_716], %swap3A_719 {strides = array<i32>} : memref<512xf32, #tpu.memory_space<vmem>>, vector<16xf32>,
    %get3A_720 = arith.constant 384 : index
    %get3A_721 = tpu.vector_load %arg20[%get3A_720] {strides = array<i32>} : memref<512xf32, #tpu.memory_space<vmem>>, vector<16xf32>,
    %get3A_722 = vector.shape_cast %get3A_721 : vector<16xf32> to vector<16xf32>
    %get3A_723 = arith.constant 384 : index
    %get3A_724 = tpu.vector_load %arg21[%get3A_723] {strides = array<i32>} : memref<512xf32, #tpu.memory_space<vmem>>, vector<16xf32>,
    %get3A_725 = vector.shape_cast %get3A_724 : vector<16xf32> to vector<16xf32>
    %add3A_726 = arith.addf %get3A_722, %get3A_725 : vector<16xf32>
    %swap3A_727 = arith.constant 384 : index
    %swap3A_728 = tpu.vector_load %arg22[%swap3A_727] {strides = array<i32>} : memref<512xf32, #tpu.memory_space<vmem>>, vector<16xf32>,
    %swap3A_729 = vector.shape_cast %swap3A_728 : vector<16xf32> to vector<16xf32>
    %swap3A_730 = vector.shape_cast %add3A_726 : vector<16xf32> to vector<16xf32>
    tpu.vector_store %arg22[%swap3A_727], %swap3A_730 {strides = array<i32>} : memref<512xf32, #tpu.memory_space<vmem>>, vector<16xf32>,
    %get3A_731 = arith.constant 400 : index
    %get3A_732 = tpu.vector_load %arg20[%get3A_731] {strides = array<i32>} : memref<512xf32, #tpu.memory_space<vmem>>, vector<16xf32>,
    %get3A_733 = vector.shape_cast %get3A_732 : vector<16xf32> to vector<16xf32>
    %get3A_734 = arith.constant 400 : index
    %get3A_735 = tpu.vector_load %arg21[%get3A_734] {strides = array<i32>} : memref<512xf32, #tpu.memory_space<vmem>>, vector<16xf32>,
    %get3A_736 = vector.shape_cast %get3A_735 : vector<16xf32> to vector<16xf32>
    %add3A_737 = arith.addf %get3A_733, %get3A_736 : vector<16xf32>
    %swap3A_738 = arith.constant 400 : index
    %swap3A_739 = tpu.vector_load %arg22[%swap3A_738] {strides = array<i32>} : memref<512xf32, #tpu.memory_space<vmem>>, vector<16xf32>,
    %swap3A_740 = vector.shape_cast %swap3A_739 : vector<16xf32> to vector<16xf32>
    %swap3A_741 = vector.shape_cast %add3A_737 : vector<16xf32> to vector<16xf32>
    tpu.vector_store %arg22[%swap3A_738], %swap3A_741 {strides = array<i32>} : memref<512xf32, #tpu.memory_space<vmem>>, vector<16xf32>,
    %get3A_742 = arith.constant 416 : index
    %get3A_743 = tpu.vector_load %arg20[%get3A_742] {strides = array<i32>} : memref<512xf32, #tpu.memory_space<vmem>>, vector<16xf32>,
    %get3A_744 = vector.shape_cast %get3A_743 : vector<16xf32> to vector<16xf32>
    %get3A_745 = arith.constant 416 : index
    %get3A_746 = tpu.vector_load %arg21[%get3A_745] {strides = array<i32>} : memref<512xf32, #tpu.memory_space<vmem>>, vector<16xf32>,
    %get3A_747 = vector.shape_cast %get3A_746 : vector<16xf32> to vector<16xf32>
    %add3A_748 = arith.addf %get3A_744, %get3A_747 : vector<16xf32>
    %swap3A_749 = arith.constant 416 : index
    %swap3A_750 = tpu.vector_load %arg22[%swap3A_749] {strides = array<i32>} : memref<512xf32, #tpu.memory_space<vmem>>, vector<16xf32>,
    %swap3A_751 = vector.shape_cast %swap3A_750 : vector<16xf32> to vector<16xf32>
    %swap3A_752 = vector.shape_cast %add3A_748 : vector<16xf32> to vector<16xf32>
    tpu.vector_store %arg22[%swap3A_749], %swap3A_752 {strides = array<i32>} : memref<512xf32, #tpu.memory_space<vmem>>, vector<16xf32>,
    %get3A_753 = arith.constant 432 : index
    %get3A_754 = tpu.vector_load %arg20[%get3A_753] {strides = array<i32>} : memref<512xf32, #tpu.memory_space<vmem>>, vector<16xf32>,
    %get3A_755 = vector.shape_cast %get3A_754 : vector<16xf32> to vector<16xf32>
    %get3A_756 = arith.constant 432 : index
    %get3A_757 = tpu.vector_load %arg21[%get3A_756] {strides = array<i32>} : memref<512xf32, #tpu.memory_space<vmem>>, vector<16xf32>,
    %get3A_758 = vector.shape_cast %get3A_757 : vector<16xf32> to vector<16xf32>
    %add3A_759 = arith.addf %get3A_755, %get3A_758 : vector<16xf32>
    %swap3A_760 = arith.constant 432 : index
    %swap3A_761 = tpu.vector_load %arg22[%swap3A_760] {strides = array<i32>} : memref<512xf32, #tpu.memory_space<vmem>>, vector<16xf32>,
    %swap3A_762 = vector.shape_cast %swap3A_761 : vector<16xf32> to vector<16xf32>
    %swap3A_763 = vector.shape_cast %add3A_759 : vector<16xf32> to vector<16xf32>
    tpu.vector_store %arg22[%swap3A_760], %swap3A_763 {strides = array<i32>} : memref<512xf32, #tpu.memory_space<vmem>>, vector<16xf32>,
    %get3A_764 = arith.constant 448 : index
    %get3A_765 = tpu.vector_load %arg20[%get3A_764] {strides = array<i32>} : memref<512xf32, #tpu.memory_space<vmem>>, vector<16xf32>,
    %get3A_766 = vector.shape_cast %get3A_765 : vector<16xf32> to vector<16xf32>
    %get3A_767 = arith.constant 448 : index
    %get3A_768 = tpu.vector_load %arg21[%get3A_767] {strides = array<i32>} : memref<512xf32, #tpu.memory_space<vmem>>, vector<16xf32>,
    %get3A_769 = vector.shape_cast %get3A_768 : vector<16xf32> to vector<16xf32>
    %add3A_770 = arith.addf %get3A_766, %get3A_769 : vector<16xf32>
    %swap3A_771 = arith.constant 448 : index
    %swap3A_772 = tpu.vector_load %arg22[%swap3A_771] {strides = array<i32>} : memref<512xf32, #tpu.memory_space<vmem>>, vector<16xf32>,
    %swap3A_773 = vector.shape_cast %swap3A_772 : vector<16xf32> to vector<16xf32>
    %swap3A_774 = vector.shape_cast %add3A_770 : vector<16xf32> to vector<16xf32>
    tpu.vector_store %arg22[%swap3A_771], %swap3A_774 {strides = array<i32>} : memref<512xf32, #tpu.memory_space<vmem>>, vector<16xf32>,
    %get3A_775 = arith.constant 464 : index
    %get3A_776 = tpu.vector_load %arg20[%get3A_775] {strides = array<i32>} : memref<512xf32, #tpu.memory_space<vmem>>, vector<16xf32>,
    %get3A_777 = vector.shape_cast %get3A_776 : vector<16xf32> to vector<16xf32>
    %get3A_778 = arith.constant 464 : index
    %get3A_779 = tpu.vector_load %arg21[%get3A_778] {strides = array<i32>} : memref<512xf32, #tpu.memory_space<vmem>>, vector<16xf32>,
    %get3A_780 = vector.shape_cast %get3A_779 : vector<16xf32> to vector<16xf32>
    %add3A_781 = arith.addf %get3A_777, %get3A_780 : vector<16xf32>
    %swap3A_782 = arith.constant 464 : index
    %swap3A_783 = tpu.vector_load %arg22[%swap3A_782] {strides = array<i32>} : memref<512xf32, #tpu.memory_space<vmem>>, vector<16xf32>,
    %swap3A_784 = vector.shape_cast %swap3A_783 : vector<16xf32> to vector<16xf32>
    %swap3A_785 = vector.shape_cast %add3A_781 : vector<16xf32> to vector<16xf32>
    tpu.vector_store %arg22[%swap3A_782], %swap3A_785 {strides = array<i32>} : memref<512xf32, #tpu.memory_space<vmem>>, vector<16xf32>,
    %get3A_786 = arith.constant 480 : index
    %get3A_787 = tpu.vector_load %arg20[%get3A_786] {strides = array<i32>} : memref<512xf32, #tpu.memory_space<vmem>>, vector<16xf32>,
    %get3A_788 = vector.shape_cast %get3A_787 : vector<16xf32> to vector<16xf32>
    %get3A_789 = arith.constant 480 : index
    %get3A_790 = tpu.vector_load %arg21[%get3A_789] {strides = array<i32>} : memref<512xf32, #tpu.memory_space<vmem>>, vector<16xf32>,
    %get3A_791 = vector.shape_cast %get3A_790 : vector<16xf32> to vector<16xf32>
    %add3A_792 = arith.addf %get3A_788, %get3A_791 : vector<16xf32>
    %swap3A_793 = arith.constant 480 : index
    %swap3A_794 = tpu.vector_load %arg22[%swap3A_793] {strides = array<i32>} : memref<512xf32, #tpu.memory_space<vmem>>, vector<16xf32>,
    %swap3A_795 = vector.shape_cast %swap3A_794 : vector<16xf32> to vector<16xf32>
    %swap3A_796 = vector.shape_cast %add3A_792 : vector<16xf32> to vector<16xf32>
    tpu.vector_store %arg22[%swap3A_793], %swap3A_796 {strides = array<i32>} : memref<512xf32, #tpu.memory_space<vmem>>, vector<16xf32>,
    %get3A_797 = arith.constant 496 : index
    %get3A_798 = tpu.vector_load %arg20[%get3A_797] {strides = array<i32>} : memref<512xf32, #tpu.memory_space<vmem>>, vector<16xf32>,
    %get3A_799 = vector.shape_cast %get3A_798 : vector<16xf32> to vector<16xf32>
    %get3A_800 = arith.constant 496 : index
    %get3A_801 = tpu.vector_load %arg21[%get3A_800] {strides = array<i32>} : memref<512xf32, #tpu.memory_space<vmem>>, vector<16xf32>,
    %get3A_802 = vector.shape_cast %get3A_801 : vector<16xf32> to vector<16xf32>
    %add3A_803 = arith.addf %get3A_799, %get3A_802 : vector<16xf32>
    %swap3A_804 = arith.constant 496 : index
    %swap3A_805 = tpu.vector_load %arg22[%swap3A_804] {strides = array<i32>} : memref<512xf32, #tpu.memory_space<vmem>>, vector<16xf32>,
    %swap3A_806 = vector.shape_cast %swap3A_805 : vector<16xf32> to vector<16xf32>
    %swap3A_807 = vector.shape_cast %add3A_803 : vector<16xf32> to vector<16xf32>
    tpu.vector_store %arg22[%swap3A_804], %swap3A_807 {strides = array<i32>} : memref<512xf32, #tpu.memory_space<vmem>>, vector<16xf32>,
    %mul3A_808 = arith.constant 16 : i32
    %mul3A_809 = arith.muli %add3A, %mul3A_808 : i32
    "tpu.region"() ({
      %run_scoped3A = tpu.sem_alloc : memref<!tpu.dma_semaphore, #tpu.memory_space<semaphore_mem>>
      %dma_start3A_810 = tpu.memref_slice %arg8[%mul3A_809] : memref<512xf32, #tpu.memory_space<hbm>> -> memref<16xf32, #tpu.memory_space<hbm>>
      %dma_start3A_811 = tpu.memref_slice %arg8[%mul3A_809] : memref<512xf32, #tpu.memory_space<hbm>> -> memref<16xf32, #tpu.memory_space<hbm>>
      tpu.enqueue_dma source(%arg23 : memref<16xf32, #tpu.memory_space<vmem>>) target(%dma_start3A_811 : memref<16xf32, #tpu.memory_space<hbm>>) target_semaphore(%run_scoped3A : memref<!tpu.dma_semaphore, #tpu.memory_space<semaphore_mem>>)
      %dma_wait3A_812 = tpu.memref_slice %arg8[%mul3A_809] : memref<512xf32, #tpu.memory_space<hbm>> -> memref<16xf32, #tpu.memory_space<hbm>>
      %dma_wait3A_813 = tpu.memref_slice %arg8[%mul3A_809] : memref<512xf32, #tpu.memory_space<hbm>> -> memref<16xf32, #tpu.memory_space<hbm>>
      tpu.wait_dma2 semaphore(%run_scoped3A : memref<!tpu.dma_semaphore, #tpu.memory_space<semaphore_mem>>) src(%arg23 : memref<16xf32, #tpu.memory_space<vmem>>) dst(%dma_wait3A_813 : memref<16xf32, #tpu.memory_space<hbm>>)
      tpu.yield
    }) : () -> ()
    "tpu.region"() ({
      %run_scoped3A = tpu.sem_alloc : memref<!tpu.dma_semaphore, #tpu.memory_space<semaphore_mem>>
      %dma_start3A_810 = tpu.memref_slice %arg9[%mul3A_2] : memref<16384xf32, #tpu.memory_space<hbm>> -> memref<512xf32, #tpu.memory_space<hbm>>
      %dma_start3A_811 = tpu.memref_slice %arg9[%mul3A_2] : memref<16384xf32, #tpu.memory_space<hbm>> -> memref<512xf32, #tpu.memory_space<hbm>>
      tpu.enqueue_dma source(%arg22 : memref<512xf32, #tpu.memory_space<vmem>>) target(%dma_start3A_811 : memref<512xf32, #tpu.memory_space<hbm>>) target_semaphore(%run_scoped3A : memref<!tpu.dma_semaphore, #tpu.memory_space<semaphore_mem>>)
      %dma_wait3A_812 = tpu.memref_slice %arg9[%mul3A_2] : memref<16384xf32, #tpu.memory_space<hbm>> -> memref<512xf32, #tpu.memory_space<hbm>>
      %dma_wait3A_813 = tpu.memref_slice %arg9[%mul3A_2] : memref<16384xf32, #tpu.memory_space<hbm>> -> memref<512xf32, #tpu.memory_space<hbm>>
      tpu.wait_dma2 semaphore(%run_scoped3A : memref<!tpu.dma_semaphore, #tpu.memory_space<semaphore_mem>>) src(%arg22 : memref<512xf32, #tpu.memory_space<vmem>>) dst(%dma_wait3A_813 : memref<512xf32, #tpu.memory_space<hbm>>)
      tpu.yield
    }) : () -> ()
    return
  }
}

module attributes {stable_mosaic.version = 14 : i64} {
  func.func @_tc_finish(%arg0: memref<4x128xf32, #tpu.memory_space<vmem>>, %arg1: memref<128x128xf32, #tpu.memory_space<vmem>>, %arg2: memref<128x128xf32, #tpu.memory_space<vmem>>) attributes {dimension_semantics = [], scalar_prefetch = 0 : i64, scratch_operands = 0 : i64, tpu.core_type = #tpu.core_type<tc>} {
    %get3A = arith.constant 0 : index
    %get3A_0 = arith.constant 0 : index
    %get3A_1 = vector.load %arg0[%get3A, %get3A_0] : memref<4x128xf32, #tpu.memory_space<vmem>>, vector<4x128xf32>
    %reduce_sum3A = vector.shape_cast %get3A_1 : vector<4x128xf32> to vector<1x4x128xf32>
    %reduce_sum3A_2 = arith.constant dense<0.000000e+00> : vector<1xf32>
    %reduce_sum3A_3 = vector.multi_reduction <add>, %reduce_sum3A, %reduce_sum3A_2 [1, 2] : vector<1x4x128xf32> to vector<1xf32>
    %reduce_sum3A_4 = vector.shape_cast %reduce_sum3A_3 : vector<1xf32> to vector<1x1x1xf32>
    %reduce_sum3A_5 = vector.extract %reduce_sum3A_4[0, 0, 0] : f32 from vector<1x1x1xf32>
    %get3A_6 = arith.constant 0 : index
    %get3A_7 = arith.constant 0 : index
    %get3A_8 = vector.load %arg1[%get3A_6, %get3A_7] : memref<128x128xf32, #tpu.memory_space<vmem>>, vector<128x128xf32>
    %add3A = vector.broadcast %reduce_sum3A_5 : f32 to vector<128x128xf32>
    %add3A_9 = arith.addf %get3A_8, %add3A : vector<128x128xf32>
    %logistic3A = arith.negf %add3A_9 : vector<128x128xf32>
    %logistic3A_10 = math.exp %logistic3A : vector<128x128xf32>
    %logistic3A_11 = arith.constant 1.000000e+00 : f32
    %logistic3A_12 = vector.broadcast %logistic3A_11 : f32 to vector<128x128xf32>
    %logistic3A_13 = arith.addf %logistic3A_12, %logistic3A_10 : vector<128x128xf32>
    %logistic3A_14 = arith.divf %logistic3A_12, %logistic3A_13 : vector<128x128xf32>
    %swap3A = arith.constant 0 : index
    %swap3A_15 = arith.constant 0 : index
    %swap3A_16 = vector.load %arg2[%swap3A, %swap3A_15] : memref<128x128xf32, #tpu.memory_space<vmem>>, vector<128x128xf32>
    tpu.vector_store %arg2[%swap3A, %swap3A_15], %logistic3A_14 {strides = array<i32>} : memref<128x128xf32, #tpu.memory_space<vmem>>, vector<128x128xf32>,
    return
  }
}

</mosaic_0001>

<sc_bundles>
// kernel: kernel.4.cloned.1.call-start
scs
__scs_entry_jumppad:
0x0: {  	(pc) =	sbr.rel $0x88, $3  }
0x1: {  	(tag) =	ssettag $0x0;
	lr =	simm.s32 $0x1  }
0x2: {  	[smem:$0x3F9C] =	sst lr;
	_ =	strace $0xD0000000  }
0x3: {  	_ = 	snop  }
0x4: {  	_ = 	snop  }
0x5: {  	_ = 	snop  }
0x6: {  	_ = 	snop  }
0x7: {  	_ = 	snop  }
__scs_overlays_trampoline_lowered:
0x8: {  	[smem:$0x3FAB] =	sst s0  }
0x9: {  	[smem:$0x3FAC] =	sst s1  }
0xa: {  	[smem:$0x3FAD] =	sst s2  }
0xb: {  	[smem:$0x3FAE] =	sst s3  }
0xc: {  	[smem:$0x3FAF] =	sst s4  }
0xd: {  	[smem:$0x3FB0] =	sst s5  }
0xe: {  	[smem:$0x3FB1] =	sst s6  }
0xf: {  	[smem:$0x3FB2] =	sst s7  }
0x10: {  	[smem:$0x3FB3] =	sst s8  }
0x11: {  	[smem:$0x3FB4] =	sst s9;
	s0 =	simm.s32 @!p0 $0x0  }
0x12: {  	s1 =	sld [smem:$0x3F9A];
	s0 =	simm.s32 @p0 $0x1  }
0x13: {  	[smem:$0x3FB5] =	sst s0;
	s0 =	simm.s32 @!p1 $0x0  }
0x14: {  	s2 =	sld [smem:$0x3F99];
	s0 =	simm.s32 @p1 $0x1  }
0x15: {  	[smem:$0x3FB6] =	sst s0;
	s0 =	simm.s32 @!p2 $0x0  }
0x16: {  	s3 =	sld [smem:$0x3FDB];
	s0 =	simm.s32 @p2 $0x1  }
0x17: {  	s4 =	simm.s32 $0x1BF5;
	[smem:$0x3FB8] =	sst s0  }
0x18: {  	s0 =	sld [smem:$0x3F9B];
	_ =	swait.ge [sflag:s4], $0x0  }
0x19: {  	s7 =	sld [smem:$0x3F9C]  }
0x1a: {  	s8 =	sadd.s32 $0xFFFFE003, lr  }
0x1b: {  	s9 =	sadd.s32 $0xFFFFFEF7, lr;
	s5 =	simm.s32 $0xFFFFFFFF;
	p2 =	slt.u32 s8, $0xFFFFF086  }
0x1c: {  	p1 =	slt.u32 s9, $0xF7A;
	s5 =	simm.s32 @!p2 $0x0  }
0x1d: {  	s5 =	simm.s32 @p1 $0x1;
	p0 =	seq.s32 s7, s2  }
0x1e: {  	s7 =	smul.u32 @!p0 $0xF7A, s2;
	p2 =	seq.s32 @!p0 s5, $0x0  }
0x1f: {  	s9 =	smul.u32 $0xF7A, s1;
	s8 =	simm.s32 @!p0 $0x1BF5;
	p2 =	por !p2, p0  }
0x20: {  	[sflag:s8] =	ssyncset.s32 @!p0 $0xFFFFF086;
	s6 =	sadd.s32 @!p0 s3, s7;
	s7 =	simm.s32 @!p0 $0x108  }
0x21: {  	s3 =	sadd.s32 s3, s9;
	s6 =	sadd.s32 @!p0 $0x88, s6;
	s7 =	simm.s32 @p2 $0x1082  }
0x22: {  	[simem:s7], [sflag:s8] =	dma.local @!p0 [hbm:s6], $0xF7A  }
0x23: {  	s9 =	sor.u32 $0xD0000000, s2;
	s6 =	simm.s32 $0x108;
	_ =	swait.ge @!p0 [sflag:s8], $0x0  }
0x24: {  	s3 =	sadd.s32 $0x88, s3;
	s6 =	simm.s32 @!p1 $0x1082;
	[sflag:s4] =	ssyncset.s32 $0xFFFFF086  }
0x25: {  	[simem:s6], [sflag:s4] =	dma.local [hbm:s3], $0xF7A  }
0x26: {  	[smem:$0x3F9C] =	sst s1;
	(tag) =	ssettag s2;
	_ =	strace s9  }
0x27: {  	s1 =	sld [smem:$0x3FAC]  }
0x28: {  	s2 =	sld [smem:$0x3FAD]  }
0x29: {  	s4 =	sld [smem:$0x3FAF]  }
0x2a: {  	p0 =	seq.s32 s5, $0x0;
	s5 =	sld [smem:$0x3FB0]  }
0x2b: {  	s6 =	sld [smem:$0x3FB1]  }
0x2c: {  	s7 =	sld [smem:$0x3FB2]  }
0x2d: {  	s3 =	simm.s32 $0x108;
	s8 =	sld [smem:$0x3FB3]  }
0x2e: {  	s3 =	simm.s32 @!p0 $0x1082;
	s9 =	sld [smem:$0x3FB4]  }
0x2f: {  	lr =	sadd.s32 s0, s3;
	s0 =	sld [smem:$0x3FAB]  }
0x30: {  	s3 =	sld [smem:$0x3FAE]  }
0x31: {  	[smem:$0x3FB7] =	sst s10  }
0x32: {  	s10 =	sld [smem:$0x3FB5];
	_ =	sdelay $0x3  }
0x33: {  	p0 =	seq.s32 s10, $0x1;
	s10 =	sld [smem:$0x3FB7];
	_ =	sdelay $0x3  }
0x34: {  	[smem:$0x3FB7] =	sst s10  }
0x35: {  	s10 =	sld [smem:$0x3FB6];
	_ =	sdelay $0x3  }
0x36: {  	p1 =	seq.s32 s10, $0x1;
	s10 =	sld [smem:$0x3FB7];
	_ =	sdelay $0x3  }
0x37: {  	[smem:$0x3FB7] =	sst s10  }
0x38: {  	s10 =	sld [smem:$0x3FB8]  }
0x39: {  	_ = 	snop;
	(pc) =	sbr.ind lr, $3  }
0x3a: {  	_ = 	snop  }
0x3b: {  	_ = 	snop  }
0x3c: {  	p2 =	seq.s32 s10, $0x1;
	s10 =	sld [smem:$0x3FB7]  }
0x3d: {  	_ =	shalt  }
0x3e: {  	_ =	shalt  }
0x3f: {  	_ =	shalt  }
0x40: {  	_ =	shalt  }
0x41: {  	_ =	shalt  }
0x42: {  	_ =	shalt  }
0x43: {  	_ =	shalt  }
0x44: {  	_ =	shalt  }
0x45: {  	_ =	shalt  }
0x46: {  	_ =	shalt  }
0x47: {  	_ =	shalt  }
0x48: {  	_ =	shalt  }
0x49: {  	_ =	shalt  }
0x4a: {  	_ =	shalt  }
0x4b: {  	_ =	shalt  }
0x4c: {  	_ =	shalt  }
0x4d: {  	_ =	shalt  }
0x4e: {  	_ =	shalt  }
0x4f: {  	_ =	shalt  }
0x50: {  	_ =	shalt  }
0x51: {  	_ =	shalt  }
0x52: {  	_ =	shalt  }
0x53: {  	_ =	shalt  }
0x54: {  	_ =	shalt  }
0x55: {  	_ =	shalt  }
0x56: {  	_ =	shalt  }
0x57: {  	_ =	shalt  }
0x58: {  	_ =	shalt  }
0x59: {  	_ =	shalt  }
0x5a: {  	_ =	shalt  }
0x5b: {  	_ =	shalt  }
0x5c: {  	_ =	shalt  }
0x5d: {  	_ =	shalt  }
0x5e: {  	_ =	shalt  }
0x5f: {  	_ =	shalt  }
0x60: {  	_ =	shalt  }
0x61: {  	_ =	shalt  }
0x62: {  	_ =	shalt  }
0x63: {  	_ =	shalt  }
0x64: {  	_ =	shalt  }
0x65: {  	_ =	shalt  }
0x66: {  	_ =	shalt  }
0x67: {  	_ =	shalt  }
0x68: {  	_ =	shalt  }
0x69: {  	_ =	shalt  }
0x6a: {  	_ =	shalt  }
0x6b: {  	_ =	shalt  }
0x6c: {  	_ =	shalt  }
0x6d: {  	_ =	shalt  }
0x6e: {  	_ =	shalt  }
0x6f: {  	_ =	shalt  }
0x70: {  	_ =	shalt  }
0x71: {  	_ =	shalt  }
0x72: {  	_ =	shalt  }
0x73: {  	_ =	shalt  }
0x74: {  	_ =	shalt  }
0x75: {  	_ =	shalt  }
0x76: {  	_ =	shalt  }
0x77: {  	_ =	shalt  }
0x78: {  	_ =	shalt  }
0x79: {  	_ =	shalt  }
0x7a: {  	_ =	shalt  }
0x7b: {  	_ =	shalt  }
0x7c: {  	_ =	shalt  }
0x7d: {  	_ =	shalt  }
0x7e: {  	_ =	shalt  }
0x7f: {  	_ =	shalt  }
0x80: {  	_ =	shalt  }
0x81: {  	_ =	shalt  }
0x82: {  	_ =	shalt  }
0x83: {  	_ =	shalt  }
0x84: {  	_ =	shalt  }
0x85: {  	_ =	shalt  }
0x86: {  	_ =	shalt  }
0x87: {  	_ =	shalt  }
.Lfunc_end0:
.L_simem_size_0:
called_computation_lowered:
.L_overlay_start_0:
0x88: {  	s2 =	sld [smem:$0x3FD9]  }
0x89: {  	s3 =	sld [smem:$0x3FFE];
	_ =	sdelay $0x1  }
0x8a: {  	s1 =	srdreg.scid  }
0x8b: {  	s0 =	sand.u32 $0x1, s1  }
0x8c: {  	s17 =	sshll.u32 s0, $0xA;
	s2 =	sadd.s32 s3, s2  }
0x8d: {  	s2 =	sadd.s32 s2, s17  }
0x8e: {  	[smem:$0x3FC3] =	sst s2  }
0x8f: {  	_ = 	snop  }
0x90: {  	s2 =	sld [smem:$0x3FC8]  }
0x91: {  	s18 =	sld [smem:$0x3FC6]  }
0x92: {  	s4 =	sld [smem:$0x3FD0];
	(tm) =	ssettm $0x1  }
0x93: {  	s5 =	sld [smem:$0x3FFB];
	_ =	sdelay $0x3  }
0x94: {  	_ =	strace s5  }
0x95: {  	s5 =	sld [smem:$0x3FFC];
	_ =	sdelay $0x3  }
0x96: {  	_ =	strace s5  }
0x97: {  	s5 =	sld [smem:$0x3FFD];
	_ =	sdelay $0x3  }
0x98: {  	_ =	strace s5  }
0x99: {  	_ =	strace $0x8FFFFFFF  }
0x9a: {  	s19 =	sld [smem:$0x3FDB];
	_ =	sdelay $0x1  }
0x9b: {  	s6 =	simm.s32 $_scs_section_size  }
0x9c: {  	s7 =	simm.s32 $_size__tile_overlayer_lowered;
	s8 =	simm.s32 $_tile_overlayer_lowered  }
0x9d: {  	s22 =	simm.s32 $0x1BFF;
	s21 =	sshll.u32 s8, $0x1;
	s5 =	sadd.s32 s6, s19  }
0x9e: {  	s9 =	simm.s32 $0x0;
	s20 =	sshll.u32 s7, $0x1;
	s7 =	sadd.s32 s21, s5  }
0x9f: {  	[timem:s9], [sflag:s22] =	dma.local [hbm:s7], s20  }
0xa0: {  	_ =	swait.ge [sflag:s22], s20  }
0xa1: {  	s6 =	ssub.s32 $0x0, s20;
	[sflag:s22] =	ssyncset.done $0x0  }
0xa2: {  	[sflag:s22] =	ssyncadd.s32 s6;
	_ =	sdelay $0x1  }
0xa3: {  	s23 =	simm.s32 $0x1B8B  }
0xa4: {  	_ =	swait.ge [sflag:s23], $0x1  }
0xa5: {  	[sflag:s23] =	ssyncset.done $0x0  }
0xa6: {  	s25 =	simm.s32 $0x1B8E;
	s24 =	sld [smem:$0x3FFE];
	[sflag:s23] =	ssyncadd.s32 $0xFFFFFFFF  }
0xa7: {  	s26 =	simm.s32 $execute0_lowered;
	[smem:$0x3FD2] =	sst s25  }
0xa8: {  	s7 =	sshll.u32 s26, $0x1;
	_ =	strace $0x80000046;
	[dreg:$0x1] =	wrdreg $0xFFFFFFFF  }
0xa9: {  	s28 =	simm.s32 $_size_execute0_lowered;
	s5 =	sadd.s32 s5, s7;
	[dreg:$0x0] =	wrdreg $0x0  }
0xaa: {  	s7 =	sshll.u32 s28, $0x1;
	[dreg:$0x2] =	wrdreg s5  }
0xab: {  	[dreg:$0x3] =	wrdreg s7  }
0xac: {  	[dreg:$0x4] =	wrdreg $0xC0  }
0xad: {  	_ =	task [dreg:s9], $0x5FFFF  }
0xae: {  	[dreg:$0x1] =	wrdreg $0xFFFFFFFF  }
0xaf: {  	[dreg:$0x0] =	wrdreg $0x60  }
0xb0: {  	[dreg:$0x2] =	wrdreg s24  }
0xb1: {  	[dreg:$0x3] =	wrdreg s4  }
0xb2: {  	[dreg:$0x4] =	wrdreg s2  }
0xb3: {  	[dreg:$0x5] =	wrdreg s18  }
0xb4: {  	[dreg:$0x6] =	wrdreg $0x9  }
0xb5: {  	_ =	task.clear_ibuf [dreg:s9], $0x7FFFF;
	_ =	strace $0x90000046  }
0xb6: {  	s29 =	simm.s32 $0x9;
	_ =	strace $0x80000048  }
0xb7: {  	_ =	swait.ge [sflag:s29], $0x1  }
0xb8: {  	[sflag:s29] =	ssyncadd.s32 $0xFFFFFFFF  }
0xb9: {  	_ =	strace $0x90000048  }
0xba: {  	_ =	sfence  }
0xbb: {  	s30 =	sld [smem:$0x0];
	_ =	sdelay $0x2  }
0xbc: {  	s31 =	sshll.u32 s1, $0xD;
	s1 =	sshrl.u32 s1, $0x2  }
0xbd: {  	s3 =	sand.u32 $0x4000, s31;
	s1 =	sadd.s32 s1, s30  }
0xbe: {  	s0 =	sor.u32 s3, s0;
	s1 =	sshll.u32 s1, $0x11  }
0xbf: {  	s0 =	sor.u32 s1, s0  }
0xc0: {  	s0 =	sadd.s32 $0x8F2B, s0  }
0xc1: {  	[sflag:s0] =	ssyncadd.remote.s32 $0x1  }
0xc2: {  	_ =	sfence.sel $0xFFFF  }
0xc3: {  	[dreg:$0x0] =	wrdreg $0xFFFFFFFF;
	(pc) =	sbr.abs _section_cstart, $3  }
0xc4: {  	[dreg:$0x1] =	wrdreg $0xFFFFFFFF  }
0xc5: {  	_ =	task.clear_ibuf [dreg:s9], $0x2FFFF;
	_ =	strace $0x9FFFFFFF  }
0xc6: {  	(tm) =	ssettm $0x7FFFFFFF  }
0xc7: {  	_ =	shalt  }
tec
execute0_lowered:
.L_overlay_start_1:
0x0: {  	(tag) =	ssettag $0x1  }
0x1: {  	s0 =	rddreg [dreg:$0x0]  }
0x2: {  	s2 =	rddreg [dreg:$0x1]  }
0x3: {  	s1 =	rddreg [dreg:$0x2]  }
0x4: {  	s3 =	rddreg [dreg:$0x3];
	s4 =	simm.s32 $0x0  }
0x5: {  	s5 =	srdreg.scid;
	s6 =	stileid.u32;
	s12 =	simm.s32 $0x200  }
0x6: {  	s13 =	simm.s32 $0x9;
	s14 =	simm.s32 $0x40;
	s20 =	simm.s32 $0x80  }
0x7: {  	s29 =	simm.s32 $0x100;
	s31 =	simm.s32 $0x300;
	s24 =	simm.s32 $0x380  }
0x8: {  	s28 =	simm.s32 $0x6400;
	s18 =	simm.s32 $0x1;
	s25 =	simm.s32 $0x5  }
0x9: {  	s30 =	simm.s32 $0x6;
	s15 =	simm.s32 $0x3;
	s16 =	simm.s32 $0x7  }
0xa: {  	s17 =	simm.s32 $0x4;
	s19 =	simm.s32 $0x8;
	s21 =	simm.s32 $0xA  }
0xb: {  	s22 =	simm.s32 $0x0;
	[smem:$0x7FF] =	sst s4;
	s7 =	sand.u32 $0x1, s5  }
0xc: {  	s6 =	sshll.u32 s6, $0x1;
	s5 =	sadd.s32 $0xC00, s0;
	_ =	strace $0x80000047  }
0xd: {  	s8 =	sor.u32 s7, s6;
	s6 =	sadd.s32 $0x3E00, s0;
	s7 =	ssub.s32 $0x2, s7  }
0xe: {  	s9 =	sshll.u32 s8, $0x6;
	s8 =	sshll.u32 s8, $0x1;
	s11 =	sshrl.u32 s7, $0x1  }
0xf: {  	s10 =	sadd.s32 s9, s0;
	s0 =	sadd.s32 s8, s0;
	s7 =	ssub.s32 s7, s11  }
0x10: {  	s8 =	sadd.s32 s2, s9;
	s2 =	simm.s32 $0x180;
	s26 =	sadd.s32 $0x400, s10  }
0x11: {  	s9 =	sadd.s32 $0x7800, s0;
	s10 =	sadd.s32 $0x7000, s10;
	s11 =	smax.u32 s7, $0x1  }
0x12: {  	s0 =	simm.s32 $0xE400;
	[dreg:$0x5] =	wrdreg s26;
	s26 =	simm.s32 $0x2  }
.LBB2_1:
0x13: {  	s7 =	rddreg [dreg:$0x5]  }
0x14: {  	[tilespmem:s4], [sflag:$0x9] =	stream.linear.gather [hbm4b:s7+s4], $0x200, $0x38;
	[tilespmem:$0x10A80] =	vst v63  }
0x15: {  	_ = 	snop  }
0x16: {  	[tilespmem:s12], [sflag:$0x9] =	stream.linear.gather [hbm4b:s8+s4], $0x200, $0x38;
	[tilespmem:$0x10A80] =	vst v63  }
0x17: {  	_ =	swait.ge [sflag:s13], $0x200  }
0x18: {  	[sflag:s13] =	ssyncset.done $0x0  }
0x19: {  	[sflag:s13] =	ssyncadd.s32 $0xFFFFFE00  }
0x1a: {  	_ =	swait.ge [sflag:s13], $0x200  }
0x1b: {  	[sflag:s13] =	ssyncset.done $0x0  }
0x1c: {  	s23 =	simm.s32 $0x400;
	[sflag:s13] =	ssyncadd.s32 $0xFFFFFE00  }
0x1d: {  	[tilespmem:s23], [sflag:$0x1] =	stream.indirect.gather [hbm4b:s1+s14], $0x80, s4, s14, $0xb8;
	[tilespmem:$0x10A80] =	vst v63  }
0x1e: {  	s23 =	simm.s32 $0x8400  }
0x1f: {  	[tilespmem:s23], [sflag:$0x5] =	stream.indirect.gather [hbm4b:s3+s14], $0x80, s12, s14, $0xb8;
	[tilespmem:$0x10A80] =	vst v63  }
0x20: {  	s23 =	simm.s32 $0x2400  }
0x21: {  	[tilespmem:s23], [sflag:$0x2] =	stream.indirect.gather [hbm4b:s1+s14], $0x80, s14, s14, $0xb8;
	[tilespmem:$0x10A80] =	vst v63  }
0x22: {  	s7 =	simm.s32 $0x240;
	s23 =	simm.s32 $0xA400  }
0x23: {  	[tilespmem:s23], [sflag:$0x6] =	stream.indirect.gather [hbm4b:s3+s14], $0x80, s7, s14, $0xb8;
	[tilespmem:$0x10A80] =	vst v63  }
0x24: {  	s23 =	simm.s32 $0x4400  }
0x25: {  	[tilespmem:s23], [sflag:$0x3] =	stream.indirect.gather [hbm4b:s1+s14], $0x80, s20, s14, $0xb8;
	[tilespmem:$0x10A80] =	vst v63  }
0x26: {  	s7 =	simm.s32 $0x280;
	s23 =	simm.s32 $0xC400  }
0x27: {  	[tilespmem:s23], [sflag:$0x7] =	stream.indirect.gather [hbm4b:s3+s14], $0x80, s7, s14, $0xb8;
	[tilespmem:$0x10A80] =	vst v63  }
0x28: {  	s23 =	simm.s32 $0x10400  }
0x29: {  	[tilespmem:s23], [sflag:$0x9] =	stream.indirect.gather [hbm4b:s5+s20], $0x1, s4, s20, $0xb8;
	[tilespmem:$0x10A80] =	vst v63  }
0x2a: {  	s23 =	simm.s32 $0x10600  }
0x2b: {  	[tilespmem:s23], [sflag:$0x9] =	stream.indirect.gather [hbm4b:s6+s20], $0x1, s12, s20, $0xb8;
	[tilespmem:$0x10A80] =	vst v63  }
0x2c: {  	s23 =	simm.s32 $0x10480  }
0x2d: {  	[tilespmem:s23], [sflag:$0x9] =	stream.indirect.gather [hbm4b:s5+s20], $0x1, s20, s20, $0xb8;
	[tilespmem:$0x10A80] =	vst v63  }
0x2e: {  	s23 =	simm.s32 $0x10680  }
0x2f: {  	[tilespmem:s23], [sflag:$0x9] =	stream.indirect.gather [hbm4b:s6+s20], $0x1, s7, s20, $0xb8;
	[tilespmem:$0x10A80] =	vst v63  }
0x30: {  	s23 =	simm.s32 $0x10500  }
0x31: {  	[tilespmem:s23], [sflag:$0x9] =	stream.indirect.gather [hbm4b:s5+s20], $0x1, s29, s20, $0xb8;
	[tilespmem:$0x10A80] =	vst v63  }
0x32: {  	s23 =	simm.s32 $0x10700  }
0x33: {  	[tilespmem:s23], [sflag:$0x9] =	stream.indirect.gather [hbm4b:s6+s20], $0x1, s31, s20, $0xb8;
	[tilespmem:$0x10A80] =	vst v63  }
0x34: {  	s23 =	simm.s32 $0x10580  }
0x35: {  	[tilespmem:s23], [sflag:$0x9] =	stream.indirect.gather [hbm4b:s5+s20], $0x1, s2, s20, $0xb8;
	[tilespmem:$0x10A80] =	vst v63  }
0x36: {  	s23 =	simm.s32 $0x10780  }
0x37: {  	[tilespmem:s23], [sflag:$0x9] =	stream.indirect.gather [hbm4b:s6+s20], $0x1, s24, s20, $0xb8;
	[tilespmem:$0x10A80] =	vst v63  }
0x38: {  	s23 =	simm.s32 $0xC0  }
0x39: {  	[tilespmem:s28], [sflag:$0x4] =	stream.indirect.gather [hbm4b:s1+s14], $0x80, s23, s14, $0xb8;
	[tilespmem:$0x10A80] =	vst v63  }
0x3a: {  	s23 =	simm.s32 $0x2C0  }
0x3b: {  	[tilespmem:s0], [sflag:$0x8] =	stream.indirect.gather [hbm4b:s3+s14], $0x80, s23, s14, $0xb8;
	[tilespmem:$0x10A80] =	vst v63  }
0x3c: {  	_ =	swait.ge [sflag:s18], $0x2000  }
0x3d: {  	[sflag:s18] =	ssyncset.done $0x0  }
0x3e: {  	[sflag:s18] =	ssyncadd.s32 $0xFFFFE000  }
0x3f: {  	_ =	swait.ge [sflag:s25], $0x2000  }
0x40: {  	[sflag:s25] =	ssyncset.done $0x0  }
0x41: {  	s7 =	simm.s32 $0x0;
	[sflag:s25] =	ssyncadd.s32 $0xFFFFE000  }
0x42: {  	v0 =	vld [tilespmem:s7+$0x470]  }
0x43: {  	v1 =	vld [tilespmem:s7+$0x8470]  }
0x44: {  	v2 =	vld [tilespmem:s7+$0x400]  }
0x45: {  	v3 =	vld [tilespmem:s7+$0x8400]  }
0x46: {  	v5 =	vld [tilespmem:s7+$0x410]  }
0x47: {  	v6 =	vld [tilespmem:s7+$0x8410]  }
0x48: {  	v7 =	vld [tilespmem:s7+$0x420]  }
0x49: {  	v9 =	vld [tilespmem:s7+$0x8420]  }
0x4a: {  	v10 =	vld [tilespmem:s7+$0x430]  }
0x4b: {  	v11 =	vld [tilespmem:s7+$0x8430]  }
0x4c: {  	v13 =	vld [tilespmem:s7+$0x440]  }
0x4d: {  	v14 =	vld [tilespmem:s7+$0x8440]  }
0x4e: {  	v0 =	vmul.f32 v1, v0  }
0x4f: {  	v4 =	vimm.f32 $0.0e+00;
	v8 =	vld [tilespmem:s7+$0x450];
	v1 =	vmul.f32 v3, v2;
	v2 =	vmul.f32 v6, v5  }
0x50: {  	v6 =	vmul.f32 v11, v10;
	v3 =	vadd.f32 v0, v4;
	v0 =	vmul.f32 v9, v7;
	v9 =	vld [tilespmem:s7+$0x8450]  }
0x51: {  	v12 =	vld [tilespmem:s7+$0x8460];
	v5 =	vadd.f32 v1, v4  }
0x52: {  	s23 =	simm.s32 $0x80;
	v10 =	vld [tilespmem:s7+$0x460];
	v13 =	vmul.f32 v14, v13;
	v1 =	vadd.f32 v2, v4;
	v2 =	vadd.f32 v6, v4  }
0x53: {  	v11 =	vld [tilespmem:s23+$0x470];
	s7 =	simm.s32 $0x400;
	v7 =	vimm.f32 $0.0e+00;
	v6 =	vimm.f32 $0.0e+00;
	v0 =	vadd.f32 v0, v4  }
.LBB2_2:
0x54: {  	p0 =	sne.s32 s7, $0x7E00;
	v14 =	vld [tilespmem:s23+$0x8470]  }
0x55: {  	v15 =	vld [tilespmem:s23+$0x400];
	v4 =	vadd.f32 v13, v4;
	v8 =	vmul.f32 v9, v8  }
0x56: {  	v9 =	vld [tilespmem:s23+$0x8400]  }
0x57: {  	v13 =	vld [tilespmem:s23+$0x410];
	v7 =	vadd.f32 v8, v7;
	v8 =	vmul.f32 v12, v10  }
0x58: {  	v10 =	vld [tilespmem:s23+$0x8410]  }
0x59: {  	v12 =	vld [tilespmem:s23+$0x420];
	v11 =	vmul.f32 v14, v11;
	v6 =	vadd.f32 v8, v6  }
0x5a: {  	v8 =	vld [tilespmem:s23+$0x8420]  }
0x5b: {  	v9 =	vmul.f32 v9, v15;
	v14 =	vld [tilespmem:s23+$0x430];
	v3 =	vadd.f32 v11, v3  }
0x5c: {  	v11 =	vld [tilespmem:s23+$0x8430]  }
0x5d: {  	v5 =	vadd.f32 v9, v5;
	v9 =	vmul.f32 v10, v13;
	v13 =	vld [tilespmem:s23+$0x440]  }
0x5e: {  	v15 =	vld [tilespmem:s23+$0x8440]  }
.Ltmp0:
0x5f: {  	v1 =	vadd.f32 v9, v1;
	v10 =	vmul.f32 v8, v12;
	v8 =	vld [tilespmem:s23+$0x450];
	(pc) =	sbr.rel @p0 .LBB2_2-.Ltmp0, $4  }
0x60: {  	v9 =	vld [tilespmem:s23+$0x8450]  }
0x61: {  	v0 =	vadd.f32 v10, v0;
	v14 =	vmul.f32 v11, v14;
	v10 =	vld [tilespmem:s23+$0x460]  }
0x62: {  	v12 =	vld [tilespmem:s23+$0x8460];
	s23 =	sshra.s32 s7, $0x2  }
0x63: {  	s7 =	sadd.s32 $0x200, s7;
	v11 =	vld [tilespmem:s23+$0x470];
	v2 =	vadd.f32 v14, v2;
	v13 =	vmul.f32 v15, v13  }
0x64: {  	v14 =	vld [tilespmem:s23+$0x8470]  }
0x65: {  	v15 =	vld [tilespmem:s23+$0x400]  }
0x66: {  	v16 =	vld [tilespmem:s23+$0x8400]  }
0x67: {  	v17 =	vld [tilespmem:s23+$0x410]  }
0x68: {  	v18 =	vld [tilespmem:s23+$0x8410]  }
0x69: {  	v19 =	vld [tilespmem:s23+$0x420]  }
0x6a: {  	v20 =	vld [tilespmem:s23+$0x8420]  }
0x6b: {  	v21 =	vld [tilespmem:s23+$0x430]  }
0x6c: {  	v22 =	vld [tilespmem:s23+$0x8430]  }
0x6d: {  	v23 =	vld [tilespmem:s23+$0x440]  }
0x6e: {  	v24 =	vld [tilespmem:s23+$0x8440]  }
0x6f: {  	v25 =	vld [tilespmem:s23+$0x450]  }
0x70: {  	v26 =	vld [tilespmem:s23+$0x8450]  }
0x71: {  	v27 =	vld [tilespmem:s23+$0x460];
	s7 =	simm.s32 $0x400  }
0x72: {  	v28 =	vld [tilespmem:s23+$0x8460];
	[tilespmem:s7], [sflag:$0x1] =	stream.indirect.gather [hbm4b:s1+s14], $0x80, s29, s14, $0xb8  }
0x73: {  	s23 =	simm.s32 $0x8400  }
0x74: {  	[tilespmem:s23], [sflag:$0x5] =	stream.indirect.gather [hbm4b:s3+s14], $0x80, s31, s14, $0xb8;
	[tilespmem:$0x10A80] =	vst v63  }
0x75: {  	_ =	swait.ge [sflag:s26], $0x2000  }
0x76: {  	[sflag:s26] =	ssyncset.done $0x0  }
0x77: {  	[sflag:s26] =	ssyncadd.s32 $0xFFFFE000  }
0x78: {  	_ =	swait.ge [sflag:s30], $0x2000  }
0x79: {  	[sflag:s30] =	ssyncset.done $0x0  }
0x7a: {  	s7 =	simm.s32 $0x0;
	[sflag:s30] =	ssyncadd.s32 $0xFFFFE000  }
0x7b: {  	v29 =	vld [tilespmem:s7+$0x2470]  }
0x7c: {  	v30 =	vld [tilespmem:s7+$0xA470]  }
0x7d: {  	v31 =	vld [tilespmem:s7+$0x2400]  }
0x7e: {  	v32 =	vld [tilespmem:s7+$0xA400]  }
0x7f: {  	v33 =	vld [tilespmem:s7+$0x2410]  }
0x80: {  	v8 =	vmul.f32 v9, v8;
	v9 =	vld [tilespmem:s7+$0xA410]  }
0x81: {  	v10 =	vmul.f32 v12, v10;
	v11 =	vmul.f32 v14, v11;
	v12 =	vld [tilespmem:s7+$0x2420]  }
0x82: {  	v4 =	vadd.f32 v13, v4;
	v7 =	vadd.f32 v8, v7;
	v8 =	vmul.f32 v16, v15;
	v13 =	vld [tilespmem:s7+$0xA420]  }
0x83: {  	v6 =	vadd.f32 v10, v6;
	v10 =	vmul.f32 v18, v17;
	v3 =	vadd.f32 v11, v3;
	v11 =	vld [tilespmem:s7+$0x2430]  }
0x84: {  	v14 =	vmul.f32 v22, v21;
	v5 =	vadd.f32 v8, v5;
	v8 =	vmul.f32 v20, v19;
	v15 =	vld [tilespmem:s7+$0xA430]  }
0x85: {  	v59 =	vadd.f32 v10, v1;
	v1 =	vmul.f32 v24, v23;
	v10 =	vmul.f32 v26, v25;
	v60 =	vld [tilespmem:s7+$0x2440]  }
0x86: {  	v14 =	vadd.f32 v14, v2;
	v2 =	vmul.f32 v28, v27;
	v61 =	vadd.f32 v8, v0;
	v62 =	vld [tilespmem:s7+$0xA440]  }
0x87: {  	v0 =	vadd.f32 v1, v4;
	v1 =	vadd.f32 v10, v7;
	v8 =	vld [tilespmem:s7+$0x2450];
	v4 =	vmul.f32 v30, v29  }
0x88: {  	v2 =	vadd.f32 v2, v6;
	v7 =	vmul.f32 v32, v31;
	v63 =	vmul.f32 v9, v33;
	v9 =	vld [tilespmem:s7+$0xA450]  }
0x89: {  	v10 =	vld [tilespmem:s7+$0x2460];
	v6 =	vadd.f32 v4, v3;
	v3 =	vmul.f32 v13, v12;
	v13 =	vmul.f32 v15, v11  }
0x8a: {  	s23 =	simm.s32 $0x80;
	v7 =	vadd.f32 v7, v5;
	v4 =	vadd.f32 v63, v59;
	v12 =	vld [tilespmem:s7+$0xA460]  }
0x8b: {  	v11 =	vld [tilespmem:s23+$0x2470];
	s7 =	simm.s32 $0x400;
	v3 =	vadd.f32 v3, v61;
	v5 =	vadd.f32 v13, v14;
	v13 =	vmul.f32 v62, v60  }
.LBB2_4:
0x8c: {  	p0 =	sne.s32 s7, $0x7E00;
	v14 =	vld [tilespmem:s23+$0xA470]  }
0x8d: {  	v15 =	vld [tilespmem:s23+$0x2400];
	v0 =	vadd.f32 v13, v0;
	v8 =	vmul.f32 v9, v8  }
0x8e: {  	v9 =	vld [tilespmem:s23+$0xA400]  }
0x8f: {  	v13 =	vld [tilespmem:s23+$0x2410];
	v1 =	vadd.f32 v8, v1;
	v8 =	vmul.f32 v12, v10  }
0x90: {  	v10 =	vld [tilespmem:s23+$0xA410]  }
0x91: {  	v12 =	vld [tilespmem:s23+$0x2420];
	v11 =	vmul.f32 v14, v11;
	v2 =	vadd.f32 v8, v2  }
0x92: {  	v8 =	vld [tilespmem:s23+$0xA420]  }
0x93: {  	v9 =	vmul.f32 v9, v15;
	v14 =	vld [tilespmem:s23+$0x2430];
	v6 =	vadd.f32 v11, v6  }
0x94: {  	v11 =	vld [tilespmem:s23+$0xA430]  }
0x95: {  	v7 =	vadd.f32 v9, v7;
	v9 =	vmul.f32 v10, v13;
	v13 =	vld [tilespmem:s23+$0x2440]  }
0x96: {  	v15 =	vld [tilespmem:s23+$0xA440]  }
.Ltmp1:
0x97: {  	v4 =	vadd.f32 v9, v4;
	v10 =	vmul.f32 v8, v12;
	v8 =	vld [tilespmem:s23+$0x2450];
	(pc) =	sbr.rel @p0 .LBB2_4-.Ltmp1, $4  }
0x98: {  	v9 =	vld [tilespmem:s23+$0xA450]  }
0x99: {  	v3 =	vadd.f32 v10, v3;
	v14 =	vmul.f32 v11, v14;
	v10 =	vld [tilespmem:s23+$0x2460]  }
0x9a: {  	v12 =	vld [tilespmem:s23+$0xA460];
	s23 =	sshra.s32 s7, $0x2  }
0x9b: {  	s7 =	sadd.s32 $0x200, s7;
	v11 =	vld [tilespmem:s23+$0x2470];
	v5 =	vadd.f32 v14, v5;
	v13 =	vmul.f32 v15, v13  }
0x9c: {  	v14 =	vld [tilespmem:s23+$0xA470]  }
0x9d: {  	v15 =	vld [tilespmem:s23+$0x2400]  }
0x9e: {  	v16 =	vld [tilespmem:s23+$0xA400]  }
0x9f: {  	v17 =	vld [tilespmem:s23+$0x2410]  }
0xa0: {  	v18 =	vld [tilespmem:s23+$0xA410]  }
0xa1: {  	v19 =	vld [tilespmem:s23+$0x2420]  }
0xa2: {  	v20 =	vld [tilespmem:s23+$0xA420]  }
0xa3: {  	v21 =	vld [tilespmem:s23+$0x2430]  }
0xa4: {  	v22 =	vld [tilespmem:s23+$0xA430]  }
0xa5: {  	v23 =	vld [tilespmem:s23+$0x2440]  }
0xa6: {  	v24 =	vld [tilespmem:s23+$0xA440]  }
0xa7: {  	v25 =	vld [tilespmem:s23+$0x2450]  }
0xa8: {  	v26 =	vld [tilespmem:s23+$0xA450]  }
0xa9: {  	v27 =	vld [tilespmem:s23+$0x2460]  }
0xaa: {  	v28 =	vld [tilespmem:s23+$0xA460];
	s7 =	simm.s32 $0x2400;
	s23 =	simm.s32 $0x140  }
0xab: {  	[tilespmem:s7], [sflag:$0x2] =	stream.indirect.gather [hbm4b:s1+s14], $0x80, s23, s14, $0xb8;
	[tilespmem:$0x10A80] =	vst v63  }
0xac: {  	s7 =	simm.s32 $0xA400;
	s23 =	simm.s32 $0x340  }
0xad: {  	[tilespmem:s7], [sflag:$0x6] =	stream.indirect.gather [hbm4b:s3+s14], $0x80, s23, s14, $0xb8;
	[tilespmem:$0x10A80] =	vst v63  }
0xae: {  	_ =	swait.ge [sflag:s15], $0x2000  }
0xaf: {  	[sflag:s15] =	ssyncset.done $0x0  }
0xb0: {  	[sflag:s15] =	ssyncadd.s32 $0xFFFFE000  }
0xb1: {  	_ =	swait.ge [sflag:s16], $0x2000  }
0xb2: {  	[sflag:s16] =	ssyncset.done $0x0  }
0xb3: {  	s7 =	simm.s32 $0x0;
	[sflag:s16] =	ssyncadd.s32 $0xFFFFE000  }
0xb4: {  	v29 =	vld [tilespmem:s7+$0x4470]  }
0xb5: {  	v30 =	vld [tilespmem:s7+$0xC470]  }
0xb6: {  	v31 =	vld [tilespmem:s7+$0x4400]  }
0xb7: {  	v32 =	vld [tilespmem:s7+$0xC400]  }
0xb8: {  	v33 =	vld [tilespmem:s7+$0x4410]  }
0xb9: {  	v8 =	vmul.f32 v9, v8;
	v9 =	vld [tilespmem:s7+$0xC410]  }
0xba: {  	v10 =	vmul.f32 v12, v10;
	v11 =	vmul.f32 v14, v11;
	v12 =	vld [tilespmem:s7+$0x4420]  }
0xbb: {  	v0 =	vadd.f32 v13, v0;
	v1 =	vadd.f32 v8, v1;
	v8 =	vmul.f32 v16, v15;
	v13 =	vld [tilespmem:s7+$0xC420]  }
0xbc: {  	v2 =	vadd.f32 v10, v2;
	v10 =	vmul.f32 v18, v17;
	v6 =	vadd.f32 v11, v6;
	v11 =	vld [tilespmem:s7+$0x4430]  }
0xbd: {  	v14 =	vmul.f32 v22, v21;
	v60 =	vmul.f32 v26, v25;
	v7 =	vadd.f32 v8, v7;
	v15 =	vld [tilespmem:s7+$0xC430]  }
0xbe: {  	v8 =	vmul.f32 v20, v19;
	v4 =	vadd.f32 v10, v4;
	v10 =	vmul.f32 v24, v23;
	v61 =	vld [tilespmem:s7+$0x4440]  }
0xbf: {  	v5 =	vadd.f32 v14, v5;
	v14 =	vmul.f32 v28, v27;
	v1 =	vadd.f32 v60, v1;
	v62 =	vld [tilespmem:s7+$0xC440]  }
0xc0: {  	v3 =	vadd.f32 v8, v3;
	v0 =	vadd.f32 v10, v0;
	v8 =	vld [tilespmem:s7+$0x4450];
	v10 =	vmul.f32 v30, v29  }
0xc1: {  	v2 =	vadd.f32 v14, v2;
	v14 =	vmul.f32 v32, v31;
	v63 =	vmul.f32 v9, v33;
	v9 =	vld [tilespmem:s7+$0xC450]  }
0xc2: {  	v13 =	vmul.f32 v13, v12;
	v15 =	vmul.f32 v15, v11;
	v12 =	vld [tilespmem:s7+$0xC460];
	v6 =	vadd.f32 v10, v6  }
0xc3: {  	s23 =	simm.s32 $0x80;
	v10 =	vld [tilespmem:s7+$0x4460];
	v7 =	vadd.f32 v14, v7;
	v4 =	vadd.f32 v63, v4  }
0xc4: {  	v11 =	vld [tilespmem:s23+$0x4470];
	v3 =	vadd.f32 v13, v3;
	s7 =	simm.s32 $0x400;
	v5 =	vadd.f32 v15, v5;
	v13 =	vmul.f32 v62, v61  }
.LBB2_6:
0xc5: {  	p0 =	sne.s32 s7, $0x7E00;
	v14 =	vld [tilespmem:s23+$0xC470]  }
0xc6: {  	v15 =	vld [tilespmem:s23+$0x4400];
	v0 =	vadd.f32 v13, v0;
	v8 =	vmul.f32 v9, v8  }
0xc7: {  	v9 =	vld [tilespmem:s23+$0xC400]  }
0xc8: {  	v13 =	vld [tilespmem:s23+$0x4410];
	v1 =	vadd.f32 v8, v1;
	v8 =	vmul.f32 v12, v10  }
0xc9: {  	v10 =	vld [tilespmem:s23+$0xC410]  }
0xca: {  	v12 =	vld [tilespmem:s23+$0x4420];
	v11 =	vmul.f32 v14, v11;
	v2 =	vadd.f32 v8, v2  }
0xcb: {  	v8 =	vld [tilespmem:s23+$0xC420]  }
0xcc: {  	v9 =	vmul.f32 v9, v15;
	v14 =	vld [tilespmem:s23+$0x4430];
	v6 =	vadd.f32 v11, v6  }
0xcd: {  	v11 =	vld [tilespmem:s23+$0xC430]  }
0xce: {  	v7 =	vadd.f32 v9, v7;
	v9 =	vmul.f32 v10, v13;
	v13 =	vld [tilespmem:s23+$0x4440]  }
0xcf: {  	v15 =	vld [tilespmem:s23+$0xC440]  }
.Ltmp2:
0xd0: {  	v4 =	vadd.f32 v9, v4;
	v10 =	vmul.f32 v8, v12;
	v8 =	vld [tilespmem:s23+$0x4450];
	(pc) =	sbr.rel @p0 .LBB2_6-.Ltmp2, $4  }
0xd1: {  	v9 =	vld [tilespmem:s23+$0xC450]  }
0xd2: {  	v3 =	vadd.f32 v10, v3;
	v14 =	vmul.f32 v11, v14;
	v10 =	vld [tilespmem:s23+$0x4460]  }
0xd3: {  	v12 =	vld [tilespmem:s23+$0xC460];
	s23 =	sshra.s32 s7, $0x2  }
0xd4: {  	s7 =	sadd.s32 $0x200, s7;
	v11 =	vld [tilespmem:s23+$0x4470];
	v5 =	vadd.f32 v14, v5;
	v13 =	vmul.f32 v15, v13  }
0xd5: {  	v14 =	vld [tilespmem:s23+$0xC470]  }
0xd6: {  	v15 =	vld [tilespmem:s23+$0x4400]  }
0xd7: {  	v16 =	vld [tilespmem:s23+$0xC400]  }
0xd8: {  	v17 =	vld [tilespmem:s23+$0x4410]  }
0xd9: {  	v18 =	vld [tilespmem:s23+$0xC410]  }
0xda: {  	v19 =	vld [tilespmem:s23+$0x4420]  }
0xdb: {  	v20 =	vld [tilespmem:s23+$0xC420]  }
0xdc: {  	v21 =	vld [tilespmem:s23+$0x4430]  }
0xdd: {  	v22 =	vld [tilespmem:s23+$0xC430]  }
0xde: {  	v23 =	vld [tilespmem:s23+$0x4440]  }
0xdf: {  	v24 =	vld [tilespmem:s23+$0xC440]  }
0xe0: {  	v25 =	vld [tilespmem:s23+$0x4450]  }
0xe1: {  	v26 =	vld [tilespmem:s23+$0xC450]  }
0xe2: {  	v27 =	vld [tilespmem:s23+$0x4460];
	s7 =	simm.s32 $0x4400  }
0xe3: {  	v28 =	vld [tilespmem:s23+$0xC460];
	[tilespmem:s7], [sflag:$0x3] =	stream.indirect.gather [hbm4b:s1+s14], $0x80, s2, s14, $0xb8  }
0xe4: {  	s23 =	simm.s32 $0xC400  }
0xe5: {  	[tilespmem:s23], [sflag:$0x7] =	stream.indirect.gather [hbm4b:s3+s14], $0x80, s24, s14, $0xb8;
	[tilespmem:$0x10A80] =	vst v63  }
0xe6: {  	_ =	swait.ge [sflag:s17], $0x2000  }
0xe7: {  	[sflag:s17] =	ssyncset.done $0x0  }
0xe8: {  	[sflag:s17] =	ssyncadd.s32 $0xFFFFE000  }
0xe9: {  	_ =	swait.ge [sflag:s19], $0x2000  }
0xea: {  	[sflag:s19] =	ssyncset.done $0x0  }
0xeb: {  	s7 =	simm.s32 $0x0;
	[sflag:s19] =	ssyncadd.s32 $0xFFFFE000  }
0xec: {  	v29 =	vld [tilespmem:s7+$0x6470]  }
0xed: {  	v30 =	vld [tilespmem:s7+$0xE470]  }
0xee: {  	v31 =	vld [tilespmem:s7+$0x6400]  }
0xef: {  	v32 =	vld [tilespmem:s7+$0xE400]  }
0xf0: {  	v33 =	vld [tilespmem:s7+$0x6410]  }
0xf1: {  	v8 =	vmul.f32 v9, v8;
	v9 =	vld [tilespmem:s7+$0xE410]  }
0xf2: {  	v10 =	vmul.f32 v12, v10;
	v11 =	vmul.f32 v14, v11;
	v12 =	vld [tilespmem:s7+$0x6420]  }
0xf3: {  	v0 =	vadd.f32 v13, v0;
	v1 =	vadd.f32 v8, v1;
	v8 =	vmul.f32 v16, v15;
	v13 =	vld [tilespmem:s7+$0xE420]  }
0xf4: {  	v2 =	vadd.f32 v10, v2;
	v10 =	vmul.f32 v18, v17;
	v6 =	vadd.f32 v11, v6;
	v11 =	vld [tilespmem:s7+$0x6430]  }
0xf5: {  	v14 =	vmul.f32 v22, v21;
	v60 =	vmul.f32 v26, v25;
	v7 =	vadd.f32 v8, v7;
	v15 =	vld [tilespmem:s7+$0xE430]  }
0xf6: {  	v8 =	vmul.f32 v20, v19;
	v4 =	vadd.f32 v10, v4;
	v10 =	vmul.f32 v24, v23;
	v61 =	vld [tilespmem:s7+$0x6440]  }
0xf7: {  	v5 =	vadd.f32 v14, v5;
	v14 =	vmul.f32 v28, v27;
	v1 =	vadd.f32 v60, v1;
	v62 =	vld [tilespmem:s7+$0xE440]  }
0xf8: {  	v3 =	vadd.f32 v8, v3;
	v0 =	vadd.f32 v10, v0;
	v8 =	vld [tilespmem:s7+$0x6450];
	v10 =	vmul.f32 v30, v29  }
0xf9: {  	v2 =	vadd.f32 v14, v2;
	v14 =	vmul.f32 v32, v31;
	v63 =	vmul.f32 v9, v33;
	v9 =	vld [tilespmem:s7+$0xE450]  }
0xfa: {  	v13 =	vmul.f32 v13, v12;
	v15 =	vmul.f32 v15, v11;
	v12 =	vld [tilespmem:s7+$0xE460];
	v6 =	vadd.f32 v10, v6  }
0xfb: {  	s23 =	simm.s32 $0x80;
	v10 =	vld [tilespmem:s7+$0x6460];
	v7 =	vadd.f32 v14, v7;
	v4 =	vadd.f32 v63, v4  }
0xfc: {  	v11 =	vld [tilespmem:s23+$0x6470];
	v3 =	vadd.f32 v13, v3;
	s7 =	simm.s32 $0x400;
	v5 =	vadd.f32 v15, v5;
	v13 =	vmul.f32 v62, v61  }
.LBB2_8:
0xfd: {  	p0 =	sne.s32 s7, $0x7E00;
	v14 =	vld [tilespmem:s23+$0xE470]  }
0xfe: {  	v15 =	vld [tilespmem:s23+$0x6400];
	v0 =	vadd.f32 v13, v0;
	v8 =	vmul.f32 v9, v8  }
0xff: {  	v9 =	vld [tilespmem:s23+$0xE400]  }
0x100: {  	v13 =	vld [tilespmem:s23+$0x6410];
	v1 =	vadd.f32 v8, v1;
	v8 =	vmul.f32 v12, v10  }
0x101: {  	v10 =	vld [tilespmem:s23+$0xE410]  }
0x102: {  	v12 =	vld [tilespmem:s23+$0x6420];
	v11 =	vmul.f32 v14, v11;
	v2 =	vadd.f32 v8, v2  }
0x103: {  	v8 =	vld [tilespmem:s23+$0xE420]  }
0x104: {  	v9 =	vmul.f32 v9, v15;
	v14 =	vld [tilespmem:s23+$0x6430];
	v6 =	vadd.f32 v11, v6  }
0x105: {  	v11 =	vld [tilespmem:s23+$0xE430]  }
0x106: {  	v7 =	vadd.f32 v9, v7;
	v9 =	vmul.f32 v10, v13;
	v13 =	vld [tilespmem:s23+$0x6440]  }
0x107: {  	v15 =	vld [tilespmem:s23+$0xE440]  }
.Ltmp3:
0x108: {  	v4 =	vadd.f32 v9, v4;
	v10 =	vmul.f32 v8, v12;
	v8 =	vld [tilespmem:s23+$0x6450];
	(pc) =	sbr.rel @p0 .LBB2_8-.Ltmp3, $4  }
0x109: {  	v9 =	vld [tilespmem:s23+$0xE450]  }
0x10a: {  	v3 =	vadd.f32 v10, v3;
	v14 =	vmul.f32 v11, v14;
	v10 =	vld [tilespmem:s23+$0x6460]  }
0x10b: {  	v12 =	vld [tilespmem:s23+$0xE460];
	s23 =	sshra.s32 s7, $0x2  }
0x10c: {  	s7 =	sadd.s32 $0x200, s7;
	v11 =	vld [tilespmem:s23+$0x6470];
	v5 =	vadd.f32 v14, v5;
	v13 =	vmul.f32 v15, v13  }
0x10d: {  	v14 =	vld [tilespmem:s23+$0xE470]  }
0x10e: {  	v15 =	vld [tilespmem:s23+$0x6400]  }
0x10f: {  	v16 =	vld [tilespmem:s23+$0xE400]  }
0x110: {  	v17 =	vld [tilespmem:s23+$0x6410]  }
0x111: {  	v18 =	vld [tilespmem:s23+$0xE410]  }
0x112: {  	v19 =	vld [tilespmem:s23+$0x6420]  }
0x113: {  	v20 =	vld [tilespmem:s23+$0xE420]  }
0x114: {  	v21 =	vld [tilespmem:s23+$0x6430]  }
0x115: {  	v22 =	vld [tilespmem:s23+$0xE430]  }
0x116: {  	v23 =	vld [tilespmem:s23+$0x6440]  }
0x117: {  	v24 =	vld [tilespmem:s23+$0xE440]  }
0x118: {  	v25 =	vld [tilespmem:s23+$0x6450]  }
0x119: {  	v26 =	vld [tilespmem:s23+$0xE450]  }
0x11a: {  	v27 =	vld [tilespmem:s23+$0x6460];
	s7 =	simm.s32 $0x1C0  }
0x11b: {  	v28 =	vld [tilespmem:s23+$0xE460];
	[tilespmem:s28], [sflag:$0x4] =	stream.indirect.gather [hbm4b:s1+s14], $0x80, s7, s14, $0xb8  }
0x11c: {  	s23 =	simm.s32 $0x3C0  }
0x11d: {  	[tilespmem:s0], [sflag:$0x8] =	stream.indirect.gather [hbm4b:s3+s14], $0x80, s23, s14, $0xb8;
	[tilespmem:$0x10A80] =	vst v63  }
0x11e: {  	_ =	swait.ge [sflag:s18], $0x2000  }
0x11f: {  	[sflag:s18] =	ssyncset.done $0x0  }
0x120: {  	[sflag:s18] =	ssyncadd.s32 $0xFFFFE000  }
0x121: {  	_ =	swait.ge [sflag:s25], $0x2000  }
0x122: {  	[sflag:s25] =	ssyncset.done $0x0  }
0x123: {  	s7 =	simm.s32 $0x0;
	[sflag:s25] =	ssyncadd.s32 $0xFFFFE000  }
0x124: {  	v29 =	vld [tilespmem:s7+$0x470]  }
0x125: {  	v30 =	vld [tilespmem:s7+$0x8470]  }
0x126: {  	v31 =	vld [tilespmem:s7+$0x400]  }
0x127: {  	v32 =	vld [tilespmem:s7+$0x8400]  }
0x128: {  	v33 =	vld [tilespmem:s7+$0x410]  }
0x129: {  	v8 =	vmul.f32 v9, v8;
	v9 =	vld [tilespmem:s7+$0x8410]  }
0x12a: {  	v10 =	vmul.f32 v12, v10;
	v11 =	vmul.f32 v14, v11;
	v12 =	vld [tilespmem:s7+$0x420]  }
0x12b: {  	v0 =	vadd.f32 v13, v0;
	v1 =	vadd.f32 v8, v1;
	v8 =	vmul.f32 v16, v15;
	v13 =	vld [tilespmem:s7+$0x8420]  }
0x12c: {  	v2 =	vadd.f32 v10, v2;
	v10 =	vmul.f32 v18, v17;
	v6 =	vadd.f32 v11, v6;
	v11 =	vld [tilespmem:s7+$0x430]  }
0x12d: {  	v14 =	vmul.f32 v22, v21;
	v60 =	vmul.f32 v26, v25;
	v7 =	vadd.f32 v8, v7;
	v15 =	vld [tilespmem:s7+$0x8430]  }
0x12e: {  	v8 =	vmul.f32 v20, v19;
	v4 =	vadd.f32 v10, v4;
	v10 =	vmul.f32 v24, v23;
	v61 =	vld [tilespmem:s7+$0x440]  }
0x12f: {  	v5 =	vadd.f32 v14, v5;
	v14 =	vmul.f32 v28, v27;
	v1 =	vadd.f32 v60, v1;
	v62 =	vld [tilespmem:s7+$0x8440]  }
0x130: {  	v3 =	vadd.f32 v8, v3;
	v0 =	vadd.f32 v10, v0;
	v8 =	vld [tilespmem:s7+$0x450];
	v10 =	vmul.f32 v30, v29  }
0x131: {  	v2 =	vadd.f32 v14, v2;
	v14 =	vmul.f32 v32, v31;
	v63 =	vmul.f32 v9, v33;
	v9 =	vld [tilespmem:s7+$0x8450]  }
0x132: {  	v13 =	vmul.f32 v13, v12;
	v15 =	vmul.f32 v15, v11;
	v12 =	vld [tilespmem:s7+$0x8460];
	v6 =	vadd.f32 v10, v6  }
0x133: {  	s23 =	simm.s32 $0x80;
	v10 =	vld [tilespmem:s7+$0x460];
	v7 =	vadd.f32 v14, v7;
	v4 =	vadd.f32 v63, v4  }
0x134: {  	v11 =	vld [tilespmem:s23+$0x470];
	v3 =	vadd.f32 v13, v3;
	s7 =	simm.s32 $0x400;
	v5 =	vadd.f32 v15, v5;
	v13 =	vmul.f32 v62, v61  }
.LBB2_10:
0x135: {  	p0 =	sne.s32 s7, $0x7E00;
	v14 =	vld [tilespmem:s23+$0x8470]  }
0x136: {  	v15 =	vld [tilespmem:s23+$0x400];
	v0 =	vadd.f32 v13, v0;
	v8 =	vmul.f32 v9, v8  }
0x137: {  	v9 =	vld [tilespmem:s23+$0x8400]  }
0x138: {  	v13 =	vld [tilespmem:s23+$0x410];
	v1 =	vadd.f32 v8, v1;
	v8 =	vmul.f32 v12, v10  }
0x139: {  	v10 =	vld [tilespmem:s23+$0x8410]  }
0x13a: {  	v12 =	vld [tilespmem:s23+$0x420];
	v11 =	vmul.f32 v14, v11;
	v2 =	vadd.f32 v8, v2  }
0x13b: {  	v8 =	vld [tilespmem:s23+$0x8420]  }
0x13c: {  	v9 =	vmul.f32 v9, v15;
	v14 =	vld [tilespmem:s23+$0x430];
	v6 =	vadd.f32 v11, v6  }
0x13d: {  	v11 =	vld [tilespmem:s23+$0x8430]  }
0x13e: {  	v7 =	vadd.f32 v9, v7;
	v9 =	vmul.f32 v10, v13;
	v13 =	vld [tilespmem:s23+$0x440]  }
0x13f: {  	v15 =	vld [tilespmem:s23+$0x8440]  }
.Ltmp4:
0x140: {  	v4 =	vadd.f32 v9, v4;
	v10 =	vmul.f32 v8, v12;
	v8 =	vld [tilespmem:s23+$0x450];
	(pc) =	sbr.rel @p0 .LBB2_10-.Ltmp4, $4  }
0x141: {  	v9 =	vld [tilespmem:s23+$0x8450]  }
0x142: {  	v3 =	vadd.f32 v10, v3;
	v14 =	vmul.f32 v11, v14;
	v10 =	vld [tilespmem:s23+$0x460]  }
0x143: {  	v12 =	vld [tilespmem:s23+$0x8460];
	s23 =	sshra.s32 s7, $0x2  }
0x144: {  	s7 =	sadd.s32 $0x200, s7;
	v11 =	vld [tilespmem:s23+$0x470];
	v5 =	vadd.f32 v14, v5;
	v13 =	vmul.f32 v15, v13  }
0x145: {  	v14 =	vld [tilespmem:s23+$0x8470]  }
0x146: {  	v15 =	vld [tilespmem:s23+$0x400]  }
0x147: {  	v16 =	vld [tilespmem:s23+$0x8400]  }
0x148: {  	v17 =	vld [tilespmem:s23+$0x410]  }
0x149: {  	v18 =	vld [tilespmem:s23+$0x8410]  }
0x14a: {  	v19 =	vld [tilespmem:s23+$0x420]  }
0x14b: {  	v20 =	vld [tilespmem:s23+$0x8420]  }
0x14c: {  	v21 =	vld [tilespmem:s23+$0x430]  }
0x14d: {  	v22 =	vld [tilespmem:s23+$0x8430]  }
0x14e: {  	v23 =	vld [tilespmem:s23+$0x440]  }
0x14f: {  	v24 =	vld [tilespmem:s23+$0x8440]  }
0x150: {  	v25 =	vld [tilespmem:s23+$0x450]  }
0x151: {  	v26 =	vld [tilespmem:s23+$0x8450]  }
0x152: {  	v27 =	vld [tilespmem:s23+$0x460]  }
0x153: {  	v28 =	vld [tilespmem:s23+$0x8460];
	_ =	swait.ge [sflag:s26], $0x2000  }
0x154: {  	[sflag:s26] =	ssyncset.done $0x0  }
0x155: {  	[sflag:s26] =	ssyncadd.s32 $0xFFFFE000  }
0x156: {  	_ =	swait.ge [sflag:s30], $0x2000  }
0x157: {  	[sflag:s30] =	ssyncset.done $0x0  }
0x158: {  	s7 =	simm.s32 $0x0;
	[sflag:s30] =	ssyncadd.s32 $0xFFFFE000  }
0x159: {  	v29 =	vld [tilespmem:s7+$0x2470]  }
0x15a: {  	v30 =	vld [tilespmem:s7+$0xA470]  }
0x15b: {  	v31 =	vld [tilespmem:s7+$0x2400]  }
0x15c: {  	v32 =	vld [tilespmem:s7+$0xA400]  }
0x15d: {  	v33 =	vld [tilespmem:s7+$0x2410]  }
0x15e: {  	v8 =	vmul.f32 v9, v8;
	v9 =	vld [tilespmem:s7+$0xA410]  }
0x15f: {  	v0 =	vadd.f32 v13, v0;
	v10 =	vmul.f32 v12, v10;
	v12 =	vld [tilespmem:s7+$0x2420]  }
0x160: {  	v1 =	vadd.f32 v8, v1;
	v11 =	vmul.f32 v14, v11;
	v8 =	vmul.f32 v16, v15;
	v13 =	vld [tilespmem:s7+$0xA420]  }
0x161: {  	v2 =	vadd.f32 v10, v2;
	v10 =	vmul.f32 v18, v17;
	v14 =	vmul.f32 v22, v21;
	v15 =	vld [tilespmem:s7+$0xA430]  }
0x162: {  	v60 =	vmul.f32 v26, v25;
	v6 =	vadd.f32 v11, v6;
	v11 =	vld [tilespmem:s7+$0x2430];
	v7 =	vadd.f32 v8, v7  }
0x163: {  	v61 =	vld [tilespmem:s7+$0x2440];
	v8 =	vmul.f32 v20, v19;
	v4 =	vadd.f32 v10, v4;
	v10 =	vmul.f32 v24, v23  }
0x164: {  	v62 =	vld [tilespmem:s7+$0xA440];
	v5 =	vadd.f32 v14, v5;
	v14 =	vmul.f32 v28, v27;
	v1 =	vadd.f32 v60, v1  }
0x165: {  	v3 =	vadd.f32 v8, v3;
	v0 =	vadd.f32 v10, v0;
	v8 =	vld [tilespmem:s7+$0x2450];
	v10 =	vmul.f32 v30, v29  }
0x166: {  	v2 =	vadd.f32 v14, v2;
	v14 =	vmul.f32 v32, v31;
	v63 =	vmul.f32 v9, v33;
	v9 =	vld [tilespmem:s7+$0xA450]  }
0x167: {  	v13 =	vmul.f32 v13, v12;
	v12 =	vld [tilespmem:s7+$0xA460];
	v15 =	vmul.f32 v15, v11;
	v6 =	vadd.f32 v10, v6  }
0x168: {  	s23 =	simm.s32 $0x80;
	v10 =	vld [tilespmem:s7+$0x2460];
	v7 =	vadd.f32 v14, v7;
	v4 =	vadd.f32 v63, v4  }
0x169: {  	v11 =	vld [tilespmem:s23+$0x2470];
	v3 =	vadd.f32 v13, v3;
	s7 =	simm.s32 $0x400;
	v13 =	vmul.f32 v62, v61;
	v5 =	vadd.f32 v15, v5  }
.LBB2_12:
0x16a: {  	p0 =	sne.s32 s7, $0x7E00;
	v14 =	vld [tilespmem:s23+$0xA470]  }
0x16b: {  	v15 =	vld [tilespmem:s23+$0x2400];
	v0 =	vadd.f32 v13, v0;
	v8 =	vmul.f32 v9, v8  }
0x16c: {  	v9 =	vld [tilespmem:s23+$0xA400]  }
0x16d: {  	v13 =	vld [tilespmem:s23+$0x2410];
	v1 =	vadd.f32 v8, v1;
	v8 =	vmul.f32 v12, v10  }
0x16e: {  	v10 =	vld [tilespmem:s23+$0xA410]  }
0x16f: {  	v12 =	vld [tilespmem:s23+$0x2420];
	v11 =	vmul.f32 v14, v11;
	v2 =	vadd.f32 v8, v2  }
0x170: {  	v8 =	vld [tilespmem:s23+$0xA420]  }
0x171: {  	v9 =	vmul.f32 v9, v15;
	v14 =	vld [tilespmem:s23+$0x2430];
	v6 =	vadd.f32 v11, v6  }
0x172: {  	v11 =	vld [tilespmem:s23+$0xA430]  }
0x173: {  	v7 =	vadd.f32 v9, v7;
	v9 =	vmul.f32 v10, v13;
	v13 =	vld [tilespmem:s23+$0x2440]  }
0x174: {  	v15 =	vld [tilespmem:s23+$0xA440]  }
.Ltmp5:
0x175: {  	v4 =	vadd.f32 v9, v4;
	v10 =	vmul.f32 v8, v12;
	v8 =	vld [tilespmem:s23+$0x2450];
	(pc) =	sbr.rel @p0 .LBB2_12-.Ltmp5, $4  }
0x176: {  	v9 =	vld [tilespmem:s23+$0xA450]  }
0x177: {  	v3 =	vadd.f32 v10, v3;
	v14 =	vmul.f32 v11, v14;
	v10 =	vld [tilespmem:s23+$0x2460]  }
0x178: {  	v12 =	vld [tilespmem:s23+$0xA460];
	s23 =	sshra.s32 s7, $0x2  }
0x179: {  	s7 =	sadd.s32 $0x200, s7;
	v11 =	vld [tilespmem:s23+$0x2470];
	v5 =	vadd.f32 v14, v5;
	v13 =	vmul.f32 v15, v13  }
0x17a: {  	v14 =	vld [tilespmem:s23+$0xA470]  }
0x17b: {  	v15 =	vld [tilespmem:s23+$0x2400]  }
0x17c: {  	v16 =	vld [tilespmem:s23+$0xA400]  }
0x17d: {  	v17 =	vld [tilespmem:s23+$0x2410]  }
0x17e: {  	v18 =	vld [tilespmem:s23+$0xA410]  }
0x17f: {  	v19 =	vld [tilespmem:s23+$0x2420]  }
0x180: {  	v20 =	vld [tilespmem:s23+$0xA420]  }
0x181: {  	v21 =	vld [tilespmem:s23+$0x2430]  }
0x182: {  	v22 =	vld [tilespmem:s23+$0xA430]  }
0x183: {  	v23 =	vld [tilespmem:s23+$0x2440]  }
0x184: {  	v24 =	vld [tilespmem:s23+$0xA440]  }
0x185: {  	v25 =	vld [tilespmem:s23+$0x2450]  }
0x186: {  	v26 =	vld [tilespmem:s23+$0xA450]  }
0x187: {  	v27 =	vld [tilespmem:s23+$0x2460]  }
0x188: {  	v28 =	vld [tilespmem:s23+$0xA460];
	_ =	swait.ge [sflag:s15], $0x2000  }
0x189: {  	[sflag:s15] =	ssyncset.done $0x0  }
0x18a: {  	[sflag:s15] =	ssyncadd.s32 $0xFFFFE000  }
0x18b: {  	_ =	swait.ge [sflag:s16], $0x2000  }
0x18c: {  	[sflag:s16] =	ssyncset.done $0x0  }
0x18d: {  	s7 =	simm.s32 $0x0;
	[sflag:s16] =	ssyncadd.s32 $0xFFFFE000  }
0x18e: {  	v29 =	vld [tilespmem:s7+$0x4470]  }
0x18f: {  	v30 =	vld [tilespmem:s7+$0xC470]  }
0x190: {  	v31 =	vld [tilespmem:s7+$0x4400]  }
0x191: {  	v32 =	vld [tilespmem:s7+$0xC400]  }
0x192: {  	v33 =	vld [tilespmem:s7+$0x4410]  }
0x193: {  	v8 =	vmul.f32 v9, v8;
	v9 =	vld [tilespmem:s7+$0xC410]  }
0x194: {  	v0 =	vadd.f32 v13, v0;
	v10 =	vmul.f32 v12, v10;
	v12 =	vld [tilespmem:s7+$0x4420]  }
0x195: {  	v1 =	vadd.f32 v8, v1;
	v11 =	vmul.f32 v14, v11;
	v8 =	vmul.f32 v16, v15;
	v13 =	vld [tilespmem:s7+$0xC420]  }
0x196: {  	v2 =	vadd.f32 v10, v2;
	v10 =	vmul.f32 v18, v17;
	v14 =	vmul.f32 v22, v21;
	v15 =	vld [tilespmem:s7+$0xC430]  }
0x197: {  	v60 =	vmul.f32 v26, v25;
	v6 =	vadd.f32 v11, v6;
	v11 =	vld [tilespmem:s7+$0x4430];
	v7 =	vadd.f32 v8, v7  }
0x198: {  	v61 =	vld [tilespmem:s7+$0x4440];
	v8 =	vmul.f32 v20, v19;
	v4 =	vadd.f32 v10, v4;
	v10 =	vmul.f32 v24, v23  }
0x199: {  	v62 =	vld [tilespmem:s7+$0xC440];
	v5 =	vadd.f32 v14, v5;
	v14 =	vmul.f32 v28, v27;
	v1 =	vadd.f32 v60, v1  }
0x19a: {  	v3 =	vadd.f32 v8, v3;
	v0 =	vadd.f32 v10, v0;
	v8 =	vld [tilespmem:s7+$0x4450];
	v10 =	vmul.f32 v30, v29  }
0x19b: {  	v2 =	vadd.f32 v14, v2;
	v14 =	vmul.f32 v32, v31;
	v63 =	vmul.f32 v9, v33;
	v9 =	vld [tilespmem:s7+$0xC450]  }
0x19c: {  	v13 =	vmul.f32 v13, v12;
	v12 =	vld [tilespmem:s7+$0xC460];
	v15 =	vmul.f32 v15, v11;
	v6 =	vadd.f32 v10, v6  }
0x19d: {  	s23 =	simm.s32 $0x80;
	v10 =	vld [tilespmem:s7+$0x4460];
	v7 =	vadd.f32 v14, v7;
	v4 =	vadd.f32 v63, v4  }
0x19e: {  	v11 =	vld [tilespmem:s23+$0x4470];
	v3 =	vadd.f32 v13, v3;
	s7 =	simm.s32 $0x400;
	v13 =	vmul.f32 v62, v61;
	v5 =	vadd.f32 v15, v5  }
.LBB2_14:
0x19f: {  	p0 =	sne.s32 s7, $0x7E00;
	v14 =	vld [tilespmem:s23+$0xC470]  }
0x1a0: {  	v15 =	vld [tilespmem:s23+$0x4400];
	v0 =	vadd.f32 v13, v0;
	v8 =	vmul.f32 v9, v8  }
0x1a1: {  	v9 =	vld [tilespmem:s23+$0xC400]  }
0x1a2: {  	v13 =	vld [tilespmem:s23+$0x4410];
	v1 =	vadd.f32 v8, v1;
	v8 =	vmul.f32 v12, v10  }
0x1a3: {  	v10 =	vld [tilespmem:s23+$0xC410]  }
0x1a4: {  	v12 =	vld [tilespmem:s23+$0x4420];
	v11 =	vmul.f32 v14, v11;
	v2 =	vadd.f32 v8, v2  }
0x1a5: {  	v8 =	vld [tilespmem:s23+$0xC420]  }
0x1a6: {  	v9 =	vmul.f32 v9, v15;
	v14 =	vld [tilespmem:s23+$0x4430];
	v6 =	vadd.f32 v11, v6  }
0x1a7: {  	v11 =	vld [tilespmem:s23+$0xC430]  }
0x1a8: {  	v7 =	vadd.f32 v9, v7;
	v9 =	vmul.f32 v10, v13;
	v13 =	vld [tilespmem:s23+$0x4440]  }
0x1a9: {  	v15 =	vld [tilespmem:s23+$0xC440]  }
.Ltmp6:
0x1aa: {  	v4 =	vadd.f32 v9, v4;
	v10 =	vmul.f32 v8, v12;
	v8 =	vld [tilespmem:s23+$0x4450];
	(pc) =	sbr.rel @p0 .LBB2_14-.Ltmp6, $4  }
0x1ab: {  	v9 =	vld [tilespmem:s23+$0xC450]  }
0x1ac: {  	v3 =	vadd.f32 v10, v3;
	v14 =	vmul.f32 v11, v14;
	v10 =	vld [tilespmem:s23+$0x4460]  }
0x1ad: {  	v12 =	vld [tilespmem:s23+$0xC460];
	s23 =	sshra.s32 s7, $0x2  }
0x1ae: {  	s7 =	sadd.s32 $0x200, s7;
	v11 =	vld [tilespmem:s23+$0x4470];
	v5 =	vadd.f32 v14, v5;
	v13 =	vmul.f32 v15, v13  }
0x1af: {  	v14 =	vld [tilespmem:s23+$0xC470]  }
0x1b0: {  	v15 =	vld [tilespmem:s23+$0x4400]  }
0x1b1: {  	v16 =	vld [tilespmem:s23+$0xC400]  }
0x1b2: {  	v17 =	vld [tilespmem:s23+$0x4410]  }
0x1b3: {  	v18 =	vld [tilespmem:s23+$0xC410]  }
0x1b4: {  	v19 =	vld [tilespmem:s23+$0x4420]  }
0x1b5: {  	v20 =	vld [tilespmem:s23+$0xC420]  }
0x1b6: {  	v21 =	vld [tilespmem:s23+$0x4430]  }
0x1b7: {  	v22 =	vld [tilespmem:s23+$0xC430]  }
0x1b8: {  	v23 =	vld [tilespmem:s23+$0x4440]  }
0x1b9: {  	v24 =	vld [tilespmem:s23+$0xC440]  }
0x1ba: {  	v25 =	vld [tilespmem:s23+$0x4450]  }
0x1bb: {  	v26 =	vld [tilespmem:s23+$0xC450]  }
0x1bc: {  	v27 =	vld [tilespmem:s23+$0x4460]  }
0x1bd: {  	v28 =	vld [tilespmem:s23+$0xC460];
	_ =	swait.ge [sflag:s17], $0x2000  }
0x1be: {  	[sflag:s17] =	ssyncset.done $0x0  }
0x1bf: {  	[sflag:s17] =	ssyncadd.s32 $0xFFFFE000  }
0x1c0: {  	_ =	swait.ge [sflag:s19], $0x2000  }
0x1c1: {  	[sflag:s19] =	ssyncset.done $0x0  }
0x1c2: {  	s7 =	simm.s32 $0x0;
	[sflag:s19] =	ssyncadd.s32 $0xFFFFE000  }
0x1c3: {  	v29 =	vld [tilespmem:s7+$0x6470]  }
0x1c4: {  	v30 =	vld [tilespmem:s7+$0xE470]  }
0x1c5: {  	v31 =	vld [tilespmem:s7+$0x6400]  }
0x1c6: {  	v32 =	vld [tilespmem:s7+$0xE400]  }
0x1c7: {  	v33 =	vld [tilespmem:s7+$0x6410]  }
0x1c8: {  	v8 =	vmul.f32 v9, v8;
	v34 =	vld [tilespmem:s7+$0xE410]  }
0x1c9: {  	v0 =	vadd.f32 v13, v0;
	v9 =	vmul.f32 v12, v10;
	v12 =	vld [tilespmem:s7+$0x6420]  }
0x1ca: {  	v1 =	vadd.f32 v8, v1;
	v10 =	vmul.f32 v14, v11;
	v8 =	vmul.f32 v16, v15;
	v13 =	vld [tilespmem:s7+$0xE420]  }
0x1cb: {  	v11 =	vadd.f32 v9, v2;
	v2 =	vmul.f32 v18, v17;
	v9 =	vmul.f32 v22, v21;
	v14 =	vld [tilespmem:s7+$0xE430]  }
0x1cc: {  	v6 =	vadd.f32 v10, v6;
	v10 =	vld [tilespmem:s7+$0x6430];
	v7 =	vadd.f32 v8, v7;
	v8 =	vmul.f32 v20, v19  }
0x1cd: {  	v15 =	vmul.f32 v26, v25;
	v61 =	vld [tilespmem:s7+$0x6440];
	v4 =	vadd.f32 v2, v4;
	v2 =	vmul.f32 v24, v23  }
0x1ce: {  	v63 =	vld [tilespmem:s7+$0xE440];
	v62 =	vadd.f32 v9, v5;
	v5 =	vmul.f32 v28, v27;
	v8 =	vadd.f32 v8, v3  }
0x1cf: {  	v9 =	vld [tilespmem:s7+$0x6450];
	v3 =	vadd.f32 v2, v0;
	v2 =	vadd.f32 v15, v1;
	v0 =	vmul.f32 v30, v29  }
0x1d0: {  	v1 =	vadd.f32 v5, v11;
	v11 =	vld [tilespmem:s7+$0xE450];
	v5 =	vmul.f32 v32, v31;
	v15 =	vmul.f32 v34, v33  }
0x1d1: {  	v13 =	vmul.f32 v13, v12;
	v12 =	vld [tilespmem:s7+$0xE460];
	v14 =	vmul.f32 v14, v10;
	v0 =	vadd.f32 v0, v6  }
0x1d2: {  	s23 =	simm.s32 $0x80;
	v10 =	vld [tilespmem:s7+$0x6460];
	v6 =	vadd.f32 v5, v7;
	v7 =	vadd.f32 v15, v4  }
0x1d3: {  	s7 =	simm.s32 $0x400;
	v5 =	vadd.f32 v13, v8;
	v8 =	vld [tilespmem:s23+$0x6470];
	v13 =	vmul.f32 v63, v61;
	v4 =	vadd.f32 v14, v62  }
.LBB2_16:
0x1d4: {  	p0 =	sne.s32 s7, $0x7E00;
	v14 =	vld [tilespmem:s23+$0xE470]  }
0x1d5: {  	v15 =	vld [tilespmem:s23+$0x6400];
	v3 =	vadd.f32 v13, v3;
	v9 =	vmul.f32 v11, v9  }
0x1d6: {  	v11 =	vld [tilespmem:s23+$0xE400]  }
0x1d7: {  	v13 =	vld [tilespmem:s23+$0x6410];
	v2 =	vadd.f32 v9, v2;
	v9 =	vmul.f32 v12, v10  }
0x1d8: {  	v10 =	vld [tilespmem:s23+$0xE410]  }
0x1d9: {  	v12 =	vld [tilespmem:s23+$0x6420];
	v8 =	vmul.f32 v14, v8;
	v1 =	vadd.f32 v9, v1  }
0x1da: {  	v9 =	vld [tilespmem:s23+$0xE420]  }
0x1db: {  	v11 =	vmul.f32 v11, v15;
	v14 =	vld [tilespmem:s23+$0x6430];
	v0 =	vadd.f32 v8, v0  }
0x1dc: {  	v8 =	vld [tilespmem:s23+$0xE430]  }
0x1dd: {  	v6 =	vadd.f32 v11, v6;
	v10 =	vmul.f32 v10, v13;
	v13 =	vld [tilespmem:s23+$0x6440]  }
0x1de: {  	v15 =	vld [tilespmem:s23+$0xE440]  }
.Ltmp7:
0x1df: {  	v7 =	vadd.f32 v10, v7;
	v10 =	vmul.f32 v9, v12;
	v9 =	vld [tilespmem:s23+$0x6450];
	(pc) =	sbr.rel @p0 .LBB2_16-.Ltmp7, $4  }
0x1e0: {  	v11 =	vld [tilespmem:s23+$0xE450]  }
0x1e1: {  	v5 =	vadd.f32 v10, v5;
	v14 =	vmul.f32 v8, v14;
	v10 =	vld [tilespmem:s23+$0x6460]  }
0x1e2: {  	v12 =	vld [tilespmem:s23+$0xE460];
	s23 =	sshra.s32 s7, $0x2  }
0x1e3: {  	s7 =	sadd.s32 $0x200, s7;
	v8 =	vld [tilespmem:s23+$0x6470];
	v4 =	vadd.f32 v14, v4;
	v13 =	vmul.f32 v15, v13  }
0x1e4: {  	v14 =	vld [tilespmem:s23+$0x6400]  }
0x1e5: {  	v15 =	vld [tilespmem:s23+$0xE400]  }
0x1e6: {  	v16 =	vld [tilespmem:s23+$0x6410]  }
0x1e7: {  	v17 =	vld [tilespmem:s23+$0xE410]  }
0x1e8: {  	v18 =	vld [tilespmem:s23+$0x6420]  }
0x1e9: {  	v19 =	vld [tilespmem:s23+$0xE420]  }
0x1ea: {  	v20 =	vld [tilespmem:s23+$0x6430]  }
0x1eb: {  	v21 =	vld [tilespmem:s23+$0xE430]  }
0x1ec: {  	v33 =	vld [tilespmem:s23+$0x6440];
	v14 =	vmul.f32 v15, v14;
	v32 =	vmul.f32 v17, v16  }
0x1ed: {  	v34 =	vld [tilespmem:s23+$0xE440]  }
0x1ee: {  	v36 =	vld [tilespmem:s23+$0x6450];
	v35 =	vmul.f32 v19, v18;
	v6 =	vadd.f32 v14, v6;
	v7 =	vadd.f32 v32, v7  }
0x1ef: {  	v37 =	vld [tilespmem:s23+$0xE450]  }
0x1f0: {  	v39 =	vld [tilespmem:s23+$0x6460];
	v38 =	vmul.f32 v21, v20;
	v5 =	vadd.f32 v35, v5;
	v6 =	vadd.f32 v7, v6  }
0x1f1: {  	v41 =	vld [tilespmem:s23+$0xE460];
	v3 =	vadd.f32 v13, v3;
	v40 =	vmul.f32 v11, v9  }
0x1f2: {  	v42 =	vmul.f32 v34, v33;
	v4 =	vadd.f32 v38, v4;
	v5 =	vadd.f32 v5, v6  }
0x1f3: {  	v43 =	vld [tilespmem:s23+$0xE470];
	v2 =	vadd.f32 v40, v2;
	v44 =	vmul.f32 v12, v10  }
0x1f4: {  	v45 =	vmul.f32 v37, v36;
	v3 =	vadd.f32 v42, v3;
	v4 =	vadd.f32 v4, v5  }
0x1f5: {  	v1 =	vadd.f32 v44, v1  }
0x1f6: {  	v46 =	vmul.f32 v41, v39;
	v2 =	vadd.f32 v45, v2;
	v3 =	vadd.f32 v3, v4;
	_ =	sdelay $0x1  }
0x1f7: {  	v47 =	vmul.f32 v43, v8;
	v1 =	vadd.f32 v46, v1;
	v2 =	vadd.f32 v2, v3;
	_ =	sdelay $0x1  }
0x1f8: {  	v0 =	vadd.f32 v47, v0;
	v1 =	vadd.f32 v1, v2;
	_ =	sdelay $0x1  }
0x1f9: {  	v0 =	vadd.f32 v0, v1;
	_ =	sdelay $0x1  }
0x1fa: {  	[tilespmem:$0x10A00] =	vst v0  }
0x1fb: {  	_ =	swait.ge [sflag:s13], $0x80  }
0x1fc: {  	[sflag:s13] =	ssyncset.done $0x0  }
0x1fd: {  	[sflag:s13] =	ssyncadd.s32 $0xFFFFFF80  }
0x1fe: {  	_ =	swait.ge [sflag:s13], $0x80  }
0x1ff: {  	[sflag:s13] =	ssyncset.done $0x0  }
0x200: {  	[sflag:s13] =	ssyncadd.s32 $0xFFFFFF80  }
0x201: {  	_ =	swait.ge [sflag:s13], $0x80  }
0x202: {  	[sflag:s13] =	ssyncset.done $0x0  }
0x203: {  	[sflag:s13] =	ssyncadd.s32 $0xFFFFFF80  }
0x204: {  	_ =	swait.ge [sflag:s13], $0x80  }
0x205: {  	[sflag:s13] =	ssyncset.done $0x0  }
0x206: {  	[sflag:s13] =	ssyncadd.s32 $0xFFFFFF80  }
0x207: {  	_ =	swait.ge [sflag:s13], $0x80  }
0x208: {  	[sflag:s13] =	ssyncset.done $0x0  }
0x209: {  	[sflag:s13] =	ssyncadd.s32 $0xFFFFFF80  }
0x20a: {  	_ =	swait.ge [sflag:s13], $0x80  }
0x20b: {  	[sflag:s13] =	ssyncset.done $0x0  }
0x20c: {  	[sflag:s13] =	ssyncadd.s32 $0xFFFFFF80  }
0x20d: {  	_ =	swait.ge [sflag:s13], $0x80  }
0x20e: {  	[sflag:s13] =	ssyncset.done $0x0  }
0x20f: {  	[sflag:s13] =	ssyncadd.s32 $0xFFFFFF80  }
0x210: {  	_ =	swait.ge [sflag:s13], $0x80  }
0x211: {  	[sflag:s13] =	ssyncset.done $0x0  }
0x212: {  	[sflag:s13] =	ssyncadd.s32 $0xFFFFFF80  }
0x213: {  	v48 =	vld [tilespmem:$0x10400]  }
0x214: {  	v49 =	vld [tilespmem:$0x10600]  }
0x215: {  	v50 =	vld [tilespmem:$0x10410]  }
0x216: {  	v51 =	vld [tilespmem:$0x10610]  }
0x217: {  	v52 =	vld [tilespmem:$0x10420]  }
0x218: {  	v53 =	vld [tilespmem:$0x10620]  }
0x219: {  	v54 =	vld [tilespmem:$0x10430]  }
0x21a: {  	v55 =	vld [tilespmem:$0x10630]  }
0x21b: {  	v56 =	vld [tilespmem:$0x10440]  }
0x21c: {  	v57 =	vld [tilespmem:$0x10640]  }
0x21d: {  	v58 =	vld [tilespmem:$0x10450]  }
0x21e: {  	v59 =	vld [tilespmem:$0x10650]  }
0x21f: {  	v60 =	vld [tilespmem:$0x10460]  }
0x220: {  	v61 =	vld [tilespmem:$0x10660]  }
0x221: {  	v62 =	vld [tilespmem:$0x10470]  }
0x222: {  	v63 =	vld [tilespmem:$0x10670]  }
0x223: {  	v40 =	vld [tilespmem:$0x10480]  }
0x224: {  	v41 =	vld [tilespmem:$0x10680]  }
0x225: {  	v42 =	vld [tilespmem:$0x10490]  }
0x226: {  	v43 =	vld [tilespmem:$0x10690]  }
0x227: {  	v44 =	vld [tilespmem:$0x104A0]  }
0x228: {  	v45 =	vld [tilespmem:$0x106A0]  }
0x229: {  	v22 =	vld [tilespmem:$0x104B0]  }
0x22a: {  	v23 =	vld [tilespmem:$0x106B0]  }
0x22b: {  	v24 =	vld [tilespmem:$0x104C0]  }
0x22c: {  	v25 =	vld [tilespmem:$0x106C0]  }
0x22d: {  	v26 =	vld [tilespmem:$0x104D0]  }
0x22e: {  	v27 =	vld [tilespmem:$0x106D0]  }
0x22f: {  	v28 =	vld [tilespmem:$0x104E0]  }
0x230: {  	v29 =	vld [tilespmem:$0x106E0]  }
0x231: {  	v30 =	vld [tilespmem:$0x104F0]  }
0x232: {  	v31 =	vld [tilespmem:$0x106F0]  }
0x233: {  	v32 =	vld [tilespmem:$0x10500]  }
0x234: {  	v33 =	vld [tilespmem:$0x10700]  }
0x235: {  	v34 =	vld [tilespmem:$0x10510]  }
0x236: {  	v35 =	vld [tilespmem:$0x10710]  }
0x237: {  	v36 =	vld [tilespmem:$0x10520]  }
0x238: {  	v46 =	vld [tilespmem:$0x10720];
	v0 =	vadd.f32 v49, v48  }
0x239: {  	v47 =	vld [tilespmem:$0x10530];
	v2 =	vadd.f32 v51, v50  }
0x23a: {  	v21 =	vld [tilespmem:$0x10770];
	v48 =	vadd.f32 v53, v52;
	[tilespmem:$0x10800] =	vst v0  }
0x23b: {  	v37 =	vld [tilespmem:$0x105A0];
	v50 =	vadd.f32 v55, v54;
	[tilespmem:$0x10810] =	vst v2  }
0x23c: {  	v39 =	vld [tilespmem:$0x107A0];
	v52 =	vadd.f32 v57, v56;
	[tilespmem:$0x10820] =	vst v48  }
0x23d: {  	v49 =	vld [tilespmem:$0x10730];
	v54 =	vadd.f32 v59, v58;
	[tilespmem:$0x10830] =	vst v50  }
0x23e: {  	v51 =	vld [tilespmem:$0x10540];
	v56 =	vadd.f32 v61, v60;
	[tilespmem:$0x10840] =	vst v52  }
0x23f: {  	v53 =	vld [tilespmem:$0x10740];
	v58 =	vadd.f32 v63, v62;
	[tilespmem:$0x10850] =	vst v54  }
0x240: {  	v55 =	vld [tilespmem:$0x10550];
	v60 =	vadd.f32 v41, v40;
	[tilespmem:$0x10860] =	vst v56  }
0x241: {  	v57 =	vld [tilespmem:$0x10750];
	v62 =	vadd.f32 v43, v42;
	[tilespmem:$0x10870] =	vst v58  }
0x242: {  	v59 =	vld [tilespmem:$0x10560];
	v20 =	vadd.f32 v45, v44;
	[tilespmem:$0x10880] =	vst v60  }
0x243: {  	v61 =	vld [tilespmem:$0x10760];
	v22 =	vadd.f32 v23, v22;
	[tilespmem:$0x10890] =	vst v62  }
0x244: {  	v63 =	vld [tilespmem:$0x10570];
	v24 =	vadd.f32 v25, v24;
	[tilespmem:$0x108A0] =	vst v20  }
0x245: {  	v23 =	vld [tilespmem:$0x10580];
	v26 =	vadd.f32 v27, v26;
	[tilespmem:$0x108B0] =	vst v22  }
0x246: {  	v25 =	vld [tilespmem:$0x10780];
	v28 =	vadd.f32 v29, v28;
	[tilespmem:$0x108C0] =	vst v24  }
0x247: {  	v27 =	vld [tilespmem:$0x10590];
	v31 =	vadd.f32 v31, v30;
	[tilespmem:$0x108D0] =	vst v26  }
0x248: {  	v29 =	vld [tilespmem:$0x10790];
	v38 =	vadd.f32 v33, v32;
	[tilespmem:$0x108E0] =	vst v28  }
0x249: {  	v40 =	vadd.f32 v35, v34;
	v41 =	vld [tilespmem:$0x105B0];
	[tilespmem:$0x108F0] =	vst v31  }
0x24a: {  	v42 =	vadd.f32 v46, v36;
	v43 =	vld [tilespmem:$0x107B0];
	[tilespmem:$0x10900] =	vst v38  }
0x24b: {  	v45 =	vld [tilespmem:$0x105C0];
	[tilespmem:$0x10910] =	vst v40;
	v58 =	vadd.f32 v39, v37  }
0x24c: {  	[tilespmem:$0x10920] =	vst v42;
	v44 =	vadd.f32 v49, v47;
	v47 =	vld [tilespmem:$0x107C0]  }
0x24d: {  	[tilespmem:$0x109A0] =	vst v58;
	v46 =	vadd.f32 v53, v51;
	v49 =	vld [tilespmem:$0x105D0]  }
0x24e: {  	v48 =	vadd.f32 v57, v55;
	v51 =	vld [tilespmem:$0x107D0];
	[tilespmem:$0x10930] =	vst v44  }
0x24f: {  	v50 =	vadd.f32 v61, v59;
	v53 =	vld [tilespmem:$0x105E0];
	[tilespmem:$0x10940] =	vst v46  }
0x250: {  	v52 =	vadd.f32 v21, v63;
	v55 =	vld [tilespmem:$0x107E0];
	[tilespmem:$0x10950] =	vst v48  }
0x251: {  	v54 =	vadd.f32 v25, v23;
	v57 =	vld [tilespmem:$0x105F0];
	[tilespmem:$0x10960] =	vst v50  }
0x252: {  	v56 =	vadd.f32 v29, v27;
	v59 =	vld [tilespmem:$0x107F0];
	[tilespmem:$0x10970] =	vst v52  }
0x253: {  	v1 =	vadd.f32 v43, v41;
	[tilespmem:$0x10980] =	vst v54  }
0x254: {  	[tilespmem:$0x10990] =	vst v56;
	v60 =	vadd.f32 v47, v45  }
0x255: {  	[tilespmem:$0x109B0] =	vst v1;
	v61 =	vadd.f32 v51, v49  }
0x256: {  	v62 =	vadd.f32 v55, v53;
	[tilespmem:$0x109C0] =	vst v60  }
0x257: {  	v63 =	vadd.f32 v59, v57;
	[tilespmem:$0x109D0] =	vst v61  }
0x258: {  	[tilespmem:$0x109E0] =	vst v62  }
0x259: {  	s7 =	simm.s32 $0x10A00;
	[tilespmem:$0x109F0] =	vst v63  }
0x25a: {  	[hbm4b:s9+s4] =	stream.linear.scatter [tilespmem:s7], [sflag:$0xA], $0x10, $0x38;
	[tilespmem:$0x10A80] =	vst v63  }
0x25b: {  	s22 =	sadd.s32 $0x1, s22;
	_ =	swait.ge [sflag:s21], $0x10  }
0x25c: {  	p0 =	sne.s32 s22, s11;
	[sflag:s21] =	ssyncset.done $0x0  }
.Ltmp8:
0x25d: {  	s23 =	simm.s32 $0x10800;
	[sflag:s21] =	ssyncadd.s32 $0xFFFFFFF0;
	(pc) =	sbr.rel @p0 .LBB2_1-.Ltmp8, $4  }
0x25e: {  	[hbm4b:s10+s4] =	stream.linear.scatter [tilespmem:s23], [sflag:$0xA], $0x200, $0x38;
	[tilespmem:$0x10A80] =	vst v63  }
0x25f: {  	_ =	swait.ge [sflag:s21], $0x200  }
0x260: {  	[sflag:s21] =	ssyncset.done $0x0  }
0x261: {  	[sflag:s21] =	ssyncadd.s32 $0xFFFFFE00  }
0x262: {  	_ =	sfence.sel $0x180000  }
0x263: {  	[bflag:$0x0] =	sbarrier.arrive $0xFFFF  }
0x264: {  	_ =	strace $0x90000047  }
0x265: {  	s0 =	stileid.u32;
	[bflag:$0x2] =	sbarrier.arrive $0xFFFF  }
0x266: {  	p0 =	sne.s32 s0, $0x0;
	s0 =	rddreg [dreg:$0x4]  }
0x267: {  	s0 =	sadd.s32 @!p0 $0x100000, s0  }
0x268: {  	[sflag:s0] =	ssyncadd.tile.s32 @!p0 $0x1;
	_ =	shalt  }
.Lfunc_end2:
_tile_overlayer_lowered:
.L_overlay_start_2:
0x269: {  	(tag) =	ssettag $0x2  }
0x26a: {  	s0 =	rddreg [dreg:$0x0];
	s2 =	stileid.u32  }
0x26b: {  	s1 =	rddreg [dreg:$0x1];
	p0 =	sne.s32 s2, $0x0  }
0x26c: {  	s3 =	rddreg [dreg:$0x2];
	[bflag:$0x3] =	sbarrier.arrive $0xFFFF;
	s2 =	simm.s32 @!p0 $0x1C0A  }
0x26d: {  	[timem:s3], [sflag:s2] =	dma.local @!p0 [hbm:s0], s1  }
0x26e: {  	s0 =	simm.s32 @!p0 $0xA  }
0x26f: {  	_ =	swait.ge @!p0 [sflag:s0], s1  }
0x270: {  	s1 =	ssub.s32 @!p0 $0x0, s1;
	[sflag:s0] =	ssyncset.done @!p0 $0x0  }
0x271: {  	[sflag:s0] =	ssyncadd.s32 @!p0 s1  }
0x272: {  	[bflag:$0x3] =	sbarrier.arrive $0xFFFF  }
0x273: {  	_ =	shalt  }

</sc_bundles>
